<compile_context>
chip_gen: v7x
topology: tpu7x:2x2x1
jax: 0.10.2.dev20260603
libtpu: 0.0.44.dev20260713+nightly
codegen_flags: <defaults>
</compile_context>

<pallas_src>
import functools

import jax
import jax.numpy as jnp
from jax import lax
from jax.experimental import pallas as pl
from jax.experimental.pallas import tpu as pltpu
from jax.experimental.pallas import tpu_sc as plsc

N = 2048
NPROJ = 100
BS = 16
L = 16
M = N // L
NB = 64
NPASS = 6
TPW = NPROJ // 2
MININT = -2147483648


def _prep_body(x_ref, p_ref, proj_ref, w_ref):
    x = x_ref[0, 0]
    p = p_ref[...]
    x0 = x[0:1, :]
    x1 = x[1:2, :]
    x2 = x[2:3, :]
    proj_ref[0, 0] = p[:, 0:1] * x0 + p[:, 1:2] * x1 + p[:, 2:3] * x2
    s = (x1 + x0) ** 2
    w = s / jnp.sum(s + 1e-8)
    w_ref[0, 0] = jnp.broadcast_to(w, (8, N))


_prep = pl.pallas_call(
    _prep_body,
    grid=(2, BS),
    in_specs=[
        pl.BlockSpec((1, 1, 3, N), lambda g, s: (g, s, 0, 0)),
        pl.BlockSpec((NPROJ, 3), lambda g, s: (0, 0)),
    ],
    out_specs=[
        pl.BlockSpec((1, 1, NPROJ, N), lambda g, s: (g, s, 0, 0)),
        pl.BlockSpec((1, 1, 8, N), lambda g, s: (g, s, 0, 0)),
    ],
    out_shape=[
        jax.ShapeDtypeStruct((2, BS, NPROJ, N), jnp.float32),
        jax.ShapeDtypeStruct((2, BS, 8, N), jnp.float32),
    ],
)


def _shr_l(x, n):
    return lax.shift_right_logical(x, jnp.full((L,), n, jnp.int32))


def _shr_a(x, n):
    return lax.shift_right_arithmetic(x, jnp.full((L,), n, jnp.int32))


def _build_keys2(raw_u, raw_v, a_loc, b_loc, kA, pA, kC, pC):
    def body(i, c):
        sl = pl.ds(i * L, L)
        ku = lax.bitcast_convert_type(raw_u[sl], jnp.int32)
        kv = lax.bitcast_convert_type(raw_v[sl], jnp.int32)
        kA[sl] = ku ^ (_shr_a(ku, 31) | MININT)
        kC[sl] = kv ^ (_shr_a(kv, 31) | MININT)
        pA[sl] = a_loc[sl]
        pC[sl] = b_loc[sl]
        return c
    lax.fori_loop(0, M, body, 0)


def _radix_pass2(bufs, shift, last, hist_u, cnt_u, hist_v, cnt_v, lanes):
    (src_ku, src_pu, dst_ku, dst_pu, src_kv, src_pv, dst_kv, dst_pv) = bufs
    zero16 = jnp.zeros((L,), jnp.int32)
    ones16 = jnp.ones((L,), jnp.int32)

    def zero_body(i, c):
        sl = pl.ds(i * L, L)
        hist_u[sl] = zero16
        hist_v[sl] = zero16
        return c
    lax.fori_loop(0, NB, zero_body, 0)

    def hist_body(i, c):
        sl = pl.ds(i * L, L)
        iu = (_shr_l(src_ku[sl], shift) & (NB - 1)) * L + lanes
        iv = (_shr_l(src_kv[sl], shift) & (NB - 1)) * L + lanes
        hu = plsc.load_gather(hist_u, [iu])
        hv = plsc.load_gather(hist_v, [iv])
        plsc.store_scatter(hist_u, [iu], hu + ones16)
        plsc.store_scatter(hist_v, [iv], hv + ones16)
        return c
    lax.fori_loop(0, M, hist_body, 0)

    def scan_body(d, carry):
        cu, cv = carry
        sl = pl.ds(d * L, L)
        hu = hist_u[sl]
        hv = hist_v[sl]
        csu = jnp.cumsum(hu)
        csv = jnp.cumsum(hv)
        cnt_u[sl] = csu - hu + cu
        cnt_v[sl] = csv - hv + cv
        return (cu + csu[L - 1], cv + csv[L - 1])
    lax.fori_loop(0, NB, scan_body, (jnp.int32(0), jnp.int32(0)))

    def perm_body(i, c):
        sl = pl.ds(i * L, L)
        ku = src_ku[sl]
        pu = src_pu[sl]
        kv = src_kv[sl]
        pv = src_pv[sl]
        iu = (_shr_l(ku, shift) & (NB - 1)) * L + lanes
        iv = (_shr_l(kv, shift) & (NB - 1)) * L + lanes
        qu = plsc.load_gather(cnt_u, [iu])
        qv = plsc.load_gather(cnt_v, [iv])
        plsc.store_scatter(cnt_u, [iu], qu + 1)
        plsc.store_scatter(cnt_v, [iv], qv + 1)
        if last:
            au, av = qu, qv
        else:
            au = (qu & (M - 1)) * L + _shr_l(qu, 7)
            av = (qv & (M - 1)) * L + _shr_l(qv, 7)
        plsc.store_scatter(dst_ku, [au], ku)
        plsc.store_scatter(dst_pu, [au], pu)
        plsc.store_scatter(dst_kv, [av], kv)
        plsc.store_scatter(dst_pv, [av], pv)
        return c
    lax.fori_loop(0, M, perm_body, 0)


def _sort2(kA, pA, kB, pB, kC, pC, kD, pD, hist_u, cnt_u, hist_v, cnt_v, lanes):
    for pno in range(NPASS):
        if pno % 2 == 0:
            bufs = (kA, pA, kB, pB, kC, pC, kD, pD)
        else:
            bufs = (kB, pB, kA, pA, kD, pD, kC, pC)
        _radix_pass2(bufs, 6 * pno, pno == NPASS - 1,
                     hist_u, cnt_u, hist_v, cnt_v, lanes)


def _finish2(kA, pA, kC, pC, us, vs, u_pad, v_pad):
    zf = jnp.zeros((L,), jnp.float32)
    u_pad[pl.ds(0, L)] = zf
    v_pad[pl.ds(0, L)] = zf

    def body(i, carry):
        cu, cv = carry
        sl = pl.ds(i * L, L)
        sl1 = pl.ds(i * L + 1, L)
        yu = kA[sl]
        yv = kC[sl]
        us[sl] = lax.bitcast_convert_type(yu ^ (_shr_a(~yu, 31) | MININT), jnp.float32)
        vs[sl] = lax.bitcast_convert_type(yv ^ (_shr_a(~yv, 31) | MININT), jnp.float32)
        au = pA[sl]
        av = pC[sl]
        csu = jnp.cumsum(au) + cu
        csv = jnp.cumsum(av) + cv
        u_pad[sl1] = csu
        v_pad[sl1] = csv
        return (csu[L - 1], csv[L - 1])
    return lax.fori_loop(0, M, body, (jnp.float32(0.0), jnp.float32(0.0)))


def _clamp_last(cumpad, t_val, lanes):
    v = cumpad[pl.ds(N - L + 1, L)]
    cumpad[pl.ds(N - L + 1, L)] = jnp.where(lanes == L - 1, t_val, v)


def _build_c(vs, v_pad, c_pad):
    c_pad[pl.ds(0, L)] = jnp.zeros((L,), jnp.float32)

    def body(i, carry):
        vv = vs[pl.ds(i * L, L)]
        dv = v_pad[pl.ds(i * L + 1, L)] - v_pad[pl.ds(i * L, L)]
        pr = vv * dv
        cs = jnp.cumsum(pr) + carry
        c_pad[pl.ds(i * L + 1, L)] = cs
        return cs[L - 1]
    lax.fori_loop(0, M, body, jnp.float32(0.0))


def _search(u_pad, v_pad, c_pad, vs, g_pad):
    g_pad[pl.ds(0, L)] = jnp.zeros((L,), jnp.float32)
    zero_i = jnp.zeros((L,), jnp.int32)
    n_i = jnp.full((L,), N, jnp.int32)
    one_i = jnp.full((L,), 1, jnp.int32)

    def body(i, c):
        q1 = u_pad[pl.ds(2 * i * L + 1, L)]
        q2 = u_pad[pl.ds((2 * i + 1) * L + 1, L)]

        def bs(s, lh):
            lo1, hi1, lo2, hi2 = lh
            m1 = lax.shift_right_logical(lo1 + hi1, one_i)
            m2 = lax.shift_right_logical(lo2 + hi2, one_i)
            f1 = plsc.load_gather(v_pad, [m1 + 1])
            f2 = plsc.load_gather(v_pad, [m2 + 1])
            g1 = f1 < q1
            g2 = f2 < q2
            return (jnp.where(g1, m1 + 1, lo1), jnp.where(g1, hi1, m1),
                    jnp.where(g2, m2 + 1, lo2), jnp.where(g2, hi2, m2))
        lo1, _, lo2, _ = lax.fori_loop(0, 12, bs, (zero_i, n_i, zero_i, n_i))
        j1 = jnp.minimum(lo1, N - 1)
        j2 = jnp.minimum(lo2, N - 1)
        cp1 = plsc.load_gather(c_pad, [j1])
        cp2 = plsc.load_gather(c_pad, [j2])
        vp1 = plsc.load_gather(v_pad, [j1])
        vp2 = plsc.load_gather(v_pad, [j2])
        vj1 = plsc.load_gather(vs, [j1])
        vj2 = plsc.load_gather(vs, [j2])
        g_pad[pl.ds(2 * i * L + 1, L)] = cp1 + vj1 * (q1 - vp1)
        g_pad[pl.ds((2 * i + 1) * L + 1, L)] = cp2 + vj2 * (q2 - vp2)
        return c
    lax.fori_loop(0, M // 2, body, 0)


def _accum(us, vs, u_pad, v_pad, g_pad):
    def body(i, acc):
        uu = us[pl.ds(i * L, L)]
        vv = vs[pl.ds(i * L, L)]
        du = u_pad[pl.ds(i * L + 1, L)] - u_pad[pl.ds(i * L, L)]
        dv = v_pad[pl.ds(i * L + 1, L)] - v_pad[pl.ds(i * L, L)]
        dg = g_pad[pl.ds(i * L + 1, L)] - g_pad[pl.ds(i * L, L)]
        return acc + uu * uu * du + vv * vv * dv - 2.0 * uu * dg
    return lax.fori_loop(0, M, body, jnp.zeros((L,), jnp.float32))


@functools.lru_cache(maxsize=1)
def _make_sw_kernel():
    mesh = plsc.VectorSubcoreMesh(core_axis_name="c", subcore_axis_name="s")
    return functools.partial(
        pl.kernel,
        mesh=mesh,
        compiler_params=pltpu.CompilerParams(needs_layout_passes=False),
        out_type=jax.ShapeDtypeStruct((BS * NPROJ * L,), jnp.float32),
        scratch_types=[
        pltpu.VMEM((N,), jnp.float32),
        pltpu.VMEM((N,), jnp.float32),
        pltpu.VMEM((N,), jnp.int32),
        pltpu.VMEM((N,), jnp.float32),
        pltpu.VMEM((N,), jnp.int32),
        pltpu.VMEM((N,), jnp.float32),
        pltpu.VMEM((N,), jnp.int32),
        pltpu.VMEM((N,), jnp.float32),
        pltpu.VMEM((N,), jnp.int32),
        pltpu.VMEM((N,), jnp.float32),
        pltpu.VMEM((N,), jnp.float32),
        pltpu.VMEM((N,), jnp.float32),
        pltpu.VMEM((N + L,), jnp.float32),
        pltpu.VMEM((N + L,), jnp.float32),
        pltpu.VMEM((N + L,), jnp.float32),
        pltpu.VMEM((N + L,), jnp.float32),
        pltpu.VMEM((NB * L,), jnp.int32),
        pltpu.VMEM((NB * L,), jnp.int32),
        pltpu.VMEM((NB * L,), jnp.int32),
        pltpu.VMEM((NB * L,), jnp.int32),
        pltpu.VMEM((N,), jnp.float32),
        pltpu.VMEM((N,), jnp.float32),
        pltpu.VMEM((TPW * L,), jnp.float32),
        ],
    )(_sw_body)


def _sw_body(up_hbm, vp_hbm, a_hbm, b_hbm, out_hbm, raw_u, raw_v,
             kA, pA, kB, pB, kC, pC, kD, pD,
             us, vs, u_pad, v_pad, c_pad, g_pad,
             hist_u, cnt_u, hist_v, cnt_v, a_loc, b_loc, res):
    s_idx = lax.axis_index("s")
    half = lax.axis_index("c")
    t0 = s_idx * NPROJ + half * TPW
    lanes = lax.iota(jnp.int32, L)

    pltpu.sync_copy(a_hbm.at[s_idx * 8], a_loc)
    pltpu.sync_copy(b_hbm.at[s_idx * 8], b_loc)

    def task(k, c):
        t = t0 + k
        pltpu.sync_copy(up_hbm.at[t], raw_u)
        pltpu.sync_copy(vp_hbm.at[t], raw_v)
        _build_keys2(raw_u, raw_v, a_loc, b_loc, kA, pA, kC, pC)
        _sort2(kA, pA, kB, pB, kC, pC, kD, pD,
               hist_u, cnt_u, hist_v, cnt_v, lanes)
        tot_u, tot_v = _finish2(kA, pA, kC, pC, us, vs, u_pad, v_pad)

        t_val = jnp.maximum(tot_u, tot_v)
        _clamp_last(u_pad, t_val, lanes)
        _clamp_last(v_pad, t_val, lanes)
        _build_c(vs, v_pad, c_pad)
        _search(u_pad, v_pad, c_pad, vs, g_pad)
        res[pl.ds(k * L, L)] = _accum(us, vs, u_pad, v_pad, g_pad)
        return c
    lax.fori_loop(0, TPW, task, 0)
    pltpu.sync_copy(res, out_hbm.at[pl.ds(t0 * L, TPW * L)])


def kernel(set1, set2, projections):
    xt = jnp.stack([set1.transpose(0, 2, 1), set2.transpose(0, 2, 1)])
    proj, w = _prep(xt, projections.T)
    up = proj[0].reshape(BS * NPROJ, N)
    vp = proj[1].reshape(BS * NPROJ, N)
    a2 = w[0].reshape(BS * 8, N)
    b2 = w[1].reshape(BS * 8, N)
    out = _make_sw_kernel()(up, vp, a2, b2)
    per_task = out.reshape(BS, NPROJ, L).sum(-1)
    return jnp.sum(jnp.mean(per_task, axis=1) ** 0.5)

# --- scband reference (transcript-rebuilt; emitter-appended) ---
"""Pipeline reference for scband-sliced-wasserstein-49263274885624 (READ-ONLY COPY).

The authoritative reference and input builder live on the scoring server;
editing this copy changes nothing except your own understanding.
"""

import jax, jax.numpy as jnp
import numpy as np

N_PROJECTIONS = 100
P = 2.0


def setup_inputs(seed: int = 0) -> dict:
    key = jax.random.key(seed)
    k1, k2, k3 = jax.random.split(key, 3)
    bs, N, C = 16, 2048, 3
    set1 = jax.random.normal(k1, (bs, N, C), dtype=jnp.float32)
    set2 = jax.random.normal(k2, (bs, N, C), dtype=jnp.float32)
    projs = jax.random.normal(k3, (C, N_PROJECTIONS), dtype=jnp.float32)
    projs = projs / jnp.sqrt(jnp.sum(projs ** 2, axis=0, keepdims=True))
    return {"set1": set1, "set2": set2, "projections": projs}


def _quantile_function(qs, cws, xs):
    # POT-style quantile function: qs (K,), cws (n,) sorted cum-weights, xs (n,) sorted values
    n = xs.shape[0]
    idx = jnp.searchsorted(cws, qs, side='left')
    return xs[jnp.clip(idx, 0, n - 1)]


def _wasserstein_1d(u_values, v_values, u_weights, v_weights):
    # POT ot.lp.wasserstein_1d with general weights, p=P
    u_sorter = jnp.argsort(u_values)
    u_vals = u_values[u_sorter]
    u_w = u_weights[u_sorter]
    v_sorter = jnp.argsort(v_values)
    v_vals = v_values[v_sorter]
    v_w = v_weights[v_sorter]
    u_cum = jnp.cumsum(u_w)
    v_cum = jnp.cumsum(v_w)
    qs = jnp.sort(jnp.concatenate([u_cum, v_cum]))
    u_quant = _quantile_function(qs, u_cum, u_vals)
    v_quant = _quantile_function(qs, v_cum, v_vals)
    qs_pad = jnp.concatenate([jnp.zeros((1,), qs.dtype), qs])
    delta = qs_pad[1:] - qs_pad[:-1]
    diff = jnp.abs(u_quant - v_quant)
    return jnp.sum(delta * diff ** P)


def _sliced_wd(X_s, X_t, a, b, projections):
    # POT ot.sliced_wasserstein_distance with fixed projections, p=2
    Xs_p = X_s @ projections  # (N, n_proj)
    Xt_p = X_t @ projections
    res = jax.vmap(_wasserstein_1d, in_axes=(1, 1, None, None))(Xs_p, Xt_p, a, b)
    return jnp.mean(res) ** (1.0 / P)


def reference(set1, set2, projections):
    # set1, set2: (bs, N, C). Loop over batch -> vmap + sum (same math).
    def per_sample(val, pred):
        s1 = (val[:, 1] + val[:, 0]) ** 2
        a = jax.lax.stop_gradient(s1 / jnp.sum(s1 + 1e-08))  # .clone().detach()
        s2 = (pred[:, 1] + pred[:, 0]) ** 2
        b = jax.lax.stop_gradient(s2 / jnp.sum(s2 + 1e-08))
        return _sliced_wd(val, pred, a, b, projections)

    losses = jax.vmap(per_sample)(set1, set2)
    return jnp.sum(losses)

if __name__ == "__main__":
    import jax
    _d = setup_inputs()
    print(jax.jit(kernel)(*tuple(_d.values())))

</pallas_src>

<mosaic_0001>
#map = affine_map<(d0, d1) -> (0, 0)>
#map1 = affine_map<(d0, d1) -> (0)>
module attributes {stable_mosaic.version = 14 : i64} {
  func.func @_sw_body(%arg0: i32, %arg1: i32, %arg2: memref<1600x2048xf32, #tpu.memory_space<hbm>>, %arg3: memref<1600x2048xf32, #tpu.memory_space<hbm>>, %arg4: memref<128x2048xf32, #tpu.memory_space<hbm>>, %arg5: memref<128x2048xf32, #tpu.memory_space<hbm>>, %arg6: memref<25600xf32, #tpu.memory_space<hbm>>, %arg7: memref<2048xf32, #tpu.memory_space<vmem>>, %arg8: memref<2048xf32, #tpu.memory_space<vmem>>, %arg9: memref<2048xi32, #tpu.memory_space<vmem>>, %arg10: memref<2048xf32, #tpu.memory_space<vmem>>, %arg11: memref<2048xi32, #tpu.memory_space<vmem>>, %arg12: memref<2048xf32, #tpu.memory_space<vmem>>, %arg13: memref<2048xi32, #tpu.memory_space<vmem>>, %arg14: memref<2048xf32, #tpu.memory_space<vmem>>, %arg15: memref<2048xi32, #tpu.memory_space<vmem>>, %arg16: memref<2048xf32, #tpu.memory_space<vmem>>, %arg17: memref<2048xf32, #tpu.memory_space<vmem>>, %arg18: memref<2048xf32, #tpu.memory_space<vmem>>, %arg19: memref<2064xf32, #tpu.memory_space<vmem>>, %arg20: memref<2064xf32, #tpu.memory_space<vmem>>, %arg21: memref<2064xf32, #tpu.memory_space<vmem>>, %arg22: memref<2064xf32, #tpu.memory_space<vmem>>, %arg23: memref<1024xi32, #tpu.memory_space<vmem>>, %arg24: memref<1024xi32, #tpu.memory_space<vmem>>, %arg25: memref<1024xi32, #tpu.memory_space<vmem>>, %arg26: memref<1024xi32, #tpu.memory_space<vmem>>, %arg27: memref<2048xf32, #tpu.memory_space<vmem>>, %arg28: memref<2048xf32, #tpu.memory_space<vmem>>, %arg29: memref<800xf32, #tpu.memory_space<vmem>>) attributes {dimension_semantics = [#tpu.dimension_semantics<core_parallel>, #tpu.dimension_semantics<subcore_parallel>], iteration_bounds = array<i64: 2, 16>, scalar_prefetch = 0 : i64, scratch_operands = 23 : i64, tpu.core_type = #tpu.core_type<sc_vector_subcore>, window_params = [{transform_indices = #map}, {transform_indices = #map}, {transform_indices = #map}, {transform_indices = #map}, {transform_indices = #map1}]} {
    %mul3A = arith.constant 100 : i32
    %mul3A_0 = arith.muli %arg1, %mul3A : i32
    %mul3A_1 = arith.constant 50 : i32
    %mul3A_2 = arith.muli %arg0, %mul3A_1 : i32
    %add3A = arith.addi %mul3A_0, %mul3A_2 : i32
    %iota3A = tpu.iota {dimensions = array<i32: 0>} : vector<16xi32>
    %mul3A_3 = arith.constant 8 : i32
    %mul3A_4 = arith.muli %arg1, %mul3A_3 : i32
    "tpu.region"() ({
      %run_scoped3A = tpu.sem_alloc : memref<!tpu.dma_semaphore, #tpu.memory_space<semaphore_mem>>
      %dma_start3A = arith.constant 0 : i32
      %dma_start3A_14 = tpu.memref_slice %arg4[%mul3A_4, %dma_start3A] : memref<128x2048xf32, #tpu.memory_space<hbm>> -> memref<1x2048xf32, #tpu.memory_space<hbm>>
      %dma_start3A_15 = tpu.memref_squeeze %dma_start3A_14 : memref<1x2048xf32, #tpu.memory_space<hbm>> -> memref<2048xf32, #tpu.memory_space<hbm>>
      %dma_start3A_16 = arith.constant 0 : i32
      %dma_start3A_17 = tpu.memref_slice %arg4[%mul3A_4, %dma_start3A_16] : memref<128x2048xf32, #tpu.memory_space<hbm>> -> memref<1x2048xf32, #tpu.memory_space<hbm>>
      %dma_start3A_18 = tpu.memref_squeeze %dma_start3A_17 : memref<1x2048xf32, #tpu.memory_space<hbm>> -> memref<2048xf32, #tpu.memory_space<hbm>>
      tpu.enqueue_dma source(%dma_start3A_18 : memref<2048xf32, #tpu.memory_space<hbm>>) target(%arg27 : memref<2048xf32, #tpu.memory_space<vmem>>) target_semaphore(%run_scoped3A : memref<!tpu.dma_semaphore, #tpu.memory_space<semaphore_mem>>)
      %dma_wait3A = arith.constant 0 : i32
      %dma_wait3A_19 = tpu.memref_slice %arg4[%mul3A_4, %dma_wait3A] : memref<128x2048xf32, #tpu.memory_space<hbm>> -> memref<1x2048xf32, #tpu.memory_space<hbm>>
      %dma_wait3A_20 = tpu.memref_squeeze %dma_wait3A_19 : memref<1x2048xf32, #tpu.memory_space<hbm>> -> memref<2048xf32, #tpu.memory_space<hbm>>
      %dma_wait3A_21 = arith.constant 0 : i32
      %dma_wait3A_22 = tpu.memref_slice %arg4[%mul3A_4, %dma_wait3A_21] : memref<128x2048xf32, #tpu.memory_space<hbm>> -> memref<1x2048xf32, #tpu.memory_space<hbm>>
      %dma_wait3A_23 = tpu.memref_squeeze %dma_wait3A_22 : memref<1x2048xf32, #tpu.memory_space<hbm>> -> memref<2048xf32, #tpu.memory_space<hbm>>
      tpu.wait_dma2 semaphore(%run_scoped3A : memref<!tpu.dma_semaphore, #tpu.memory_space<semaphore_mem>>) src(%dma_wait3A_23 : memref<2048xf32, #tpu.memory_space<hbm>>) dst(%arg27 : memref<2048xf32, #tpu.memory_space<vmem>>)
      tpu.yield
    }) : () -> ()
    %mul3A_5 = arith.constant 8 : i32
    %mul3A_6 = arith.muli %arg1, %mul3A_5 : i32
    "tpu.region"() ({
      %run_scoped3A = tpu.sem_alloc : memref<!tpu.dma_semaphore, #tpu.memory_space<semaphore_mem>>
      %dma_start3A = arith.constant 0 : i32
      %dma_start3A_14 = tpu.memref_slice %arg5[%mul3A_6, %dma_start3A] : memref<128x2048xf32, #tpu.memory_space<hbm>> -> memref<1x2048xf32, #tpu.memory_space<hbm>>
      %dma_start3A_15 = tpu.memref_squeeze %dma_start3A_14 : memref<1x2048xf32, #tpu.memory_space<hbm>> -> memref<2048xf32, #tpu.memory_space<hbm>>
      %dma_start3A_16 = arith.constant 0 : i32
      %dma_start3A_17 = tpu.memref_slice %arg5[%mul3A_6, %dma_start3A_16] : memref<128x2048xf32, #tpu.memory_space<hbm>> -> memref<1x2048xf32, #tpu.memory_space<hbm>>
      %dma_start3A_18 = tpu.memref_squeeze %dma_start3A_17 : memref<1x2048xf32, #tpu.memory_space<hbm>> -> memref<2048xf32, #tpu.memory_space<hbm>>
      tpu.enqueue_dma source(%dma_start3A_18 : memref<2048xf32, #tpu.memory_space<hbm>>) target(%arg28 : memref<2048xf32, #tpu.memory_space<vmem>>) target_semaphore(%run_scoped3A : memref<!tpu.dma_semaphore, #tpu.memory_space<semaphore_mem>>)
      %dma_wait3A = arith.constant 0 : i32
      %dma_wait3A_19 = tpu.memref_slice %arg5[%mul3A_6, %dma_wait3A] : memref<128x2048xf32, #tpu.memory_space<hbm>> -> memref<1x2048xf32, #tpu.memory_space<hbm>>
      %dma_wait3A_20 = tpu.memref_squeeze %dma_wait3A_19 : memref<1x2048xf32, #tpu.memory_space<hbm>> -> memref<2048xf32, #tpu.memory_space<hbm>>
      %dma_wait3A_21 = arith.constant 0 : i32
      %dma_wait3A_22 = tpu.memref_slice %arg5[%mul3A_6, %dma_wait3A_21] : memref<128x2048xf32, #tpu.memory_space<hbm>> -> memref<1x2048xf32, #tpu.memory_space<hbm>>
      %dma_wait3A_23 = tpu.memref_squeeze %dma_wait3A_22 : memref<1x2048xf32, #tpu.memory_space<hbm>> -> memref<2048xf32, #tpu.memory_space<hbm>>
      tpu.wait_dma2 semaphore(%run_scoped3A : memref<!tpu.dma_semaphore, #tpu.memory_space<semaphore_mem>>) src(%dma_wait3A_23 : memref<2048xf32, #tpu.memory_space<hbm>>) dst(%arg28 : memref<2048xf32, #tpu.memory_space<vmem>>)
      tpu.yield
    }) : () -> ()
    %scan3A = arith.constant 0 : i32
    %scan3A_7 = arith.constant 0 : i32
    %scan3A_8 = arith.constant 50 : i32
    %scan3A_9 = arith.addi %scan3A_7, %scan3A_8 : i32
    %scan3A_10 = arith.constant 1 : i32
    scf.for %scan3A_14 = %scan3A_7 to %scan3A_9 step %scan3A_10  : i32 {
      %add3A_15 = arith.addi %add3A, %scan3A_14 : i32
      "tpu.region"() ({
        %run_scoped3A = tpu.sem_alloc : memref<!tpu.dma_semaphore, #tpu.memory_space<semaphore_mem>>
        %dma_start3A = arith.constant 0 : i32
        %dma_start3A_268 = tpu.memref_slice %arg2[%add3A_15, %dma_start3A] : memref<1600x2048xf32, #tpu.memory_space<hbm>> -> memref<1x2048xf32, #tpu.memory_space<hbm>>
        %dma_start3A_269 = tpu.memref_squeeze %dma_start3A_268 : memref<1x2048xf32, #tpu.memory_space<hbm>> -> memref<2048xf32, #tpu.memory_space<hbm>>
        %dma_start3A_270 = arith.constant 0 : i32
        %dma_start3A_271 = tpu.memref_slice %arg2[%add3A_15, %dma_start3A_270] : memref<1600x2048xf32, #tpu.memory_space<hbm>> -> memref<1x2048xf32, #tpu.memory_space<hbm>>
        %dma_start3A_272 = tpu.memref_squeeze %dma_start3A_271 : memref<1x2048xf32, #tpu.memory_space<hbm>> -> memref<2048xf32, #tpu.memory_space<hbm>>
        tpu.enqueue_dma source(%dma_start3A_272 : memref<2048xf32, #tpu.memory_space<hbm>>) target(%arg7 : memref<2048xf32, #tpu.memory_space<vmem>>) target_semaphore(%run_scoped3A : memref<!tpu.dma_semaphore, #tpu.memory_space<semaphore_mem>>)
        %dma_wait3A = arith.constant 0 : i32
        %dma_wait3A_273 = tpu.memref_slice %arg2[%add3A_15, %dma_wait3A] : memref<1600x2048xf32, #tpu.memory_space<hbm>> -> memref<1x2048xf32, #tpu.memory_space<hbm>>
        %dma_wait3A_274 = tpu.memref_squeeze %dma_wait3A_273 : memref<1x2048xf32, #tpu.memory_space<hbm>> -> memref<2048xf32, #tpu.memory_space<hbm>>
        %dma_wait3A_275 = arith.constant 0 : i32
        %dma_wait3A_276 = tpu.memref_slice %arg2[%add3A_15, %dma_wait3A_275] : memref<1600x2048xf32, #tpu.memory_space<hbm>> -> memref<1x2048xf32, #tpu.memory_space<hbm>>
        %dma_wait3A_277 = tpu.memref_squeeze %dma_wait3A_276 : memref<1x2048xf32, #tpu.memory_space<hbm>> -> memref<2048xf32, #tpu.memory_space<hbm>>
        tpu.wait_dma2 semaphore(%run_scoped3A : memref<!tpu.dma_semaphore, #tpu.memory_space<semaphore_mem>>) src(%dma_wait3A_277 : memref<2048xf32, #tpu.memory_space<hbm>>) dst(%arg7 : memref<2048xf32, #tpu.memory_space<vmem>>)
        tpu.yield
      }) : () -> ()
      "tpu.region"() ({
        %run_scoped3A = tpu.sem_alloc : memref<!tpu.dma_semaphore, #tpu.memory_space<semaphore_mem>>
        %dma_start3A = arith.constant 0 : i32
        %dma_start3A_268 = tpu.memref_slice %arg3[%add3A_15, %dma_start3A] : memref<1600x2048xf32, #tpu.memory_space<hbm>> -> memref<1x2048xf32, #tpu.memory_space<hbm>>
        %dma_start3A_269 = tpu.memref_squeeze %dma_start3A_268 : memref<1x2048xf32, #tpu.memory_space<hbm>> -> memref<2048xf32, #tpu.memory_space<hbm>>
        %dma_start3A_270 = arith.constant 0 : i32
        %dma_start3A_271 = tpu.memref_slice %arg3[%add3A_15, %dma_start3A_270] : memref<1600x2048xf32, #tpu.memory_space<hbm>> -> memref<1x2048xf32, #tpu.memory_space<hbm>>
        %dma_start3A_272 = tpu.memref_squeeze %dma_start3A_271 : memref<1x2048xf32, #tpu.memory_space<hbm>> -> memref<2048xf32, #tpu.memory_space<hbm>>
        tpu.enqueue_dma source(%dma_start3A_272 : memref<2048xf32, #tpu.memory_space<hbm>>) target(%arg8 : memref<2048xf32, #tpu.memory_space<vmem>>) target_semaphore(%run_scoped3A : memref<!tpu.dma_semaphore, #tpu.memory_space<semaphore_mem>>)
        %dma_wait3A = arith.constant 0 : i32
        %dma_wait3A_273 = tpu.memref_slice %arg3[%add3A_15, %dma_wait3A] : memref<1600x2048xf32, #tpu.memory_space<hbm>> -> memref<1x2048xf32, #tpu.memory_space<hbm>>
        %dma_wait3A_274 = tpu.memref_squeeze %dma_wait3A_273 : memref<1x2048xf32, #tpu.memory_space<hbm>> -> memref<2048xf32, #tpu.memory_space<hbm>>
        %dma_wait3A_275 = arith.constant 0 : i32
        %dma_wait3A_276 = tpu.memref_slice %arg3[%add3A_15, %dma_wait3A_275] : memref<1600x2048xf32, #tpu.memory_space<hbm>> -> memref<1x2048xf32, #tpu.memory_space<hbm>>
        %dma_wait3A_277 = tpu.memref_squeeze %dma_wait3A_276 : memref<1x2048xf32, #tpu.memory_space<hbm>> -> memref<2048xf32, #tpu.memory_space<hbm>>
        tpu.wait_dma2 semaphore(%run_scoped3A : memref<!tpu.dma_semaphore, #tpu.memory_space<semaphore_mem>>) src(%dma_wait3A_277 : memref<2048xf32, #tpu.memory_space<hbm>>) dst(%arg8 : memref<2048xf32, #tpu.memory_space<vmem>>)
        tpu.yield
      }) : () -> ()
      %scan3A_16 = arith.constant 0 : i32
      %scan3A_17 = arith.constant 0 : i32
      %scan3A_18 = arith.constant 128 : i32
      %scan3A_19 = arith.addi %scan3A_17, %scan3A_18 : i32
      %scan3A_20 = arith.constant 1 : i32
      scf.for %scan3A_268 = %scan3A_17 to %scan3A_19 step %scan3A_20  : i32 {
        %mul3A_269 = arith.constant 16 : i32
        %mul3A_270 = arith.muli %scan3A_268, %mul3A_269 : i32
        %get3A_271 = arith.index_cast %mul3A_270 : i32 to index
        %get3A_272 = tpu.vector_load %arg7[%get3A_271] {strides = array<i32>} : memref<2048xf32, #tpu.memory_space<vmem>>, vector<16xf32>,
        %bitcast_convert_type3A = tpu.bitcast %get3A_272 : vector<16xf32> -> vector<16xi32>
        %get3A_273 = arith.index_cast %mul3A_270 : i32 to index
        %get3A_274 = tpu.vector_load %arg8[%get3A_273] {strides = array<i32>} : memref<2048xf32, #tpu.memory_space<vmem>>, vector<16xf32>,
        %bitcast_convert_type3A_275 = tpu.bitcast %get3A_274 : vector<16xf32> -> vector<16xi32>
        %broadcast_in_dim3A_276 = arith.constant 31 : i32
        %broadcast_in_dim3A_277 = vector.broadcast %broadcast_in_dim3A_276 : i32 to vector<16xi32>
        %shift_right_arithmetic3A = arith.shrsi %bitcast_convert_type3A, %broadcast_in_dim3A_277 : vector<16xi32>
        %or3A = arith.constant -2147483648 : i32
        %or3A_278 = vector.broadcast %or3A : i32 to vector<16xi32>
        %or3A_279 = arith.ori %shift_right_arithmetic3A, %or3A_278 : vector<16xi32>
        %xor3A = arith.xori %bitcast_convert_type3A, %or3A_279 : vector<16xi32>
        %swap3A_280 = arith.index_cast %mul3A_270 : i32 to index
        %swap3A_281 = tpu.vector_load %arg9[%swap3A_280] {strides = array<i32>} : memref<2048xi32, #tpu.memory_space<vmem>>, vector<16xi32>,
        tpu.vector_store %arg9[%swap3A_280], %xor3A {strides = array<i32>} : memref<2048xi32, #tpu.memory_space<vmem>>, vector<16xi32>,
        %broadcast_in_dim3A_282 = arith.constant 31 : i32
        %broadcast_in_dim3A_283 = vector.broadcast %broadcast_in_dim3A_282 : i32 to vector<16xi32>
        %shift_right_arithmetic3A_284 = arith.shrsi %bitcast_convert_type3A_275, %broadcast_in_dim3A_283 : vector<16xi32>
        %or3A_285 = arith.constant -2147483648 : i32
        %or3A_286 = vector.broadcast %or3A_285 : i32 to vector<16xi32>
        %or3A_287 = arith.ori %shift_right_arithmetic3A_284, %or3A_286 : vector<16xi32>
        %xor3A_288 = arith.xori %bitcast_convert_type3A_275, %or3A_287 : vector<16xi32>
        %swap3A_289 = arith.index_cast %mul3A_270 : i32 to index
        %swap3A_290 = tpu.vector_load %arg13[%swap3A_289] {strides = array<i32>} : memref<2048xi32, #tpu.memory_space<vmem>>, vector<16xi32>,
        tpu.vector_store %arg13[%swap3A_289], %xor3A_288 {strides = array<i32>} : memref<2048xi32, #tpu.memory_space<vmem>>, vector<16xi32>,
        %get3A_291 = arith.index_cast %mul3A_270 : i32 to index
        %get3A_292 = tpu.vector_load %arg27[%get3A_291] {strides = array<i32>} : memref<2048xf32, #tpu.memory_space<vmem>>, vector<16xf32>,
        %swap3A_293 = arith.index_cast %mul3A_270 : i32 to index
        %swap3A_294 = tpu.vector_load %arg10[%swap3A_293] {strides = array<i32>} : memref<2048xf32, #tpu.memory_space<vmem>>, vector<16xf32>,
        tpu.vector_store %arg10[%swap3A_293], %get3A_292 {strides = array<i32>} : memref<2048xf32, #tpu.memory_space<vmem>>, vector<16xf32>,
        %get3A_295 = arith.index_cast %mul3A_270 : i32 to index
        %get3A_296 = tpu.vector_load %arg28[%get3A_295] {strides = array<i32>} : memref<2048xf32, #tpu.memory_space<vmem>>, vector<16xf32>,
        %swap3A_297 = arith.index_cast %mul3A_270 : i32 to index
        %swap3A_298 = tpu.vector_load %arg14[%swap3A_297] {strides = array<i32>} : memref<2048xf32, #tpu.memory_space<vmem>>, vector<16xf32>,
        tpu.vector_store %arg14[%swap3A_297], %get3A_296 {strides = array<i32>} : memref<2048xf32, #tpu.memory_space<vmem>>, vector<16xf32>,
      }
      %scan3A_21 = arith.constant 128 : i32
      %broadcast_in_dim3A = arith.constant 0 : i32
      %broadcast_in_dim3A_22 = vector.broadcast %broadcast_in_dim3A : i32 to vector<16xi32>
      %broadcast_in_dim3A_23 = arith.constant 1 : i32
      %broadcast_in_dim3A_24 = vector.broadcast %broadcast_in_dim3A_23 : i32 to vector<16xi32>
      %scan3A_25 = arith.constant 0 : i32
      %scan3A_26 = arith.constant 0 : i32
      %scan3A_27 = arith.constant 64 : i32
      %scan3A_28 = arith.addi %scan3A_26, %scan3A_27 : i32
      %scan3A_29 = arith.constant 1 : i32
      scf.for %scan3A_268 = %scan3A_26 to %scan3A_28 step %scan3A_29  : i32 {
        %mul3A_269 = arith.constant 16 : i32
        %mul3A_270 = arith.muli %scan3A_268, %mul3A_269 : i32
        %swap3A_271 = arith.index_cast %mul3A_270 : i32 to index
        %swap3A_272 = tpu.vector_load %arg23[%swap3A_271] {strides = array<i32>} : memref<1024xi32, #tpu.memory_space<vmem>>, vector<16xi32>,
        tpu.vector_store %arg23[%swap3A_271], %broadcast_in_dim3A_22 {strides = array<i32>} : memref<1024xi32, #tpu.memory_space<vmem>>, vector<16xi32>,
        %swap3A_273 = arith.index_cast %mul3A_270 : i32 to index
        %swap3A_274 = tpu.vector_load %arg25[%swap3A_273] {strides = array<i32>} : memref<1024xi32, #tpu.memory_space<vmem>>, vector<16xi32>,
        tpu.vector_store %arg25[%swap3A_273], %broadcast_in_dim3A_22 {strides = array<i32>} : memref<1024xi32, #tpu.memory_space<vmem>>, vector<16xi32>,
      }
      %scan3A_30 = arith.constant 64 : i32
      %scan3A_31 = arith.constant 0 : i32
      %scan3A_32 = arith.constant 0 : i32
      %scan3A_33 = arith.constant 128 : i32
      %scan3A_34 = arith.addi %scan3A_32, %scan3A_33 : i32
      %scan3A_35 = arith.constant 1 : i32
      scf.for %scan3A_268 = %scan3A_32 to %scan3A_34 step %scan3A_35  : i32 {
        %mul3A_269 = arith.constant 16 : i32
        %mul3A_270 = arith.muli %scan3A_268, %mul3A_269 : i32
        %get3A_271 = arith.index_cast %mul3A_270 : i32 to index
        %get3A_272 = tpu.vector_load %arg9[%get3A_271] {strides = array<i32>} : memref<2048xi32, #tpu.memory_space<vmem>>, vector<16xi32>,
        %broadcast_in_dim3A_273 = arith.constant 0 : i32
        %broadcast_in_dim3A_274 = vector.broadcast %broadcast_in_dim3A_273 : i32 to vector<16xi32>
        %shift_right_logical3A = arith.shrui %get3A_272, %broadcast_in_dim3A_274 : vector<16xi32>
        %and3A = arith.constant 63 : i32
        %and3A_275 = vector.broadcast %and3A : i32 to vector<16xi32>
        %and3A_276 = arith.andi %shift_right_logical3A, %and3A_275 : vector<16xi32>
        %mul3A_277 = arith.constant 16 : i32
        %mul3A_278 = vector.broadcast %mul3A_277 : i32 to vector<16xi32>
        %mul3A_279 = arith.muli %and3A_276, %mul3A_278 : vector<16xi32>
        %add3A_280 = arith.addi %mul3A_279, %iota3A : vector<16xi32>
        %get3A_281 = arith.index_cast %mul3A_270 : i32 to index
        %get3A_282 = tpu.vector_load %arg13[%get3A_281] {strides = array<i32>} : memref<2048xi32, #tpu.memory_space<vmem>>, vector<16xi32>,
        %broadcast_in_dim3A_283 = arith.constant 0 : i32
        %broadcast_in_dim3A_284 = vector.broadcast %broadcast_in_dim3A_283 : i32 to vector<16xi32>
        %shift_right_logical3A_285 = arith.shrui %get3A_282, %broadcast_in_dim3A_284 : vector<16xi32>
        %and3A_286 = arith.constant 63 : i32
        %and3A_287 = vector.broadcast %and3A_286 : i32 to vector<16xi32>
        %and3A_288 = arith.andi %shift_right_logical3A_285, %and3A_287 : vector<16xi32>
        %mul3A_289 = arith.constant 16 : i32
        %mul3A_290 = vector.broadcast %mul3A_289 : i32 to vector<16xi32>
        %mul3A_291 = arith.muli %and3A_288, %mul3A_290 : vector<16xi32>
        %add3A_292 = arith.addi %mul3A_291, %iota3A : vector<16xi32>
        %gather3A = tpu.vector_load_idx %arg23[%add3A_280] : memref<1024xi32, #tpu.memory_space<vmem>>[vector<16xi32>], vector<16xi32>,
        %gather3A_293 = tpu.vector_load_idx %arg25[%add3A_292] : memref<1024xi32, #tpu.memory_space<vmem>>[vector<16xi32>], vector<16xi32>,
        %add3A_294 = arith.addi %gather3A, %broadcast_in_dim3A_24 : vector<16xi32>
        tpu.vector_store_idx %arg23[%add3A_280], %add3A_294 : memref<1024xi32, #tpu.memory_space<vmem>>[vector<16xi32>], vector<16xi32>,
        %add3A_295 = arith.addi %gather3A_293, %broadcast_in_dim3A_24 : vector<16xi32>
        tpu.vector_store_idx %arg25[%add3A_292], %add3A_295 : memref<1024xi32, #tpu.memory_space<vmem>>[vector<16xi32>], vector<16xi32>,
      }
      %scan3A_36 = arith.constant 128 : i32
      %scan3A_37 = arith.constant 0 : i32
      %scan3A_38 = arith.constant 0 : i32
      %scan3A_39 = arith.constant 0 : i32
      %scan3A_40 = arith.constant 64 : i32
      %scan3A_41 = arith.addi %scan3A_39, %scan3A_40 : i32
      %scan3A_42 = arith.constant 1 : i32
      %scan3A_43:2 = scf.for %scan3A_268 = %scan3A_39 to %scan3A_41 step %scan3A_42 iter_args(%scan3A_269 = %scan3A_37, %scan3A_270 = %scan3A_38) -> (i32, i32)  : i32 {
        %mul3A_271 = arith.constant 16 : i32
        %mul3A_272 = arith.muli %scan3A_268, %mul3A_271 : i32
        %get3A_273 = arith.index_cast %mul3A_272 : i32 to index
        %get3A_274 = tpu.vector_load %arg23[%get3A_273] {strides = array<i32>} : memref<1024xi32, #tpu.memory_space<vmem>>, vector<16xi32>,
        %get3A_275 = arith.index_cast %mul3A_272 : i32 to index
        %get3A_276 = tpu.vector_load %arg25[%get3A_275] {strides = array<i32>} : memref<1024xi32, #tpu.memory_space<vmem>>, vector<16xi32>,
        %cumsum3A = arith.constant true
        %cumsum3A_277 = vector.broadcast %cumsum3A : i1 to vector<16xi1>
        %cumsum3A_278 = tpu.scan <sum>, %get3A_274 masked %cumsum3A_277 : vector<16xi32>, vector<16xi1> -> vector<16xi32>
        %cumsum3A_279 = arith.constant true
        %cumsum3A_280 = vector.broadcast %cumsum3A_279 : i1 to vector<16xi1>
        %cumsum3A_281 = tpu.scan <sum>, %get3A_276 masked %cumsum3A_280 : vector<16xi32>, vector<16xi1> -> vector<16xi32>
        %sub3A = arith.subi %cumsum3A_278, %get3A_274 : vector<16xi32>
        %add3A_282 = vector.broadcast %scan3A_269 : i32 to vector<16xi32>
        %add3A_283 = arith.addi %sub3A, %add3A_282 : vector<16xi32>
        %swap3A_284 = arith.index_cast %mul3A_272 : i32 to index
        %swap3A_285 = tpu.vector_load %arg24[%swap3A_284] {strides = array<i32>} : memref<1024xi32, #tpu.memory_space<vmem>>, vector<16xi32>,
        tpu.vector_store %arg24[%swap3A_284], %add3A_283 {strides = array<i32>} : memref<1024xi32, #tpu.memory_space<vmem>>, vector<16xi32>,
        %sub3A_286 = arith.subi %cumsum3A_281, %get3A_276 : vector<16xi32>
        %add3A_287 = vector.broadcast %scan3A_270 : i32 to vector<16xi32>
        %add3A_288 = arith.addi %sub3A_286, %add3A_287 : vector<16xi32>
        %swap3A_289 = arith.index_cast %mul3A_272 : i32 to index
        %swap3A_290 = tpu.vector_load %arg26[%swap3A_289] {strides = array<i32>} : memref<1024xi32, #tpu.memory_space<vmem>>, vector<16xi32>,
        tpu.vector_store %arg26[%swap3A_289], %add3A_288 {strides = array<i32>} : memref<1024xi32, #tpu.memory_space<vmem>>, vector<16xi32>,
        %slice3A = vector.extract_strided_slice %cumsum3A_278 {offsets = [15], sizes = [1], strides = [1]} : vector<16xi32> to vector<1xi32>
        %squeeze3A = vector.extract %slice3A[0] : i32 from vector<1xi32>
        %add3A_291 = arith.addi %scan3A_269, %squeeze3A : i32
        %slice3A_292 = vector.extract_strided_slice %cumsum3A_281 {offsets = [15], sizes = [1], strides = [1]} : vector<16xi32> to vector<1xi32>
        %squeeze3A_293 = vector.extract %slice3A_292[0] : i32 from vector<1xi32>
        %add3A_294 = arith.addi %scan3A_270, %squeeze3A_293 : i32
        scf.yield %add3A_291, %add3A_294 : i32, i32
      }
      %scan3A_44 = arith.constant 64 : i32
      %scan3A_45 = arith.constant 0 : i32
      %scan3A_46 = arith.constant 0 : i32
      %scan3A_47 = arith.constant 128 : i32
      %scan3A_48 = arith.addi %scan3A_46, %scan3A_47 : i32
      %scan3A_49 = arith.constant 1 : i32
      scf.for %scan3A_268 = %scan3A_46 to %scan3A_48 step %scan3A_49  : i32 {
        %mul3A_269 = arith.constant 16 : i32
        %mul3A_270 = arith.muli %scan3A_268, %mul3A_269 : i32
        %get3A_271 = arith.index_cast %mul3A_270 : i32 to index
        %get3A_272 = tpu.vector_load %arg9[%get3A_271] {strides = array<i32>} : memref<2048xi32, #tpu.memory_space<vmem>>, vector<16xi32>,
        %get3A_273 = arith.index_cast %mul3A_270 : i32 to index
        %get3A_274 = tpu.vector_load %arg10[%get3A_273] {strides = array<i32>} : memref<2048xf32, #tpu.memory_space<vmem>>, vector<16xf32>,
        %get3A_275 = arith.index_cast %mul3A_270 : i32 to index
        %get3A_276 = tpu.vector_load %arg13[%get3A_275] {strides = array<i32>} : memref<2048xi32, #tpu.memory_space<vmem>>, vector<16xi32>,
        %get3A_277 = arith.index_cast %mul3A_270 : i32 to index
        %get3A_278 = tpu.vector_load %arg14[%get3A_277] {strides = array<i32>} : memref<2048xf32, #tpu.memory_space<vmem>>, vector<16xf32>,
        %broadcast_in_dim3A_279 = arith.constant 0 : i32
        %broadcast_in_dim3A_280 = vector.broadcast %broadcast_in_dim3A_279 : i32 to vector<16xi32>
        %shift_right_logical3A = arith.shrui %get3A_272, %broadcast_in_dim3A_280 : vector<16xi32>
        %and3A = arith.constant 63 : i32
        %and3A_281 = vector.broadcast %and3A : i32 to vector<16xi32>
        %and3A_282 = arith.andi %shift_right_logical3A, %and3A_281 : vector<16xi32>
        %mul3A_283 = arith.constant 16 : i32
        %mul3A_284 = vector.broadcast %mul3A_283 : i32 to vector<16xi32>
        %mul3A_285 = arith.muli %and3A_282, %mul3A_284 : vector<16xi32>
        %add3A_286 = arith.addi %mul3A_285, %iota3A : vector<16xi32>
        %broadcast_in_dim3A_287 = arith.constant 0 : i32
        %broadcast_in_dim3A_288 = vector.broadcast %broadcast_in_dim3A_287 : i32 to vector<16xi32>
        %shift_right_logical3A_289 = arith.shrui %get3A_276, %broadcast_in_dim3A_288 : vector<16xi32>
        %and3A_290 = arith.constant 63 : i32
        %and3A_291 = vector.broadcast %and3A_290 : i32 to vector<16xi32>
        %and3A_292 = arith.andi %shift_right_logical3A_289, %and3A_291 : vector<16xi32>
        %mul3A_293 = arith.constant 16 : i32
        %mul3A_294 = vector.broadcast %mul3A_293 : i32 to vector<16xi32>
        %mul3A_295 = arith.muli %and3A_292, %mul3A_294 : vector<16xi32>
        %add3A_296 = arith.addi %mul3A_295, %iota3A : vector<16xi32>
        %gather3A = tpu.vector_load_idx %arg24[%add3A_286] : memref<1024xi32, #tpu.memory_space<vmem>>[vector<16xi32>], vector<16xi32>,
        %gather3A_297 = tpu.vector_load_idx %arg26[%add3A_296] : memref<1024xi32, #tpu.memory_space<vmem>>[vector<16xi32>], vector<16xi32>,
        %add3A_298 = arith.constant 1 : i32
        %add3A_299 = vector.broadcast %add3A_298 : i32 to vector<16xi32>
        %add3A_300 = arith.addi %gather3A, %add3A_299 : vector<16xi32>
        tpu.vector_store_idx %arg24[%add3A_286], %add3A_300 : memref<1024xi32, #tpu.memory_space<vmem>>[vector<16xi32>], vector<16xi32>,
        %add3A_301 = arith.constant 1 : i32
        %add3A_302 = vector.broadcast %add3A_301 : i32 to vector<16xi32>
        %add3A_303 = arith.addi %gather3A_297, %add3A_302 : vector<16xi32>
        tpu.vector_store_idx %arg26[%add3A_296], %add3A_303 : memref<1024xi32, #tpu.memory_space<vmem>>[vector<16xi32>], vector<16xi32>,
        %and3A_304 = arith.constant 127 : i32
        %and3A_305 = vector.broadcast %and3A_304 : i32 to vector<16xi32>
        %and3A_306 = arith.andi %gather3A, %and3A_305 : vector<16xi32>
        %mul3A_307 = arith.constant 16 : i32
        %mul3A_308 = vector.broadcast %mul3A_307 : i32 to vector<16xi32>
        %mul3A_309 = arith.muli %and3A_306, %mul3A_308 : vector<16xi32>
        %broadcast_in_dim3A_310 = arith.constant 7 : i32
        %broadcast_in_dim3A_311 = vector.broadcast %broadcast_in_dim3A_310 : i32 to vector<16xi32>
        %shift_right_logical3A_312 = arith.shrui %gather3A, %broadcast_in_dim3A_311 : vector<16xi32>
        %add3A_313 = arith.addi %mul3A_309, %shift_right_logical3A_312 : vector<16xi32>
        %and3A_314 = arith.constant 127 : i32
        %and3A_315 = vector.broadcast %and3A_314 : i32 to vector<16xi32>
        %and3A_316 = arith.andi %gather3A_297, %and3A_315 : vector<16xi32>
        %mul3A_317 = arith.constant 16 : i32
        %mul3A_318 = vector.broadcast %mul3A_317 : i32 to vector<16xi32>
        %mul3A_319 = arith.muli %and3A_316, %mul3A_318 : vector<16xi32>
        %broadcast_in_dim3A_320 = arith.constant 7 : i32
        %broadcast_in_dim3A_321 = vector.broadcast %broadcast_in_dim3A_320 : i32 to vector<16xi32>
        %shift_right_logical3A_322 = arith.shrui %gather3A_297, %broadcast_in_dim3A_321 : vector<16xi32>
        %add3A_323 = arith.addi %mul3A_319, %shift_right_logical3A_322 : vector<16xi32>
        tpu.vector_store_idx %arg11[%add3A_313], %get3A_272 : memref<2048xi32, #tpu.memory_space<vmem>>[vector<16xi32>], vector<16xi32>,
        tpu.vector_store_idx %arg12[%add3A_313], %get3A_274 : memref<2048xf32, #tpu.memory_space<vmem>>[vector<16xi32>], vector<16xf32>,
        tpu.vector_store_idx %arg15[%add3A_323], %get3A_276 : memref<2048xi32, #tpu.memory_space<vmem>>[vector<16xi32>], vector<16xi32>,
        tpu.vector_store_idx %arg16[%add3A_323], %get3A_278 : memref<2048xf32, #tpu.memory_space<vmem>>[vector<16xi32>], vector<16xf32>,
      }
      %scan3A_50 = arith.constant 128 : i32
      %broadcast_in_dim3A_51 = arith.constant 0 : i32
      %broadcast_in_dim3A_52 = vector.broadcast %broadcast_in_dim3A_51 : i32 to vector<16xi32>
      %broadcast_in_dim3A_53 = arith.constant 1 : i32
      %broadcast_in_dim3A_54 = vector.broadcast %broadcast_in_dim3A_53 : i32 to vector<16xi32>
      %scan3A_55 = arith.constant 0 : i32
      %scan3A_56 = arith.constant 0 : i32
      %scan3A_57 = arith.constant 64 : i32
      %scan3A_58 = arith.addi %scan3A_56, %scan3A_57 : i32
      %scan3A_59 = arith.constant 1 : i32
      scf.for %scan3A_268 = %scan3A_56 to %scan3A_58 step %scan3A_59  : i32 {
        %mul3A_269 = arith.constant 16 : i32
        %mul3A_270 = arith.muli %scan3A_268, %mul3A_269 : i32
        %swap3A_271 = arith.index_cast %mul3A_270 : i32 to index
        %swap3A_272 = tpu.vector_load %arg23[%swap3A_271] {strides = array<i32>} : memref<1024xi32, #tpu.memory_space<vmem>>, vector<16xi32>,
        tpu.vector_store %arg23[%swap3A_271], %broadcast_in_dim3A_52 {strides = array<i32>} : memref<1024xi32, #tpu.memory_space<vmem>>, vector<16xi32>,
        %swap3A_273 = arith.index_cast %mul3A_270 : i32 to index
        %swap3A_274 = tpu.vector_load %arg25[%swap3A_273] {strides = array<i32>} : memref<1024xi32, #tpu.memory_space<vmem>>, vector<16xi32>,
        tpu.vector_store %arg25[%swap3A_273], %broadcast_in_dim3A_52 {strides = array<i32>} : memref<1024xi32, #tpu.memory_space<vmem>>, vector<16xi32>,
      }
      %scan3A_60 = arith.constant 64 : i32
      %scan3A_61 = arith.constant 0 : i32
      %scan3A_62 = arith.constant 0 : i32
      %scan3A_63 = arith.constant 128 : i32
      %scan3A_64 = arith.addi %scan3A_62, %scan3A_63 : i32
      %scan3A_65 = arith.constant 1 : i32
      scf.for %scan3A_268 = %scan3A_62 to %scan3A_64 step %scan3A_65  : i32 {
        %mul3A_269 = arith.constant 16 : i32
        %mul3A_270 = arith.muli %scan3A_268, %mul3A_269 : i32
        %get3A_271 = arith.index_cast %mul3A_270 : i32 to index
        %get3A_272 = tpu.vector_load %arg11[%get3A_271] {strides = array<i32>} : memref<2048xi32, #tpu.memory_space<vmem>>, vector<16xi32>,
        %broadcast_in_dim3A_273 = arith.constant 6 : i32
        %broadcast_in_dim3A_274 = vector.broadcast %broadcast_in_dim3A_273 : i32 to vector<16xi32>
        %shift_right_logical3A = arith.shrui %get3A_272, %broadcast_in_dim3A_274 : vector<16xi32>
        %and3A = arith.constant 63 : i32
        %and3A_275 = vector.broadcast %and3A : i32 to vector<16xi32>
        %and3A_276 = arith.andi %shift_right_logical3A, %and3A_275 : vector<16xi32>
        %mul3A_277 = arith.constant 16 : i32
        %mul3A_278 = vector.broadcast %mul3A_277 : i32 to vector<16xi32>
        %mul3A_279 = arith.muli %and3A_276, %mul3A_278 : vector<16xi32>
        %add3A_280 = arith.addi %mul3A_279, %iota3A : vector<16xi32>
        %get3A_281 = arith.index_cast %mul3A_270 : i32 to index
        %get3A_282 = tpu.vector_load %arg15[%get3A_281] {strides = array<i32>} : memref<2048xi32, #tpu.memory_space<vmem>>, vector<16xi32>,
        %broadcast_in_dim3A_283 = arith.constant 6 : i32
        %broadcast_in_dim3A_284 = vector.broadcast %broadcast_in_dim3A_283 : i32 to vector<16xi32>
        %shift_right_logical3A_285 = arith.shrui %get3A_282, %broadcast_in_dim3A_284 : vector<16xi32>
        %and3A_286 = arith.constant 63 : i32
        %and3A_287 = vector.broadcast %and3A_286 : i32 to vector<16xi32>
        %and3A_288 = arith.andi %shift_right_logical3A_285, %and3A_287 : vector<16xi32>
        %mul3A_289 = arith.constant 16 : i32
        %mul3A_290 = vector.broadcast %mul3A_289 : i32 to vector<16xi32>
        %mul3A_291 = arith.muli %and3A_288, %mul3A_290 : vector<16xi32>
        %add3A_292 = arith.addi %mul3A_291, %iota3A : vector<16xi32>
        %gather3A = tpu.vector_load_idx %arg23[%add3A_280] : memref<1024xi32, #tpu.memory_space<vmem>>[vector<16xi32>], vector<16xi32>,
        %gather3A_293 = tpu.vector_load_idx %arg25[%add3A_292] : memref<1024xi32, #tpu.memory_space<vmem>>[vector<16xi32>], vector<16xi32>,
        %add3A_294 = arith.addi %gather3A, %broadcast_in_dim3A_54 : vector<16xi32>
        tpu.vector_store_idx %arg23[%add3A_280], %add3A_294 : memref<1024xi32, #tpu.memory_space<vmem>>[vector<16xi32>], vector<16xi32>,
        %add3A_295 = arith.addi %gather3A_293, %broadcast_in_dim3A_54 : vector<16xi32>
        tpu.vector_store_idx %arg25[%add3A_292], %add3A_295 : memref<1024xi32, #tpu.memory_space<vmem>>[vector<16xi32>], vector<16xi32>,
      }
      %scan3A_66 = arith.constant 128 : i32
      %scan3A_67 = arith.constant 0 : i32
      %scan3A_68 = arith.constant 0 : i32
      %scan3A_69 = arith.constant 0 : i32
      %scan3A_70 = arith.constant 64 : i32
      %scan3A_71 = arith.addi %scan3A_69, %scan3A_70 : i32
      %scan3A_72 = arith.constant 1 : i32
      %scan3A_73:2 = scf.for %scan3A_268 = %scan3A_69 to %scan3A_71 step %scan3A_72 iter_args(%scan3A_269 = %scan3A_67, %scan3A_270 = %scan3A_68) -> (i32, i32)  : i32 {
        %mul3A_271 = arith.constant 16 : i32
        %mul3A_272 = arith.muli %scan3A_268, %mul3A_271 : i32
        %get3A_273 = arith.index_cast %mul3A_272 : i32 to index
        %get3A_274 = tpu.vector_load %arg23[%get3A_273] {strides = array<i32>} : memref<1024xi32, #tpu.memory_space<vmem>>, vector<16xi32>,
        %get3A_275 = arith.index_cast %mul3A_272 : i32 to index
        %get3A_276 = tpu.vector_load %arg25[%get3A_275] {strides = array<i32>} : memref<1024xi32, #tpu.memory_space<vmem>>, vector<16xi32>,
        %cumsum3A = arith.constant true
        %cumsum3A_277 = vector.broadcast %cumsum3A : i1 to vector<16xi1>
        %cumsum3A_278 = tpu.scan <sum>, %get3A_274 masked %cumsum3A_277 : vector<16xi32>, vector<16xi1> -> vector<16xi32>
        %cumsum3A_279 = arith.constant true
        %cumsum3A_280 = vector.broadcast %cumsum3A_279 : i1 to vector<16xi1>
        %cumsum3A_281 = tpu.scan <sum>, %get3A_276 masked %cumsum3A_280 : vector<16xi32>, vector<16xi1> -> vector<16xi32>
        %sub3A = arith.subi %cumsum3A_278, %get3A_274 : vector<16xi32>
        %add3A_282 = vector.broadcast %scan3A_269 : i32 to vector<16xi32>
        %add3A_283 = arith.addi %sub3A, %add3A_282 : vector<16xi32>
        %swap3A_284 = arith.index_cast %mul3A_272 : i32 to index
        %swap3A_285 = tpu.vector_load %arg24[%swap3A_284] {strides = array<i32>} : memref<1024xi32, #tpu.memory_space<vmem>>, vector<16xi32>,
        tpu.vector_store %arg24[%swap3A_284], %add3A_283 {strides = array<i32>} : memref<1024xi32, #tpu.memory_space<vmem>>, vector<16xi32>,
        %sub3A_286 = arith.subi %cumsum3A_281, %get3A_276 : vector<16xi32>
        %add3A_287 = vector.broadcast %scan3A_270 : i32 to vector<16xi32>
        %add3A_288 = arith.addi %sub3A_286, %add3A_287 : vector<16xi32>
        %swap3A_289 = arith.index_cast %mul3A_272 : i32 to index
        %swap3A_290 = tpu.vector_load %arg26[%swap3A_289] {strides = array<i32>} : memref<1024xi32, #tpu.memory_space<vmem>>, vector<16xi32>,
        tpu.vector_store %arg26[%swap3A_289], %add3A_288 {strides = array<i32>} : memref<1024xi32, #tpu.memory_space<vmem>>, vector<16xi32>,
        %slice3A = vector.extract_strided_slice %cumsum3A_278 {offsets = [15], sizes = [1], strides = [1]} : vector<16xi32> to vector<1xi32>
        %squeeze3A = vector.extract %slice3A[0] : i32 from vector<1xi32>
        %add3A_291 = arith.addi %scan3A_269, %squeeze3A : i32
        %slice3A_292 = vector.extract_strided_slice %cumsum3A_281 {offsets = [15], sizes = [1], strides = [1]} : vector<16xi32> to vector<1xi32>
        %squeeze3A_293 = vector.extract %slice3A_292[0] : i32 from vector<1xi32>
        %add3A_294 = arith.addi %scan3A_270, %squeeze3A_293 : i32
        scf.yield %add3A_291, %add3A_294 : i32, i32
      }
      %scan3A_74 = arith.constant 64 : i32
      %scan3A_75 = arith.constant 0 : i32
      %scan3A_76 = arith.constant 0 : i32
      %scan3A_77 = arith.constant 128 : i32
      %scan3A_78 = arith.addi %scan3A_76, %scan3A_77 : i32
      %scan3A_79 = arith.constant 1 : i32
      scf.for %scan3A_268 = %scan3A_76 to %scan3A_78 step %scan3A_79  : i32 {
        %mul3A_269 = arith.constant 16 : i32
        %mul3A_270 = arith.muli %scan3A_268, %mul3A_269 : i32
        %get3A_271 = arith.index_cast %mul3A_270 : i32 to index
        %get3A_272 = tpu.vector_load %arg11[%get3A_271] {strides = array<i32>} : memref<2048xi32, #tpu.memory_space<vmem>>, vector<16xi32>,
        %get3A_273 = arith.index_cast %mul3A_270 : i32 to index
        %get3A_274 = tpu.vector_load %arg12[%get3A_273] {strides = array<i32>} : memref<2048xf32, #tpu.memory_space<vmem>>, vector<16xf32>,
        %get3A_275 = arith.index_cast %mul3A_270 : i32 to index
        %get3A_276 = tpu.vector_load %arg15[%get3A_275] {strides = array<i32>} : memref<2048xi32, #tpu.memory_space<vmem>>, vector<16xi32>,
        %get3A_277 = arith.index_cast %mul3A_270 : i32 to index
        %get3A_278 = tpu.vector_load %arg16[%get3A_277] {strides = array<i32>} : memref<2048xf32, #tpu.memory_space<vmem>>, vector<16xf32>,
        %broadcast_in_dim3A_279 = arith.constant 6 : i32
        %broadcast_in_dim3A_280 = vector.broadcast %broadcast_in_dim3A_279 : i32 to vector<16xi32>
        %shift_right_logical3A = arith.shrui %get3A_272, %broadcast_in_dim3A_280 : vector<16xi32>
        %and3A = arith.constant 63 : i32
        %and3A_281 = vector.broadcast %and3A : i32 to vector<16xi32>
        %and3A_282 = arith.andi %shift_right_logical3A, %and3A_281 : vector<16xi32>
        %mul3A_283 = arith.constant 16 : i32
        %mul3A_284 = vector.broadcast %mul3A_283 : i32 to vector<16xi32>
        %mul3A_285 = arith.muli %and3A_282, %mul3A_284 : vector<16xi32>
        %add3A_286 = arith.addi %mul3A_285, %iota3A : vector<16xi32>
        %broadcast_in_dim3A_287 = arith.constant 6 : i32
        %broadcast_in_dim3A_288 = vector.broadcast %broadcast_in_dim3A_287 : i32 to vector<16xi32>
        %shift_right_logical3A_289 = arith.shrui %get3A_276, %broadcast_in_dim3A_288 : vector<16xi32>
        %and3A_290 = arith.constant 63 : i32
        %and3A_291 = vector.broadcast %and3A_290 : i32 to vector<16xi32>
        %and3A_292 = arith.andi %shift_right_logical3A_289, %and3A_291 : vector<16xi32>
        %mul3A_293 = arith.constant 16 : i32
        %mul3A_294 = vector.broadcast %mul3A_293 : i32 to vector<16xi32>
        %mul3A_295 = arith.muli %and3A_292, %mul3A_294 : vector<16xi32>
        %add3A_296 = arith.addi %mul3A_295, %iota3A : vector<16xi32>
        %gather3A = tpu.vector_load_idx %arg24[%add3A_286] : memref<1024xi32, #tpu.memory_space<vmem>>[vector<16xi32>], vector<16xi32>,
        %gather3A_297 = tpu.vector_load_idx %arg26[%add3A_296] : memref<1024xi32, #tpu.memory_space<vmem>>[vector<16xi32>], vector<16xi32>,
        %add3A_298 = arith.constant 1 : i32
        %add3A_299 = vector.broadcast %add3A_298 : i32 to vector<16xi32>
        %add3A_300 = arith.addi %gather3A, %add3A_299 : vector<16xi32>
        tpu.vector_store_idx %arg24[%add3A_286], %add3A_300 : memref<1024xi32, #tpu.memory_space<vmem>>[vector<16xi32>], vector<16xi32>,
        %add3A_301 = arith.constant 1 : i32
        %add3A_302 = vector.broadcast %add3A_301 : i32 to vector<16xi32>
        %add3A_303 = arith.addi %gather3A_297, %add3A_302 : vector<16xi32>
        tpu.vector_store_idx %arg26[%add3A_296], %add3A_303 : memref<1024xi32, #tpu.memory_space<vmem>>[vector<16xi32>], vector<16xi32>,
        %and3A_304 = arith.constant 127 : i32
        %and3A_305 = vector.broadcast %and3A_304 : i32 to vector<16xi32>
        %and3A_306 = arith.andi %gather3A, %and3A_305 : vector<16xi32>
        %mul3A_307 = arith.constant 16 : i32
        %mul3A_308 = vector.broadcast %mul3A_307 : i32 to vector<16xi32>
        %mul3A_309 = arith.muli %and3A_306, %mul3A_308 : vector<16xi32>
        %broadcast_in_dim3A_310 = arith.constant 7 : i32
        %broadcast_in_dim3A_311 = vector.broadcast %broadcast_in_dim3A_310 : i32 to vector<16xi32>
        %shift_right_logical3A_312 = arith.shrui %gather3A, %broadcast_in_dim3A_311 : vector<16xi32>
        %add3A_313 = arith.addi %mul3A_309, %shift_right_logical3A_312 : vector<16xi32>
        %and3A_314 = arith.constant 127 : i32
        %and3A_315 = vector.broadcast %and3A_314 : i32 to vector<16xi32>
        %and3A_316 = arith.andi %gather3A_297, %and3A_315 : vector<16xi32>
        %mul3A_317 = arith.constant 16 : i32
        %mul3A_318 = vector.broadcast %mul3A_317 : i32 to vector<16xi32>
        %mul3A_319 = arith.muli %and3A_316, %mul3A_318 : vector<16xi32>
        %broadcast_in_dim3A_320 = arith.constant 7 : i32
        %broadcast_in_dim3A_321 = vector.broadcast %broadcast_in_dim3A_320 : i32 to vector<16xi32>
        %shift_right_logical3A_322 = arith.shrui %gather3A_297, %broadcast_in_dim3A_321 : vector<16xi32>
        %add3A_323 = arith.addi %mul3A_319, %shift_right_logical3A_322 : vector<16xi32>
        tpu.vector_store_idx %arg9[%add3A_313], %get3A_272 : memref<2048xi32, #tpu.memory_space<vmem>>[vector<16xi32>], vector<16xi32>,
        tpu.vector_store_idx %arg10[%add3A_313], %get3A_274 : memref<2048xf32, #tpu.memory_space<vmem>>[vector<16xi32>], vector<16xf32>,
        tpu.vector_store_idx %arg13[%add3A_323], %get3A_276 : memref<2048xi32, #tpu.memory_space<vmem>>[vector<16xi32>], vector<16xi32>,
        tpu.vector_store_idx %arg14[%add3A_323], %get3A_278 : memref<2048xf32, #tpu.memory_space<vmem>>[vector<16xi32>], vector<16xf32>,
      }
      %scan3A_80 = arith.constant 128 : i32
      %broadcast_in_dim3A_81 = arith.constant 0 : i32
      %broadcast_in_dim3A_82 = vector.broadcast %broadcast_in_dim3A_81 : i32 to vector<16xi32>
      %broadcast_in_dim3A_83 = arith.constant 1 : i32
      %broadcast_in_dim3A_84 = vector.broadcast %broadcast_in_dim3A_83 : i32 to vector<16xi32>
      %scan3A_85 = arith.constant 0 : i32
      %scan3A_86 = arith.constant 0 : i32
      %scan3A_87 = arith.constant 64 : i32
      %scan3A_88 = arith.addi %scan3A_86, %scan3A_87 : i32
      %scan3A_89 = arith.constant 1 : i32
      scf.for %scan3A_268 = %scan3A_86 to %scan3A_88 step %scan3A_89  : i32 {
        %mul3A_269 = arith.constant 16 : i32
        %mul3A_270 = arith.muli %scan3A_268, %mul3A_269 : i32
        %swap3A_271 = arith.index_cast %mul3A_270 : i32 to index
        %swap3A_272 = tpu.vector_load %arg23[%swap3A_271] {strides = array<i32>} : memref<1024xi32, #tpu.memory_space<vmem>>, vector<16xi32>,
        tpu.vector_store %arg23[%swap3A_271], %broadcast_in_dim3A_82 {strides = array<i32>} : memref<1024xi32, #tpu.memory_space<vmem>>, vector<16xi32>,
        %swap3A_273 = arith.index_cast %mul3A_270 : i32 to index
        %swap3A_274 = tpu.vector_load %arg25[%swap3A_273] {strides = array<i32>} : memref<1024xi32, #tpu.memory_space<vmem>>, vector<16xi32>,
        tpu.vector_store %arg25[%swap3A_273], %broadcast_in_dim3A_82 {strides = array<i32>} : memref<1024xi32, #tpu.memory_space<vmem>>, vector<16xi32>,
      }
      %scan3A_90 = arith.constant 64 : i32
      %scan3A_91 = arith.constant 0 : i32
      %scan3A_92 = arith.constant 0 : i32
      %scan3A_93 = arith.constant 128 : i32
      %scan3A_94 = arith.addi %scan3A_92, %scan3A_93 : i32
      %scan3A_95 = arith.constant 1 : i32
      scf.for %scan3A_268 = %scan3A_92 to %scan3A_94 step %scan3A_95  : i32 {
        %mul3A_269 = arith.constant 16 : i32
        %mul3A_270 = arith.muli %scan3A_268, %mul3A_269 : i32
        %get3A_271 = arith.index_cast %mul3A_270 : i32 to index
        %get3A_272 = tpu.vector_load %arg9[%get3A_271] {strides = array<i32>} : memref<2048xi32, #tpu.memory_space<vmem>>, vector<16xi32>,
        %broadcast_in_dim3A_273 = arith.constant 12 : i32
        %broadcast_in_dim3A_274 = vector.broadcast %broadcast_in_dim3A_273 : i32 to vector<16xi32>
        %shift_right_logical3A = arith.shrui %get3A_272, %broadcast_in_dim3A_274 : vector<16xi32>
        %and3A = arith.constant 63 : i32
        %and3A_275 = vector.broadcast %and3A : i32 to vector<16xi32>
        %and3A_276 = arith.andi %shift_right_logical3A, %and3A_275 : vector<16xi32>
        %mul3A_277 = arith.constant 16 : i32
        %mul3A_278 = vector.broadcast %mul3A_277 : i32 to vector<16xi32>
        %mul3A_279 = arith.muli %and3A_276, %mul3A_278 : vector<16xi32>
        %add3A_280 = arith.addi %mul3A_279, %iota3A : vector<16xi32>
        %get3A_281 = arith.index_cast %mul3A_270 : i32 to index
        %get3A_282 = tpu.vector_load %arg13[%get3A_281] {strides = array<i32>} : memref<2048xi32, #tpu.memory_space<vmem>>, vector<16xi32>,
        %broadcast_in_dim3A_283 = arith.constant 12 : i32
        %broadcast_in_dim3A_284 = vector.broadcast %broadcast_in_dim3A_283 : i32 to vector<16xi32>
        %shift_right_logical3A_285 = arith.shrui %get3A_282, %broadcast_in_dim3A_284 : vector<16xi32>
        %and3A_286 = arith.constant 63 : i32
        %and3A_287 = vector.broadcast %and3A_286 : i32 to vector<16xi32>
        %and3A_288 = arith.andi %shift_right_logical3A_285, %and3A_287 : vector<16xi32>
        %mul3A_289 = arith.constant 16 : i32
        %mul3A_290 = vector.broadcast %mul3A_289 : i32 to vector<16xi32>
        %mul3A_291 = arith.muli %and3A_288, %mul3A_290 : vector<16xi32>
        %add3A_292 = arith.addi %mul3A_291, %iota3A : vector<16xi32>
        %gather3A = tpu.vector_load_idx %arg23[%add3A_280] : memref<1024xi32, #tpu.memory_space<vmem>>[vector<16xi32>], vector<16xi32>,
        %gather3A_293 = tpu.vector_load_idx %arg25[%add3A_292] : memref<1024xi32, #tpu.memory_space<vmem>>[vector<16xi32>], vector<16xi32>,
        %add3A_294 = arith.addi %gather3A, %broadcast_in_dim3A_84 : vector<16xi32>
        tpu.vector_store_idx %arg23[%add3A_280], %add3A_294 : memref<1024xi32, #tpu.memory_space<vmem>>[vector<16xi32>], vector<16xi32>,
        %add3A_295 = arith.addi %gather3A_293, %broadcast_in_dim3A_84 : vector<16xi32>
        tpu.vector_store_idx %arg25[%add3A_292], %add3A_295 : memref<1024xi32, #tpu.memory_space<vmem>>[vector<16xi32>], vector<16xi32>,
      }
      %scan3A_96 = arith.constant 128 : i32
      %scan3A_97 = arith.constant 0 : i32
      %scan3A_98 = arith.constant 0 : i32
      %scan3A_99 = arith.constant 0 : i32
      %scan3A_100 = arith.constant 64 : i32
      %scan3A_101 = arith.addi %scan3A_99, %scan3A_100 : i32
      %scan3A_102 = arith.constant 1 : i32
      %scan3A_103:2 = scf.for %scan3A_268 = %scan3A_99 to %scan3A_101 step %scan3A_102 iter_args(%scan3A_269 = %scan3A_97, %scan3A_270 = %scan3A_98) -> (i32, i32)  : i32 {
        %mul3A_271 = arith.constant 16 : i32
        %mul3A_272 = arith.muli %scan3A_268, %mul3A_271 : i32
        %get3A_273 = arith.index_cast %mul3A_272 : i32 to index
        %get3A_274 = tpu.vector_load %arg23[%get3A_273] {strides = array<i32>} : memref<1024xi32, #tpu.memory_space<vmem>>, vector<16xi32>,
        %get3A_275 = arith.index_cast %mul3A_272 : i32 to index
        %get3A_276 = tpu.vector_load %arg25[%get3A_275] {strides = array<i32>} : memref<1024xi32, #tpu.memory_space<vmem>>, vector<16xi32>,
        %cumsum3A = arith.constant true
        %cumsum3A_277 = vector.broadcast %cumsum3A : i1 to vector<16xi1>
        %cumsum3A_278 = tpu.scan <sum>, %get3A_274 masked %cumsum3A_277 : vector<16xi32>, vector<16xi1> -> vector<16xi32>
        %cumsum3A_279 = arith.constant true
        %cumsum3A_280 = vector.broadcast %cumsum3A_279 : i1 to vector<16xi1>
        %cumsum3A_281 = tpu.scan <sum>, %get3A_276 masked %cumsum3A_280 : vector<16xi32>, vector<16xi1> -> vector<16xi32>
        %sub3A = arith.subi %cumsum3A_278, %get3A_274 : vector<16xi32>
        %add3A_282 = vector.broadcast %scan3A_269 : i32 to vector<16xi32>
        %add3A_283 = arith.addi %sub3A, %add3A_282 : vector<16xi32>
        %swap3A_284 = arith.index_cast %mul3A_272 : i32 to index
        %swap3A_285 = tpu.vector_load %arg24[%swap3A_284] {strides = array<i32>} : memref<1024xi32, #tpu.memory_space<vmem>>, vector<16xi32>,
        tpu.vector_store %arg24[%swap3A_284], %add3A_283 {strides = array<i32>} : memref<1024xi32, #tpu.memory_space<vmem>>, vector<16xi32>,
        %sub3A_286 = arith.subi %cumsum3A_281, %get3A_276 : vector<16xi32>
        %add3A_287 = vector.broadcast %scan3A_270 : i32 to vector<16xi32>
        %add3A_288 = arith.addi %sub3A_286, %add3A_287 : vector<16xi32>
        %swap3A_289 = arith.index_cast %mul3A_272 : i32 to index
        %swap3A_290 = tpu.vector_load %arg26[%swap3A_289] {strides = array<i32>} : memref<1024xi32, #tpu.memory_space<vmem>>, vector<16xi32>,
        tpu.vector_store %arg26[%swap3A_289], %add3A_288 {strides = array<i32>} : memref<1024xi32, #tpu.memory_space<vmem>>, vector<16xi32>,
        %slice3A = vector.extract_strided_slice %cumsum3A_278 {offsets = [15], sizes = [1], strides = [1]} : vector<16xi32> to vector<1xi32>
        %squeeze3A = vector.extract %slice3A[0] : i32 from vector<1xi32>
        %add3A_291 = arith.addi %scan3A_269, %squeeze3A : i32
        %slice3A_292 = vector.extract_strided_slice %cumsum3A_281 {offsets = [15], sizes = [1], strides = [1]} : vector<16xi32> to vector<1xi32>
        %squeeze3A_293 = vector.extract %slice3A_292[0] : i32 from vector<1xi32>
        %add3A_294 = arith.addi %scan3A_270, %squeeze3A_293 : i32
        scf.yield %add3A_291, %add3A_294 : i32, i32
      }
      %scan3A_104 = arith.constant 64 : i32
      %scan3A_105 = arith.constant 0 : i32
      %scan3A_106 = arith.constant 0 : i32
      %scan3A_107 = arith.constant 128 : i32
      %scan3A_108 = arith.addi %scan3A_106, %scan3A_107 : i32
      %scan3A_109 = arith.constant 1 : i32
      scf.for %scan3A_268 = %scan3A_106 to %scan3A_108 step %scan3A_109  : i32 {
        %mul3A_269 = arith.constant 16 : i32
        %mul3A_270 = arith.muli %scan3A_268, %mul3A_269 : i32
        %get3A_271 = arith.index_cast %mul3A_270 : i32 to index
        %get3A_272 = tpu.vector_load %arg9[%get3A_271] {strides = array<i32>} : memref<2048xi32, #tpu.memory_space<vmem>>, vector<16xi32>,
        %get3A_273 = arith.index_cast %mul3A_270 : i32 to index
        %get3A_274 = tpu.vector_load %arg10[%get3A_273] {strides = array<i32>} : memref<2048xf32, #tpu.memory_space<vmem>>, vector<16xf32>,
        %get3A_275 = arith.index_cast %mul3A_270 : i32 to index
        %get3A_276 = tpu.vector_load %arg13[%get3A_275] {strides = array<i32>} : memref<2048xi32, #tpu.memory_space<vmem>>, vector<16xi32>,
        %get3A_277 = arith.index_cast %mul3A_270 : i32 to index
        %get3A_278 = tpu.vector_load %arg14[%get3A_277] {strides = array<i32>} : memref<2048xf32, #tpu.memory_space<vmem>>, vector<16xf32>,
        %broadcast_in_dim3A_279 = arith.constant 12 : i32
        %broadcast_in_dim3A_280 = vector.broadcast %broadcast_in_dim3A_279 : i32 to vector<16xi32>
        %shift_right_logical3A = arith.shrui %get3A_272, %broadcast_in_dim3A_280 : vector<16xi32>
        %and3A = arith.constant 63 : i32
        %and3A_281 = vector.broadcast %and3A : i32 to vector<16xi32>
        %and3A_282 = arith.andi %shift_right_logical3A, %and3A_281 : vector<16xi32>
        %mul3A_283 = arith.constant 16 : i32
        %mul3A_284 = vector.broadcast %mul3A_283 : i32 to vector<16xi32>
        %mul3A_285 = arith.muli %and3A_282, %mul3A_284 : vector<16xi32>
        %add3A_286 = arith.addi %mul3A_285, %iota3A : vector<16xi32>
        %broadcast_in_dim3A_287 = arith.constant 12 : i32
        %broadcast_in_dim3A_288 = vector.broadcast %broadcast_in_dim3A_287 : i32 to vector<16xi32>
        %shift_right_logical3A_289 = arith.shrui %get3A_276, %broadcast_in_dim3A_288 : vector<16xi32>
        %and3A_290 = arith.constant 63 : i32
        %and3A_291 = vector.broadcast %and3A_290 : i32 to vector<16xi32>
        %and3A_292 = arith.andi %shift_right_logical3A_289, %and3A_291 : vector<16xi32>
        %mul3A_293 = arith.constant 16 : i32
        %mul3A_294 = vector.broadcast %mul3A_293 : i32 to vector<16xi32>
        %mul3A_295 = arith.muli %and3A_292, %mul3A_294 : vector<16xi32>
        %add3A_296 = arith.addi %mul3A_295, %iota3A : vector<16xi32>
        %gather3A = tpu.vector_load_idx %arg24[%add3A_286] : memref<1024xi32, #tpu.memory_space<vmem>>[vector<16xi32>], vector<16xi32>,
        %gather3A_297 = tpu.vector_load_idx %arg26[%add3A_296] : memref<1024xi32, #tpu.memory_space<vmem>>[vector<16xi32>], vector<16xi32>,
        %add3A_298 = arith.constant 1 : i32
        %add3A_299 = vector.broadcast %add3A_298 : i32 to vector<16xi32>
        %add3A_300 = arith.addi %gather3A, %add3A_299 : vector<16xi32>
        tpu.vector_store_idx %arg24[%add3A_286], %add3A_300 : memref<1024xi32, #tpu.memory_space<vmem>>[vector<16xi32>], vector<16xi32>,
        %add3A_301 = arith.constant 1 : i32
        %add3A_302 = vector.broadcast %add3A_301 : i32 to vector<16xi32>
        %add3A_303 = arith.addi %gather3A_297, %add3A_302 : vector<16xi32>
        tpu.vector_store_idx %arg26[%add3A_296], %add3A_303 : memref<1024xi32, #tpu.memory_space<vmem>>[vector<16xi32>], vector<16xi32>,
        %and3A_304 = arith.constant 127 : i32
        %and3A_305 = vector.broadcast %and3A_304 : i32 to vector<16xi32>
        %and3A_306 = arith.andi %gather3A, %and3A_305 : vector<16xi32>
        %mul3A_307 = arith.constant 16 : i32
        %mul3A_308 = vector.broadcast %mul3A_307 : i32 to vector<16xi32>
        %mul3A_309 = arith.muli %and3A_306, %mul3A_308 : vector<16xi32>
        %broadcast_in_dim3A_310 = arith.constant 7 : i32
        %broadcast_in_dim3A_311 = vector.broadcast %broadcast_in_dim3A_310 : i32 to vector<16xi32>
        %shift_right_logical3A_312 = arith.shrui %gather3A, %broadcast_in_dim3A_311 : vector<16xi32>
        %add3A_313 = arith.addi %mul3A_309, %shift_right_logical3A_312 : vector<16xi32>
        %and3A_314 = arith.constant 127 : i32
        %and3A_315 = vector.broadcast %and3A_314 : i32 to vector<16xi32>
        %and3A_316 = arith.andi %gather3A_297, %and3A_315 : vector<16xi32>
        %mul3A_317 = arith.constant 16 : i32
        %mul3A_318 = vector.broadcast %mul3A_317 : i32 to vector<16xi32>
        %mul3A_319 = arith.muli %and3A_316, %mul3A_318 : vector<16xi32>
        %broadcast_in_dim3A_320 = arith.constant 7 : i32
        %broadcast_in_dim3A_321 = vector.broadcast %broadcast_in_dim3A_320 : i32 to vector<16xi32>
        %shift_right_logical3A_322 = arith.shrui %gather3A_297, %broadcast_in_dim3A_321 : vector<16xi32>
        %add3A_323 = arith.addi %mul3A_319, %shift_right_logical3A_322 : vector<16xi32>
        tpu.vector_store_idx %arg11[%add3A_313], %get3A_272 : memref<2048xi32, #tpu.memory_space<vmem>>[vector<16xi32>], vector<16xi32>,
        tpu.vector_store_idx %arg12[%add3A_313], %get3A_274 : memref<2048xf32, #tpu.memory_space<vmem>>[vector<16xi32>], vector<16xf32>,
        tpu.vector_store_idx %arg15[%add3A_323], %get3A_276 : memref<2048xi32, #tpu.memory_space<vmem>>[vector<16xi32>], vector<16xi32>,
        tpu.vector_store_idx %arg16[%add3A_323], %get3A_278 : memref<2048xf32, #tpu.memory_space<vmem>>[vector<16xi32>], vector<16xf32>,
      }
      %scan3A_110 = arith.constant 128 : i32
      %broadcast_in_dim3A_111 = arith.constant 0 : i32
      %broadcast_in_dim3A_112 = vector.broadcast %broadcast_in_dim3A_111 : i32 to vector<16xi32>
      %broadcast_in_dim3A_113 = arith.constant 1 : i32
      %broadcast_in_dim3A_114 = vector.broadcast %broadcast_in_dim3A_113 : i32 to vector<16xi32>
      %scan3A_115 = arith.constant 0 : i32
      %scan3A_116 = arith.constant 0 : i32
      %scan3A_117 = arith.constant 64 : i32
      %scan3A_118 = arith.addi %scan3A_116, %scan3A_117 : i32
      %scan3A_119 = arith.constant 1 : i32
      scf.for %scan3A_268 = %scan3A_116 to %scan3A_118 step %scan3A_119  : i32 {
        %mul3A_269 = arith.constant 16 : i32
        %mul3A_270 = arith.muli %scan3A_268, %mul3A_269 : i32
        %swap3A_271 = arith.index_cast %mul3A_270 : i32 to index
        %swap3A_272 = tpu.vector_load %arg23[%swap3A_271] {strides = array<i32>} : memref<1024xi32, #tpu.memory_space<vmem>>, vector<16xi32>,
        tpu.vector_store %arg23[%swap3A_271], %broadcast_in_dim3A_112 {strides = array<i32>} : memref<1024xi32, #tpu.memory_space<vmem>>, vector<16xi32>,
        %swap3A_273 = arith.index_cast %mul3A_270 : i32 to index
        %swap3A_274 = tpu.vector_load %arg25[%swap3A_273] {strides = array<i32>} : memref<1024xi32, #tpu.memory_space<vmem>>, vector<16xi32>,
        tpu.vector_store %arg25[%swap3A_273], %broadcast_in_dim3A_112 {strides = array<i32>} : memref<1024xi32, #tpu.memory_space<vmem>>, vector<16xi32>,
      }
      %scan3A_120 = arith.constant 64 : i32
      %scan3A_121 = arith.constant 0 : i32
      %scan3A_122 = arith.constant 0 : i32
      %scan3A_123 = arith.constant 128 : i32
      %scan3A_124 = arith.addi %scan3A_122, %scan3A_123 : i32
      %scan3A_125 = arith.constant 1 : i32
      scf.for %scan3A_268 = %scan3A_122 to %scan3A_124 step %scan3A_125  : i32 {
        %mul3A_269 = arith.constant 16 : i32
        %mul3A_270 = arith.muli %scan3A_268, %mul3A_269 : i32
        %get3A_271 = arith.index_cast %mul3A_270 : i32 to index
        %get3A_272 = tpu.vector_load %arg11[%get3A_271] {strides = array<i32>} : memref<2048xi32, #tpu.memory_space<vmem>>, vector<16xi32>,
        %broadcast_in_dim3A_273 = arith.constant 18 : i32
        %broadcast_in_dim3A_274 = vector.broadcast %broadcast_in_dim3A_273 : i32 to vector<16xi32>
        %shift_right_logical3A = arith.shrui %get3A_272, %broadcast_in_dim3A_274 : vector<16xi32>
        %and3A = arith.constant 63 : i32
        %and3A_275 = vector.broadcast %and3A : i32 to vector<16xi32>
        %and3A_276 = arith.andi %shift_right_logical3A, %and3A_275 : vector<16xi32>
        %mul3A_277 = arith.constant 16 : i32
        %mul3A_278 = vector.broadcast %mul3A_277 : i32 to vector<16xi32>
        %mul3A_279 = arith.muli %and3A_276, %mul3A_278 : vector<16xi32>
        %add3A_280 = arith.addi %mul3A_279, %iota3A : vector<16xi32>
        %get3A_281 = arith.index_cast %mul3A_270 : i32 to index
        %get3A_282 = tpu.vector_load %arg15[%get3A_281] {strides = array<i32>} : memref<2048xi32, #tpu.memory_space<vmem>>, vector<16xi32>,
        %broadcast_in_dim3A_283 = arith.constant 18 : i32
        %broadcast_in_dim3A_284 = vector.broadcast %broadcast_in_dim3A_283 : i32 to vector<16xi32>
        %shift_right_logical3A_285 = arith.shrui %get3A_282, %broadcast_in_dim3A_284 : vector<16xi32>
        %and3A_286 = arith.constant 63 : i32
        %and3A_287 = vector.broadcast %and3A_286 : i32 to vector<16xi32>
        %and3A_288 = arith.andi %shift_right_logical3A_285, %and3A_287 : vector<16xi32>
        %mul3A_289 = arith.constant 16 : i32
        %mul3A_290 = vector.broadcast %mul3A_289 : i32 to vector<16xi32>
        %mul3A_291 = arith.muli %and3A_288, %mul3A_290 : vector<16xi32>
        %add3A_292 = arith.addi %mul3A_291, %iota3A : vector<16xi32>
        %gather3A = tpu.vector_load_idx %arg23[%add3A_280] : memref<1024xi32, #tpu.memory_space<vmem>>[vector<16xi32>], vector<16xi32>,
        %gather3A_293 = tpu.vector_load_idx %arg25[%add3A_292] : memref<1024xi32, #tpu.memory_space<vmem>>[vector<16xi32>], vector<16xi32>,
        %add3A_294 = arith.addi %gather3A, %broadcast_in_dim3A_114 : vector<16xi32>
        tpu.vector_store_idx %arg23[%add3A_280], %add3A_294 : memref<1024xi32, #tpu.memory_space<vmem>>[vector<16xi32>], vector<16xi32>,
        %add3A_295 = arith.addi %gather3A_293, %broadcast_in_dim3A_114 : vector<16xi32>
        tpu.vector_store_idx %arg25[%add3A_292], %add3A_295 : memref<1024xi32, #tpu.memory_space<vmem>>[vector<16xi32>], vector<16xi32>,
      }
      %scan3A_126 = arith.constant 128 : i32
      %scan3A_127 = arith.constant 0 : i32
      %scan3A_128 = arith.constant 0 : i32
      %scan3A_129 = arith.constant 0 : i32
      %scan3A_130 = arith.constant 64 : i32
      %scan3A_131 = arith.addi %scan3A_129, %scan3A_130 : i32
      %scan3A_132 = arith.constant 1 : i32
      %scan3A_133:2 = scf.for %scan3A_268 = %scan3A_129 to %scan3A_131 step %scan3A_132 iter_args(%scan3A_269 = %scan3A_127, %scan3A_270 = %scan3A_128) -> (i32, i32)  : i32 {
        %mul3A_271 = arith.constant 16 : i32
        %mul3A_272 = arith.muli %scan3A_268, %mul3A_271 : i32
        %get3A_273 = arith.index_cast %mul3A_272 : i32 to index
        %get3A_274 = tpu.vector_load %arg23[%get3A_273] {strides = array<i32>} : memref<1024xi32, #tpu.memory_space<vmem>>, vector<16xi32>,
        %get3A_275 = arith.index_cast %mul3A_272 : i32 to index
        %get3A_276 = tpu.vector_load %arg25[%get3A_275] {strides = array<i32>} : memref<1024xi32, #tpu.memory_space<vmem>>, vector<16xi32>,
        %cumsum3A = arith.constant true
        %cumsum3A_277 = vector.broadcast %cumsum3A : i1 to vector<16xi1>
        %cumsum3A_278 = tpu.scan <sum>, %get3A_274 masked %cumsum3A_277 : vector<16xi32>, vector<16xi1> -> vector<16xi32>
        %cumsum3A_279 = arith.constant true
        %cumsum3A_280 = vector.broadcast %cumsum3A_279 : i1 to vector<16xi1>
        %cumsum3A_281 = tpu.scan <sum>, %get3A_276 masked %cumsum3A_280 : vector<16xi32>, vector<16xi1> -> vector<16xi32>
        %sub3A = arith.subi %cumsum3A_278, %get3A_274 : vector<16xi32>
        %add3A_282 = vector.broadcast %scan3A_269 : i32 to vector<16xi32>
        %add3A_283 = arith.addi %sub3A, %add3A_282 : vector<16xi32>
        %swap3A_284 = arith.index_cast %mul3A_272 : i32 to index
        %swap3A_285 = tpu.vector_load %arg24[%swap3A_284] {strides = array<i32>} : memref<1024xi32, #tpu.memory_space<vmem>>, vector<16xi32>,
        tpu.vector_store %arg24[%swap3A_284], %add3A_283 {strides = array<i32>} : memref<1024xi32, #tpu.memory_space<vmem>>, vector<16xi32>,
        %sub3A_286 = arith.subi %cumsum3A_281, %get3A_276 : vector<16xi32>
        %add3A_287 = vector.broadcast %scan3A_270 : i32 to vector<16xi32>
        %add3A_288 = arith.addi %sub3A_286, %add3A_287 : vector<16xi32>
        %swap3A_289 = arith.index_cast %mul3A_272 : i32 to index
        %swap3A_290 = tpu.vector_load %arg26[%swap3A_289] {strides = array<i32>} : memref<1024xi32, #tpu.memory_space<vmem>>, vector<16xi32>,
        tpu.vector_store %arg26[%swap3A_289], %add3A_288 {strides = array<i32>} : memref<1024xi32, #tpu.memory_space<vmem>>, vector<16xi32>,
        %slice3A = vector.extract_strided_slice %cumsum3A_278 {offsets = [15], sizes = [1], strides = [1]} : vector<16xi32> to vector<1xi32>
        %squeeze3A = vector.extract %slice3A[0] : i32 from vector<1xi32>
        %add3A_291 = arith.addi %scan3A_269, %squeeze3A : i32
        %slice3A_292 = vector.extract_strided_slice %cumsum3A_281 {offsets = [15], sizes = [1], strides = [1]} : vector<16xi32> to vector<1xi32>
        %squeeze3A_293 = vector.extract %slice3A_292[0] : i32 from vector<1xi32>
        %add3A_294 = arith.addi %scan3A_270, %squeeze3A_293 : i32
        scf.yield %add3A_291, %add3A_294 : i32, i32
      }
      %scan3A_134 = arith.constant 64 : i32
      %scan3A_135 = arith.constant 0 : i32
      %scan3A_136 = arith.constant 0 : i32
      %scan3A_137 = arith.constant 128 : i32
      %scan3A_138 = arith.addi %scan3A_136, %scan3A_137 : i32
      %scan3A_139 = arith.constant 1 : i32
      scf.for %scan3A_268 = %scan3A_136 to %scan3A_138 step %scan3A_139  : i32 {
        %mul3A_269 = arith.constant 16 : i32
        %mul3A_270 = arith.muli %scan3A_268, %mul3A_269 : i32
        %get3A_271 = arith.index_cast %mul3A_270 : i32 to index
        %get3A_272 = tpu.vector_load %arg11[%get3A_271] {strides = array<i32>} : memref<2048xi32, #tpu.memory_space<vmem>>, vector<16xi32>,
        %get3A_273 = arith.index_cast %mul3A_270 : i32 to index
        %get3A_274 = tpu.vector_load %arg12[%get3A_273] {strides = array<i32>} : memref<2048xf32, #tpu.memory_space<vmem>>, vector<16xf32>,
        %get3A_275 = arith.index_cast %mul3A_270 : i32 to index
        %get3A_276 = tpu.vector_load %arg15[%get3A_275] {strides = array<i32>} : memref<2048xi32, #tpu.memory_space<vmem>>, vector<16xi32>,
        %get3A_277 = arith.index_cast %mul3A_270 : i32 to index
        %get3A_278 = tpu.vector_load %arg16[%get3A_277] {strides = array<i32>} : memref<2048xf32, #tpu.memory_space<vmem>>, vector<16xf32>,
        %broadcast_in_dim3A_279 = arith.constant 18 : i32
        %broadcast_in_dim3A_280 = vector.broadcast %broadcast_in_dim3A_279 : i32 to vector<16xi32>
        %shift_right_logical3A = arith.shrui %get3A_272, %broadcast_in_dim3A_280 : vector<16xi32>
        %and3A = arith.constant 63 : i32
        %and3A_281 = vector.broadcast %and3A : i32 to vector<16xi32>
        %and3A_282 = arith.andi %shift_right_logical3A, %and3A_281 : vector<16xi32>
        %mul3A_283 = arith.constant 16 : i32
        %mul3A_284 = vector.broadcast %mul3A_283 : i32 to vector<16xi32>
        %mul3A_285 = arith.muli %and3A_282, %mul3A_284 : vector<16xi32>
        %add3A_286 = arith.addi %mul3A_285, %iota3A : vector<16xi32>
        %broadcast_in_dim3A_287 = arith.constant 18 : i32
        %broadcast_in_dim3A_288 = vector.broadcast %broadcast_in_dim3A_287 : i32 to vector<16xi32>
        %shift_right_logical3A_289 = arith.shrui %get3A_276, %broadcast_in_dim3A_288 : vector<16xi32>
        %and3A_290 = arith.constant 63 : i32
        %and3A_291 = vector.broadcast %and3A_290 : i32 to vector<16xi32>
        %and3A_292 = arith.andi %shift_right_logical3A_289, %and3A_291 : vector<16xi32>
        %mul3A_293 = arith.constant 16 : i32
        %mul3A_294 = vector.broadcast %mul3A_293 : i32 to vector<16xi32>
        %mul3A_295 = arith.muli %and3A_292, %mul3A_294 : vector<16xi32>
        %add3A_296 = arith.addi %mul3A_295, %iota3A : vector<16xi32>
        %gather3A = tpu.vector_load_idx %arg24[%add3A_286] : memref<1024xi32, #tpu.memory_space<vmem>>[vector<16xi32>], vector<16xi32>,
        %gather3A_297 = tpu.vector_load_idx %arg26[%add3A_296] : memref<1024xi32, #tpu.memory_space<vmem>>[vector<16xi32>], vector<16xi32>,
        %add3A_298 = arith.constant 1 : i32
        %add3A_299 = vector.broadcast %add3A_298 : i32 to vector<16xi32>
        %add3A_300 = arith.addi %gather3A, %add3A_299 : vector<16xi32>
        tpu.vector_store_idx %arg24[%add3A_286], %add3A_300 : memref<1024xi32, #tpu.memory_space<vmem>>[vector<16xi32>], vector<16xi32>,
        %add3A_301 = arith.constant 1 : i32
        %add3A_302 = vector.broadcast %add3A_301 : i32 to vector<16xi32>
        %add3A_303 = arith.addi %gather3A_297, %add3A_302 : vector<16xi32>
        tpu.vector_store_idx %arg26[%add3A_296], %add3A_303 : memref<1024xi32, #tpu.memory_space<vmem>>[vector<16xi32>], vector<16xi32>,
        %and3A_304 = arith.constant 127 : i32
        %and3A_305 = vector.broadcast %and3A_304 : i32 to vector<16xi32>
        %and3A_306 = arith.andi %gather3A, %and3A_305 : vector<16xi32>
        %mul3A_307 = arith.constant 16 : i32
        %mul3A_308 = vector.broadcast %mul3A_307 : i32 to vector<16xi32>
        %mul3A_309 = arith.muli %and3A_306, %mul3A_308 : vector<16xi32>
        %broadcast_in_dim3A_310 = arith.constant 7 : i32
        %broadcast_in_dim3A_311 = vector.broadcast %broadcast_in_dim3A_310 : i32 to vector<16xi32>
        %shift_right_logical3A_312 = arith.shrui %gather3A, %broadcast_in_dim3A_311 : vector<16xi32>
        %add3A_313 = arith.addi %mul3A_309, %shift_right_logical3A_312 : vector<16xi32>
        %and3A_314 = arith.constant 127 : i32
        %and3A_315 = vector.broadcast %and3A_314 : i32 to vector<16xi32>
        %and3A_316 = arith.andi %gather3A_297, %and3A_315 : vector<16xi32>
        %mul3A_317 = arith.constant 16 : i32
        %mul3A_318 = vector.broadcast %mul3A_317 : i32 to vector<16xi32>
        %mul3A_319 = arith.muli %and3A_316, %mul3A_318 : vector<16xi32>
        %broadcast_in_dim3A_320 = arith.constant 7 : i32
        %broadcast_in_dim3A_321 = vector.broadcast %broadcast_in_dim3A_320 : i32 to vector<16xi32>
        %shift_right_logical3A_322 = arith.shrui %gather3A_297, %broadcast_in_dim3A_321 : vector<16xi32>
        %add3A_323 = arith.addi %mul3A_319, %shift_right_logical3A_322 : vector<16xi32>
        tpu.vector_store_idx %arg9[%add3A_313], %get3A_272 : memref<2048xi32, #tpu.memory_space<vmem>>[vector<16xi32>], vector<16xi32>,
        tpu.vector_store_idx %arg10[%add3A_313], %get3A_274 : memref<2048xf32, #tpu.memory_space<vmem>>[vector<16xi32>], vector<16xf32>,
        tpu.vector_store_idx %arg13[%add3A_323], %get3A_276 : memref<2048xi32, #tpu.memory_space<vmem>>[vector<16xi32>], vector<16xi32>,
        tpu.vector_store_idx %arg14[%add3A_323], %get3A_278 : memref<2048xf32, #tpu.memory_space<vmem>>[vector<16xi32>], vector<16xf32>,
      }
      %scan3A_140 = arith.constant 128 : i32
      %broadcast_in_dim3A_141 = arith.constant 0 : i32
      %broadcast_in_dim3A_142 = vector.broadcast %broadcast_in_dim3A_141 : i32 to vector<16xi32>
      %broadcast_in_dim3A_143 = arith.constant 1 : i32
      %broadcast_in_dim3A_144 = vector.broadcast %broadcast_in_dim3A_143 : i32 to vector<16xi32>
      %scan3A_145 = arith.constant 0 : i32
      %scan3A_146 = arith.constant 0 : i32
      %scan3A_147 = arith.constant 64 : i32
      %scan3A_148 = arith.addi %scan3A_146, %scan3A_147 : i32
      %scan3A_149 = arith.constant 1 : i32
      scf.for %scan3A_268 = %scan3A_146 to %scan3A_148 step %scan3A_149  : i32 {
        %mul3A_269 = arith.constant 16 : i32
        %mul3A_270 = arith.muli %scan3A_268, %mul3A_269 : i32
        %swap3A_271 = arith.index_cast %mul3A_270 : i32 to index
        %swap3A_272 = tpu.vector_load %arg23[%swap3A_271] {strides = array<i32>} : memref<1024xi32, #tpu.memory_space<vmem>>, vector<16xi32>,
        tpu.vector_store %arg23[%swap3A_271], %broadcast_in_dim3A_142 {strides = array<i32>} : memref<1024xi32, #tpu.memory_space<vmem>>, vector<16xi32>,
        %swap3A_273 = arith.index_cast %mul3A_270 : i32 to index
        %swap3A_274 = tpu.vector_load %arg25[%swap3A_273] {strides = array<i32>} : memref<1024xi32, #tpu.memory_space<vmem>>, vector<16xi32>,
        tpu.vector_store %arg25[%swap3A_273], %broadcast_in_dim3A_142 {strides = array<i32>} : memref<1024xi32, #tpu.memory_space<vmem>>, vector<16xi32>,
      }
      %scan3A_150 = arith.constant 64 : i32
      %scan3A_151 = arith.constant 0 : i32
      %scan3A_152 = arith.constant 0 : i32
      %scan3A_153 = arith.constant 128 : i32
      %scan3A_154 = arith.addi %scan3A_152, %scan3A_153 : i32
      %scan3A_155 = arith.constant 1 : i32
      scf.for %scan3A_268 = %scan3A_152 to %scan3A_154 step %scan3A_155  : i32 {
        %mul3A_269 = arith.constant 16 : i32
        %mul3A_270 = arith.muli %scan3A_268, %mul3A_269 : i32
        %get3A_271 = arith.index_cast %mul3A_270 : i32 to index
        %get3A_272 = tpu.vector_load %arg9[%get3A_271] {strides = array<i32>} : memref<2048xi32, #tpu.memory_space<vmem>>, vector<16xi32>,
        %broadcast_in_dim3A_273 = arith.constant 24 : i32
        %broadcast_in_dim3A_274 = vector.broadcast %broadcast_in_dim3A_273 : i32 to vector<16xi32>
        %shift_right_logical3A = arith.shrui %get3A_272, %broadcast_in_dim3A_274 : vector<16xi32>
        %and3A = arith.constant 63 : i32
        %and3A_275 = vector.broadcast %and3A : i32 to vector<16xi32>
        %and3A_276 = arith.andi %shift_right_logical3A, %and3A_275 : vector<16xi32>
        %mul3A_277 = arith.constant 16 : i32
        %mul3A_278 = vector.broadcast %mul3A_277 : i32 to vector<16xi32>
        %mul3A_279 = arith.muli %and3A_276, %mul3A_278 : vector<16xi32>
        %add3A_280 = arith.addi %mul3A_279, %iota3A : vector<16xi32>
        %get3A_281 = arith.index_cast %mul3A_270 : i32 to index
        %get3A_282 = tpu.vector_load %arg13[%get3A_281] {strides = array<i32>} : memref<2048xi32, #tpu.memory_space<vmem>>, vector<16xi32>,
        %broadcast_in_dim3A_283 = arith.constant 24 : i32
        %broadcast_in_dim3A_284 = vector.broadcast %broadcast_in_dim3A_283 : i32 to vector<16xi32>
        %shift_right_logical3A_285 = arith.shrui %get3A_282, %broadcast_in_dim3A_284 : vector<16xi32>
        %and3A_286 = arith.constant 63 : i32
        %and3A_287 = vector.broadcast %and3A_286 : i32 to vector<16xi32>
        %and3A_288 = arith.andi %shift_right_logical3A_285, %and3A_287 : vector<16xi32>
        %mul3A_289 = arith.constant 16 : i32
        %mul3A_290 = vector.broadcast %mul3A_289 : i32 to vector<16xi32>
        %mul3A_291 = arith.muli %and3A_288, %mul3A_290 : vector<16xi32>
        %add3A_292 = arith.addi %mul3A_291, %iota3A : vector<16xi32>
        %gather3A = tpu.vector_load_idx %arg23[%add3A_280] : memref<1024xi32, #tpu.memory_space<vmem>>[vector<16xi32>], vector<16xi32>,
        %gather3A_293 = tpu.vector_load_idx %arg25[%add3A_292] : memref<1024xi32, #tpu.memory_space<vmem>>[vector<16xi32>], vector<16xi32>,
        %add3A_294 = arith.addi %gather3A, %broadcast_in_dim3A_144 : vector<16xi32>
        tpu.vector_store_idx %arg23[%add3A_280], %add3A_294 : memref<1024xi32, #tpu.memory_space<vmem>>[vector<16xi32>], vector<16xi32>,
        %add3A_295 = arith.addi %gather3A_293, %broadcast_in_dim3A_144 : vector<16xi32>
        tpu.vector_store_idx %arg25[%add3A_292], %add3A_295 : memref<1024xi32, #tpu.memory_space<vmem>>[vector<16xi32>], vector<16xi32>,
      }
      %scan3A_156 = arith.constant 128 : i32
      %scan3A_157 = arith.constant 0 : i32
      %scan3A_158 = arith.constant 0 : i32
      %scan3A_159 = arith.constant 0 : i32
      %scan3A_160 = arith.constant 64 : i32
      %scan3A_161 = arith.addi %scan3A_159, %scan3A_160 : i32
      %scan3A_162 = arith.constant 1 : i32
      %scan3A_163:2 = scf.for %scan3A_268 = %scan3A_159 to %scan3A_161 step %scan3A_162 iter_args(%scan3A_269 = %scan3A_157, %scan3A_270 = %scan3A_158) -> (i32, i32)  : i32 {
        %mul3A_271 = arith.constant 16 : i32
        %mul3A_272 = arith.muli %scan3A_268, %mul3A_271 : i32
        %get3A_273 = arith.index_cast %mul3A_272 : i32 to index
        %get3A_274 = tpu.vector_load %arg23[%get3A_273] {strides = array<i32>} : memref<1024xi32, #tpu.memory_space<vmem>>, vector<16xi32>,
        %get3A_275 = arith.index_cast %mul3A_272 : i32 to index
        %get3A_276 = tpu.vector_load %arg25[%get3A_275] {strides = array<i32>} : memref<1024xi32, #tpu.memory_space<vmem>>, vector<16xi32>,
        %cumsum3A = arith.constant true
        %cumsum3A_277 = vector.broadcast %cumsum3A : i1 to vector<16xi1>
        %cumsum3A_278 = tpu.scan <sum>, %get3A_274 masked %cumsum3A_277 : vector<16xi32>, vector<16xi1> -> vector<16xi32>
        %cumsum3A_279 = arith.constant true
        %cumsum3A_280 = vector.broadcast %cumsum3A_279 : i1 to vector<16xi1>
        %cumsum3A_281 = tpu.scan <sum>, %get3A_276 masked %cumsum3A_280 : vector<16xi32>, vector<16xi1> -> vector<16xi32>
        %sub3A = arith.subi %cumsum3A_278, %get3A_274 : vector<16xi32>
        %add3A_282 = vector.broadcast %scan3A_269 : i32 to vector<16xi32>
        %add3A_283 = arith.addi %sub3A, %add3A_282 : vector<16xi32>
        %swap3A_284 = arith.index_cast %mul3A_272 : i32 to index
        %swap3A_285 = tpu.vector_load %arg24[%swap3A_284] {strides = array<i32>} : memref<1024xi32, #tpu.memory_space<vmem>>, vector<16xi32>,
        tpu.vector_store %arg24[%swap3A_284], %add3A_283 {strides = array<i32>} : memref<1024xi32, #tpu.memory_space<vmem>>, vector<16xi32>,
        %sub3A_286 = arith.subi %cumsum3A_281, %get3A_276 : vector<16xi32>
        %add3A_287 = vector.broadcast %scan3A_270 : i32 to vector<16xi32>
        %add3A_288 = arith.addi %sub3A_286, %add3A_287 : vector<16xi32>
        %swap3A_289 = arith.index_cast %mul3A_272 : i32 to index
        %swap3A_290 = tpu.vector_load %arg26[%swap3A_289] {strides = array<i32>} : memref<1024xi32, #tpu.memory_space<vmem>>, vector<16xi32>,
        tpu.vector_store %arg26[%swap3A_289], %add3A_288 {strides = array<i32>} : memref<1024xi32, #tpu.memory_space<vmem>>, vector<16xi32>,
        %slice3A = vector.extract_strided_slice %cumsum3A_278 {offsets = [15], sizes = [1], strides = [1]} : vector<16xi32> to vector<1xi32>
        %squeeze3A = vector.extract %slice3A[0] : i32 from vector<1xi32>
        %add3A_291 = arith.addi %scan3A_269, %squeeze3A : i32
        %slice3A_292 = vector.extract_strided_slice %cumsum3A_281 {offsets = [15], sizes = [1], strides = [1]} : vector<16xi32> to vector<1xi32>
        %squeeze3A_293 = vector.extract %slice3A_292[0] : i32 from vector<1xi32>
        %add3A_294 = arith.addi %scan3A_270, %squeeze3A_293 : i32
        scf.yield %add3A_291, %add3A_294 : i32, i32
      }
      %scan3A_164 = arith.constant 64 : i32
      %scan3A_165 = arith.constant 0 : i32
      %scan3A_166 = arith.constant 0 : i32
      %scan3A_167 = arith.constant 128 : i32
      %scan3A_168 = arith.addi %scan3A_166, %scan3A_167 : i32
      %scan3A_169 = arith.constant 1 : i32
      scf.for %scan3A_268 = %scan3A_166 to %scan3A_168 step %scan3A_169  : i32 {
        %mul3A_269 = arith.constant 16 : i32
        %mul3A_270 = arith.muli %scan3A_268, %mul3A_269 : i32
        %get3A_271 = arith.index_cast %mul3A_270 : i32 to index
        %get3A_272 = tpu.vector_load %arg9[%get3A_271] {strides = array<i32>} : memref<2048xi32, #tpu.memory_space<vmem>>, vector<16xi32>,
        %get3A_273 = arith.index_cast %mul3A_270 : i32 to index
        %get3A_274 = tpu.vector_load %arg10[%get3A_273] {strides = array<i32>} : memref<2048xf32, #tpu.memory_space<vmem>>, vector<16xf32>,
        %get3A_275 = arith.index_cast %mul3A_270 : i32 to index
        %get3A_276 = tpu.vector_load %arg13[%get3A_275] {strides = array<i32>} : memref<2048xi32, #tpu.memory_space<vmem>>, vector<16xi32>,
        %get3A_277 = arith.index_cast %mul3A_270 : i32 to index
        %get3A_278 = tpu.vector_load %arg14[%get3A_277] {strides = array<i32>} : memref<2048xf32, #tpu.memory_space<vmem>>, vector<16xf32>,
        %broadcast_in_dim3A_279 = arith.constant 24 : i32
        %broadcast_in_dim3A_280 = vector.broadcast %broadcast_in_dim3A_279 : i32 to vector<16xi32>
        %shift_right_logical3A = arith.shrui %get3A_272, %broadcast_in_dim3A_280 : vector<16xi32>
        %and3A = arith.constant 63 : i32
        %and3A_281 = vector.broadcast %and3A : i32 to vector<16xi32>
        %and3A_282 = arith.andi %shift_right_logical3A, %and3A_281 : vector<16xi32>
        %mul3A_283 = arith.constant 16 : i32
        %mul3A_284 = vector.broadcast %mul3A_283 : i32 to vector<16xi32>
        %mul3A_285 = arith.muli %and3A_282, %mul3A_284 : vector<16xi32>
        %add3A_286 = arith.addi %mul3A_285, %iota3A : vector<16xi32>
        %broadcast_in_dim3A_287 = arith.constant 24 : i32
        %broadcast_in_dim3A_288 = vector.broadcast %broadcast_in_dim3A_287 : i32 to vector<16xi32>
        %shift_right_logical3A_289 = arith.shrui %get3A_276, %broadcast_in_dim3A_288 : vector<16xi32>
        %and3A_290 = arith.constant 63 : i32
        %and3A_291 = vector.broadcast %and3A_290 : i32 to vector<16xi32>
        %and3A_292 = arith.andi %shift_right_logical3A_289, %and3A_291 : vector<16xi32>
        %mul3A_293 = arith.constant 16 : i32
        %mul3A_294 = vector.broadcast %mul3A_293 : i32 to vector<16xi32>
        %mul3A_295 = arith.muli %and3A_292, %mul3A_294 : vector<16xi32>
        %add3A_296 = arith.addi %mul3A_295, %iota3A : vector<16xi32>
        %gather3A = tpu.vector_load_idx %arg24[%add3A_286] : memref<1024xi32, #tpu.memory_space<vmem>>[vector<16xi32>], vector<16xi32>,
        %gather3A_297 = tpu.vector_load_idx %arg26[%add3A_296] : memref<1024xi32, #tpu.memory_space<vmem>>[vector<16xi32>], vector<16xi32>,
        %add3A_298 = arith.constant 1 : i32
        %add3A_299 = vector.broadcast %add3A_298 : i32 to vector<16xi32>
        %add3A_300 = arith.addi %gather3A, %add3A_299 : vector<16xi32>
        tpu.vector_store_idx %arg24[%add3A_286], %add3A_300 : memref<1024xi32, #tpu.memory_space<vmem>>[vector<16xi32>], vector<16xi32>,
        %add3A_301 = arith.constant 1 : i32
        %add3A_302 = vector.broadcast %add3A_301 : i32 to vector<16xi32>
        %add3A_303 = arith.addi %gather3A_297, %add3A_302 : vector<16xi32>
        tpu.vector_store_idx %arg26[%add3A_296], %add3A_303 : memref<1024xi32, #tpu.memory_space<vmem>>[vector<16xi32>], vector<16xi32>,
        %and3A_304 = arith.constant 127 : i32
        %and3A_305 = vector.broadcast %and3A_304 : i32 to vector<16xi32>
        %and3A_306 = arith.andi %gather3A, %and3A_305 : vector<16xi32>
        %mul3A_307 = arith.constant 16 : i32
        %mul3A_308 = vector.broadcast %mul3A_307 : i32 to vector<16xi32>
        %mul3A_309 = arith.muli %and3A_306, %mul3A_308 : vector<16xi32>
        %broadcast_in_dim3A_310 = arith.constant 7 : i32
        %broadcast_in_dim3A_311 = vector.broadcast %broadcast_in_dim3A_310 : i32 to vector<16xi32>
        %shift_right_logical3A_312 = arith.shrui %gather3A, %broadcast_in_dim3A_311 : vector<16xi32>
        %add3A_313 = arith.addi %mul3A_309, %shift_right_logical3A_312 : vector<16xi32>
        %and3A_314 = arith.constant 127 : i32
        %and3A_315 = vector.broadcast %and3A_314 : i32 to vector<16xi32>
        %and3A_316 = arith.andi %gather3A_297, %and3A_315 : vector<16xi32>
        %mul3A_317 = arith.constant 16 : i32
        %mul3A_318 = vector.broadcast %mul3A_317 : i32 to vector<16xi32>
        %mul3A_319 = arith.muli %and3A_316, %mul3A_318 : vector<16xi32>
        %broadcast_in_dim3A_320 = arith.constant 7 : i32
        %broadcast_in_dim3A_321 = vector.broadcast %broadcast_in_dim3A_320 : i32 to vector<16xi32>
        %shift_right_logical3A_322 = arith.shrui %gather3A_297, %broadcast_in_dim3A_321 : vector<16xi32>
        %add3A_323 = arith.addi %mul3A_319, %shift_right_logical3A_322 : vector<16xi32>
        tpu.vector_store_idx %arg11[%add3A_313], %get3A_272 : memref<2048xi32, #tpu.memory_space<vmem>>[vector<16xi32>], vector<16xi32>,
        tpu.vector_store_idx %arg12[%add3A_313], %get3A_274 : memref<2048xf32, #tpu.memory_space<vmem>>[vector<16xi32>], vector<16xf32>,
        tpu.vector_store_idx %arg15[%add3A_323], %get3A_276 : memref<2048xi32, #tpu.memory_space<vmem>>[vector<16xi32>], vector<16xi32>,
        tpu.vector_store_idx %arg16[%add3A_323], %get3A_278 : memref<2048xf32, #tpu.memory_space<vmem>>[vector<16xi32>], vector<16xf32>,
      }
      %scan3A_170 = arith.constant 128 : i32
      %broadcast_in_dim3A_171 = arith.constant 0 : i32
      %broadcast_in_dim3A_172 = vector.broadcast %broadcast_in_dim3A_171 : i32 to vector<16xi32>
      %broadcast_in_dim3A_173 = arith.constant 1 : i32
      %broadcast_in_dim3A_174 = vector.broadcast %broadcast_in_dim3A_173 : i32 to vector<16xi32>
      %scan3A_175 = arith.constant 0 : i32
      %scan3A_176 = arith.constant 0 : i32
      %scan3A_177 = arith.constant 64 : i32
      %scan3A_178 = arith.addi %scan3A_176, %scan3A_177 : i32
      %scan3A_179 = arith.constant 1 : i32
      scf.for %scan3A_268 = %scan3A_176 to %scan3A_178 step %scan3A_179  : i32 {
        %mul3A_269 = arith.constant 16 : i32
        %mul3A_270 = arith.muli %scan3A_268, %mul3A_269 : i32
        %swap3A_271 = arith.index_cast %mul3A_270 : i32 to index
        %swap3A_272 = tpu.vector_load %arg23[%swap3A_271] {strides = array<i32>} : memref<1024xi32, #tpu.memory_space<vmem>>, vector<16xi32>,
        tpu.vector_store %arg23[%swap3A_271], %broadcast_in_dim3A_172 {strides = array<i32>} : memref<1024xi32, #tpu.memory_space<vmem>>, vector<16xi32>,
        %swap3A_273 = arith.index_cast %mul3A_270 : i32 to index
        %swap3A_274 = tpu.vector_load %arg25[%swap3A_273] {strides = array<i32>} : memref<1024xi32, #tpu.memory_space<vmem>>, vector<16xi32>,
        tpu.vector_store %arg25[%swap3A_273], %broadcast_in_dim3A_172 {strides = array<i32>} : memref<1024xi32, #tpu.memory_space<vmem>>, vector<16xi32>,
      }
      %scan3A_180 = arith.constant 64 : i32
      %scan3A_181 = arith.constant 0 : i32
      %scan3A_182 = arith.constant 0 : i32
      %scan3A_183 = arith.constant 128 : i32
      %scan3A_184 = arith.addi %scan3A_182, %scan3A_183 : i32
      %scan3A_185 = arith.constant 1 : i32
      scf.for %scan3A_268 = %scan3A_182 to %scan3A_184 step %scan3A_185  : i32 {
        %mul3A_269 = arith.constant 16 : i32
        %mul3A_270 = arith.muli %scan3A_268, %mul3A_269 : i32
        %get3A_271 = arith.index_cast %mul3A_270 : i32 to index
        %get3A_272 = tpu.vector_load %arg11[%get3A_271] {strides = array<i32>} : memref<2048xi32, #tpu.memory_space<vmem>>, vector<16xi32>,
        %broadcast_in_dim3A_273 = arith.constant 30 : i32
        %broadcast_in_dim3A_274 = vector.broadcast %broadcast_in_dim3A_273 : i32 to vector<16xi32>
        %shift_right_logical3A = arith.shrui %get3A_272, %broadcast_in_dim3A_274 : vector<16xi32>
        %and3A = arith.constant 63 : i32
        %and3A_275 = vector.broadcast %and3A : i32 to vector<16xi32>
        %and3A_276 = arith.andi %shift_right_logical3A, %and3A_275 : vector<16xi32>
        %mul3A_277 = arith.constant 16 : i32
        %mul3A_278 = vector.broadcast %mul3A_277 : i32 to vector<16xi32>
        %mul3A_279 = arith.muli %and3A_276, %mul3A_278 : vector<16xi32>
        %add3A_280 = arith.addi %mul3A_279, %iota3A : vector<16xi32>
        %get3A_281 = arith.index_cast %mul3A_270 : i32 to index
        %get3A_282 = tpu.vector_load %arg15[%get3A_281] {strides = array<i32>} : memref<2048xi32, #tpu.memory_space<vmem>>, vector<16xi32>,
        %broadcast_in_dim3A_283 = arith.constant 30 : i32
        %broadcast_in_dim3A_284 = vector.broadcast %broadcast_in_dim3A_283 : i32 to vector<16xi32>
        %shift_right_logical3A_285 = arith.shrui %get3A_282, %broadcast_in_dim3A_284 : vector<16xi32>
        %and3A_286 = arith.constant 63 : i32
        %and3A_287 = vector.broadcast %and3A_286 : i32 to vector<16xi32>
        %and3A_288 = arith.andi %shift_right_logical3A_285, %and3A_287 : vector<16xi32>
        %mul3A_289 = arith.constant 16 : i32
        %mul3A_290 = vector.broadcast %mul3A_289 : i32 to vector<16xi32>
        %mul3A_291 = arith.muli %and3A_288, %mul3A_290 : vector<16xi32>
        %add3A_292 = arith.addi %mul3A_291, %iota3A : vector<16xi32>
        %gather3A = tpu.vector_load_idx %arg23[%add3A_280] : memref<1024xi32, #tpu.memory_space<vmem>>[vector<16xi32>], vector<16xi32>,
        %gather3A_293 = tpu.vector_load_idx %arg25[%add3A_292] : memref<1024xi32, #tpu.memory_space<vmem>>[vector<16xi32>], vector<16xi32>,
        %add3A_294 = arith.addi %gather3A, %broadcast_in_dim3A_174 : vector<16xi32>
        tpu.vector_store_idx %arg23[%add3A_280], %add3A_294 : memref<1024xi32, #tpu.memory_space<vmem>>[vector<16xi32>], vector<16xi32>,
        %add3A_295 = arith.addi %gather3A_293, %broadcast_in_dim3A_174 : vector<16xi32>
        tpu.vector_store_idx %arg25[%add3A_292], %add3A_295 : memref<1024xi32, #tpu.memory_space<vmem>>[vector<16xi32>], vector<16xi32>,
      }
      %scan3A_186 = arith.constant 128 : i32
      %scan3A_187 = arith.constant 0 : i32
      %scan3A_188 = arith.constant 0 : i32
      %scan3A_189 = arith.constant 0 : i32
      %scan3A_190 = arith.constant 64 : i32
      %scan3A_191 = arith.addi %scan3A_189, %scan3A_190 : i32
      %scan3A_192 = arith.constant 1 : i32
      %scan3A_193:2 = scf.for %scan3A_268 = %scan3A_189 to %scan3A_191 step %scan3A_192 iter_args(%scan3A_269 = %scan3A_187, %scan3A_270 = %scan3A_188) -> (i32, i32)  : i32 {
        %mul3A_271 = arith.constant 16 : i32
        %mul3A_272 = arith.muli %scan3A_268, %mul3A_271 : i32
        %get3A_273 = arith.index_cast %mul3A_272 : i32 to index
        %get3A_274 = tpu.vector_load %arg23[%get3A_273] {strides = array<i32>} : memref<1024xi32, #tpu.memory_space<vmem>>, vector<16xi32>,
        %get3A_275 = arith.index_cast %mul3A_272 : i32 to index
        %get3A_276 = tpu.vector_load %arg25[%get3A_275] {strides = array<i32>} : memref<1024xi32, #tpu.memory_space<vmem>>, vector<16xi32>,
        %cumsum3A = arith.constant true
        %cumsum3A_277 = vector.broadcast %cumsum3A : i1 to vector<16xi1>
        %cumsum3A_278 = tpu.scan <sum>, %get3A_274 masked %cumsum3A_277 : vector<16xi32>, vector<16xi1> -> vector<16xi32>
        %cumsum3A_279 = arith.constant true
        %cumsum3A_280 = vector.broadcast %cumsum3A_279 : i1 to vector<16xi1>
        %cumsum3A_281 = tpu.scan <sum>, %get3A_276 masked %cumsum3A_280 : vector<16xi32>, vector<16xi1> -> vector<16xi32>
        %sub3A = arith.subi %cumsum3A_278, %get3A_274 : vector<16xi32>
        %add3A_282 = vector.broadcast %scan3A_269 : i32 to vector<16xi32>
        %add3A_283 = arith.addi %sub3A, %add3A_282 : vector<16xi32>
        %swap3A_284 = arith.index_cast %mul3A_272 : i32 to index
        %swap3A_285 = tpu.vector_load %arg24[%swap3A_284] {strides = array<i32>} : memref<1024xi32, #tpu.memory_space<vmem>>, vector<16xi32>,
        tpu.vector_store %arg24[%swap3A_284], %add3A_283 {strides = array<i32>} : memref<1024xi32, #tpu.memory_space<vmem>>, vector<16xi32>,
        %sub3A_286 = arith.subi %cumsum3A_281, %get3A_276 : vector<16xi32>
        %add3A_287 = vector.broadcast %scan3A_270 : i32 to vector<16xi32>
        %add3A_288 = arith.addi %sub3A_286, %add3A_287 : vector<16xi32>
        %swap3A_289 = arith.index_cast %mul3A_272 : i32 to index
        %swap3A_290 = tpu.vector_load %arg26[%swap3A_289] {strides = array<i32>} : memref<1024xi32, #tpu.memory_space<vmem>>, vector<16xi32>,
        tpu.vector_store %arg26[%swap3A_289], %add3A_288 {strides = array<i32>} : memref<1024xi32, #tpu.memory_space<vmem>>, vector<16xi32>,
        %slice3A = vector.extract_strided_slice %cumsum3A_278 {offsets = [15], sizes = [1], strides = [1]} : vector<16xi32> to vector<1xi32>
        %squeeze3A = vector.extract %slice3A[0] : i32 from vector<1xi32>
        %add3A_291 = arith.addi %scan3A_269, %squeeze3A : i32
        %slice3A_292 = vector.extract_strided_slice %cumsum3A_281 {offsets = [15], sizes = [1], strides = [1]} : vector<16xi32> to vector<1xi32>
        %squeeze3A_293 = vector.extract %slice3A_292[0] : i32 from vector<1xi32>
        %add3A_294 = arith.addi %scan3A_270, %squeeze3A_293 : i32
        scf.yield %add3A_291, %add3A_294 : i32, i32
      }
      %scan3A_194 = arith.constant 64 : i32
      %scan3A_195 = arith.constant 0 : i32
      %scan3A_196 = arith.constant 0 : i32
      %scan3A_197 = arith.constant 128 : i32
      %scan3A_198 = arith.addi %scan3A_196, %scan3A_197 : i32
      %scan3A_199 = arith.constant 1 : i32
      scf.for %scan3A_268 = %scan3A_196 to %scan3A_198 step %scan3A_199  : i32 {
        %mul3A_269 = arith.constant 16 : i32
        %mul3A_270 = arith.muli %scan3A_268, %mul3A_269 : i32
        %get3A_271 = arith.index_cast %mul3A_270 : i32 to index
        %get3A_272 = tpu.vector_load %arg11[%get3A_271] {strides = array<i32>} : memref<2048xi32, #tpu.memory_space<vmem>>, vector<16xi32>,
        %get3A_273 = arith.index_cast %mul3A_270 : i32 to index
        %get3A_274 = tpu.vector_load %arg12[%get3A_273] {strides = array<i32>} : memref<2048xf32, #tpu.memory_space<vmem>>, vector<16xf32>,
        %get3A_275 = arith.index_cast %mul3A_270 : i32 to index
        %get3A_276 = tpu.vector_load %arg15[%get3A_275] {strides = array<i32>} : memref<2048xi32, #tpu.memory_space<vmem>>, vector<16xi32>,
        %get3A_277 = arith.index_cast %mul3A_270 : i32 to index
        %get3A_278 = tpu.vector_load %arg16[%get3A_277] {strides = array<i32>} : memref<2048xf32, #tpu.memory_space<vmem>>, vector<16xf32>,
        %broadcast_in_dim3A_279 = arith.constant 30 : i32
        %broadcast_in_dim3A_280 = vector.broadcast %broadcast_in_dim3A_279 : i32 to vector<16xi32>
        %shift_right_logical3A = arith.shrui %get3A_272, %broadcast_in_dim3A_280 : vector<16xi32>
        %and3A = arith.constant 63 : i32
        %and3A_281 = vector.broadcast %and3A : i32 to vector<16xi32>
        %and3A_282 = arith.andi %shift_right_logical3A, %and3A_281 : vector<16xi32>
        %mul3A_283 = arith.constant 16 : i32
        %mul3A_284 = vector.broadcast %mul3A_283 : i32 to vector<16xi32>
        %mul3A_285 = arith.muli %and3A_282, %mul3A_284 : vector<16xi32>
        %add3A_286 = arith.addi %mul3A_285, %iota3A : vector<16xi32>
        %broadcast_in_dim3A_287 = arith.constant 30 : i32
        %broadcast_in_dim3A_288 = vector.broadcast %broadcast_in_dim3A_287 : i32 to vector<16xi32>
        %shift_right_logical3A_289 = arith.shrui %get3A_276, %broadcast_in_dim3A_288 : vector<16xi32>
        %and3A_290 = arith.constant 63 : i32
        %and3A_291 = vector.broadcast %and3A_290 : i32 to vector<16xi32>
        %and3A_292 = arith.andi %shift_right_logical3A_289, %and3A_291 : vector<16xi32>
        %mul3A_293 = arith.constant 16 : i32
        %mul3A_294 = vector.broadcast %mul3A_293 : i32 to vector<16xi32>
        %mul3A_295 = arith.muli %and3A_292, %mul3A_294 : vector<16xi32>
        %add3A_296 = arith.addi %mul3A_295, %iota3A : vector<16xi32>
        %gather3A = tpu.vector_load_idx %arg24[%add3A_286] : memref<1024xi32, #tpu.memory_space<vmem>>[vector<16xi32>], vector<16xi32>,
        %gather3A_297 = tpu.vector_load_idx %arg26[%add3A_296] : memref<1024xi32, #tpu.memory_space<vmem>>[vector<16xi32>], vector<16xi32>,
        %add3A_298 = arith.constant 1 : i32
        %add3A_299 = vector.broadcast %add3A_298 : i32 to vector<16xi32>
        %add3A_300 = arith.addi %gather3A, %add3A_299 : vector<16xi32>
        tpu.vector_store_idx %arg24[%add3A_286], %add3A_300 : memref<1024xi32, #tpu.memory_space<vmem>>[vector<16xi32>], vector<16xi32>,
        %add3A_301 = arith.constant 1 : i32
        %add3A_302 = vector.broadcast %add3A_301 : i32 to vector<16xi32>
        %add3A_303 = arith.addi %gather3A_297, %add3A_302 : vector<16xi32>
        tpu.vector_store_idx %arg26[%add3A_296], %add3A_303 : memref<1024xi32, #tpu.memory_space<vmem>>[vector<16xi32>], vector<16xi32>,
        tpu.vector_store_idx %arg9[%gather3A], %get3A_272 : memref<2048xi32, #tpu.memory_space<vmem>>[vector<16xi32>], vector<16xi32>,
        tpu.vector_store_idx %arg10[%gather3A], %get3A_274 : memref<2048xf32, #tpu.memory_space<vmem>>[vector<16xi32>], vector<16xf32>,
        tpu.vector_store_idx %arg13[%gather3A_297], %get3A_276 : memref<2048xi32, #tpu.memory_space<vmem>>[vector<16xi32>], vector<16xi32>,
        tpu.vector_store_idx %arg14[%gather3A_297], %get3A_278 : memref<2048xf32, #tpu.memory_space<vmem>>[vector<16xi32>], vector<16xf32>,
      }
      %scan3A_200 = arith.constant 128 : i32
      %broadcast_in_dim3A_201 = arith.constant 0.000000e+00 : f32
      %broadcast_in_dim3A_202 = vector.broadcast %broadcast_in_dim3A_201 : f32 to vector<16xf32>
      %swap3A = arith.constant 0 : index
      %swap3A_203 = tpu.vector_load %arg19[%swap3A] {strides = array<i32>} : memref<2064xf32, #tpu.memory_space<vmem>>, vector<16xf32>,
      tpu.vector_store %arg19[%swap3A], %broadcast_in_dim3A_202 {strides = array<i32>} : memref<2064xf32, #tpu.memory_space<vmem>>, vector<16xf32>,
      %swap3A_204 = arith.constant 0 : index
      %swap3A_205 = tpu.vector_load %arg20[%swap3A_204] {strides = array<i32>} : memref<2064xf32, #tpu.memory_space<vmem>>, vector<16xf32>,
      tpu.vector_store %arg20[%swap3A_204], %broadcast_in_dim3A_202 {strides = array<i32>} : memref<2064xf32, #tpu.memory_space<vmem>>, vector<16xf32>,
      %scan3A_206 = arith.constant 0.000000e+00 : f32
      %scan3A_207 = arith.constant 0.000000e+00 : f32
      %scan3A_208 = arith.constant 0 : i32
      %scan3A_209 = arith.constant 128 : i32
      %scan3A_210 = arith.addi %scan3A_208, %scan3A_209 : i32
      %scan3A_211 = arith.constant 1 : i32
      %scan3A_212:2 = scf.for %scan3A_268 = %scan3A_208 to %scan3A_210 step %scan3A_211 iter_args(%scan3A_269 = %scan3A_206, %scan3A_270 = %scan3A_207) -> (f32, f32)  : i32 {
        %mul3A_271 = arith.constant 16 : i32
        %mul3A_272 = arith.muli %scan3A_268, %mul3A_271 : i32
        %mul3A_273 = arith.constant 16 : i32
        %mul3A_274 = arith.muli %scan3A_268, %mul3A_273 : i32
        %add3A_275 = arith.constant 1 : i32
        %add3A_276 = arith.addi %mul3A_274, %add3A_275 : i32
        %get3A_277 = arith.index_cast %mul3A_272 : i32 to index
        %get3A_278 = tpu.vector_load %arg9[%get3A_277] {strides = array<i32>} : memref<2048xi32, #tpu.memory_space<vmem>>, vector<16xi32>,
        %get3A_279 = arith.index_cast %mul3A_272 : i32 to index
        %get3A_280 = tpu.vector_load %arg13[%get3A_279] {strides = array<i32>} : memref<2048xi32, #tpu.memory_space<vmem>>, vector<16xi32>,
        %not3A = arith.constant dense<-1> : vector<16xi32>
        %not3A_281 = arith.xori %get3A_278, %not3A : vector<16xi32>
        %broadcast_in_dim3A_282 = arith.constant 31 : i32
        %broadcast_in_dim3A_283 = vector.broadcast %broadcast_in_dim3A_282 : i32 to vector<16xi32>
        %shift_right_arithmetic3A = arith.shrsi %not3A_281, %broadcast_in_dim3A_283 : vector<16xi32>
        %or3A = arith.constant -2147483648 : i32
        %or3A_284 = vector.broadcast %or3A : i32 to vector<16xi32>
        %or3A_285 = arith.ori %shift_right_arithmetic3A, %or3A_284 : vector<16xi32>
        %xor3A = arith.xori %get3A_278, %or3A_285 : vector<16xi32>
        %bitcast_convert_type3A = tpu.bitcast %xor3A : vector<16xi32> -> vector<16xf32>
        %swap3A_286 = arith.index_cast %mul3A_272 : i32 to index
        %swap3A_287 = tpu.vector_load %arg17[%swap3A_286] {strides = array<i32>} : memref<2048xf32, #tpu.memory_space<vmem>>, vector<16xf32>,
        tpu.vector_store %arg17[%swap3A_286], %bitcast_convert_type3A {strides = array<i32>} : memref<2048xf32, #tpu.memory_space<vmem>>, vector<16xf32>,
        %not3A_288 = arith.constant dense<-1> : vector<16xi32>
        %not3A_289 = arith.xori %get3A_280, %not3A_288 : vector<16xi32>
        %broadcast_in_dim3A_290 = arith.constant 31 : i32
        %broadcast_in_dim3A_291 = vector.broadcast %broadcast_in_dim3A_290 : i32 to vector<16xi32>
        %shift_right_arithmetic3A_292 = arith.shrsi %not3A_289, %broadcast_in_dim3A_291 : vector<16xi32>
        %or3A_293 = arith.constant -2147483648 : i32
        %or3A_294 = vector.broadcast %or3A_293 : i32 to vector<16xi32>
        %or3A_295 = arith.ori %shift_right_arithmetic3A_292, %or3A_294 : vector<16xi32>
        %xor3A_296 = arith.xori %get3A_280, %or3A_295 : vector<16xi32>
        %bitcast_convert_type3A_297 = tpu.bitcast %xor3A_296 : vector<16xi32> -> vector<16xf32>
        %swap3A_298 = arith.index_cast %mul3A_272 : i32 to index
        %swap3A_299 = tpu.vector_load %arg18[%swap3A_298] {strides = array<i32>} : memref<2048xf32, #tpu.memory_space<vmem>>, vector<16xf32>,
        tpu.vector_store %arg18[%swap3A_298], %bitcast_convert_type3A_297 {strides = array<i32>} : memref<2048xf32, #tpu.memory_space<vmem>>, vector<16xf32>,
        %get3A_300 = arith.index_cast %mul3A_272 : i32 to index
        %get3A_301 = tpu.vector_load %arg10[%get3A_300] {strides = array<i32>} : memref<2048xf32, #tpu.memory_space<vmem>>, vector<16xf32>,
        %get3A_302 = arith.index_cast %mul3A_272 : i32 to index
        %get3A_303 = tpu.vector_load %arg14[%get3A_302] {strides = array<i32>} : memref<2048xf32, #tpu.memory_space<vmem>>, vector<16xf32>,
        %cumsum3A = arith.constant true
        %cumsum3A_304 = vector.broadcast %cumsum3A : i1 to vector<16xi1>
        %cumsum3A_305 = tpu.scan <sum>, %get3A_301 masked %cumsum3A_304 : vector<16xf32>, vector<16xi1> -> vector<16xf32>
        %add3A_306 = vector.broadcast %scan3A_269 : f32 to vector<16xf32>
        %add3A_307 = arith.addf %cumsum3A_305, %add3A_306 : vector<16xf32>
        %cumsum3A_308 = arith.constant true
        %cumsum3A_309 = vector.broadcast %cumsum3A_308 : i1 to vector<16xi1>
        %cumsum3A_310 = tpu.scan <sum>, %get3A_303 masked %cumsum3A_309 : vector<16xf32>, vector<16xi1> -> vector<16xf32>
        %add3A_311 = vector.broadcast %scan3A_270 : f32 to vector<16xf32>
        %add3A_312 = arith.addf %cumsum3A_310, %add3A_311 : vector<16xf32>
        %swap3A_313 = arith.index_cast %add3A_276 : i32 to index
        %swap3A_314 = tpu.vector_load %arg19[%swap3A_313] {strides = array<i32>} : memref<2064xf32, #tpu.memory_space<vmem>>, vector<16xf32>,
        tpu.vector_store %arg19[%swap3A_313], %add3A_307 {strides = array<i32>} : memref<2064xf32, #tpu.memory_space<vmem>>, vector<16xf32>,
        %swap3A_315 = arith.index_cast %add3A_276 : i32 to index
        %swap3A_316 = tpu.vector_load %arg20[%swap3A_315] {strides = array<i32>} : memref<2064xf32, #tpu.memory_space<vmem>>, vector<16xf32>,
        tpu.vector_store %arg20[%swap3A_315], %add3A_312 {strides = array<i32>} : memref<2064xf32, #tpu.memory_space<vmem>>, vector<16xf32>,
        %slice3A = vector.extract_strided_slice %add3A_307 {offsets = [15], sizes = [1], strides = [1]} : vector<16xf32> to vector<1xf32>
        %squeeze3A = vector.extract %slice3A[0] : f32 from vector<1xf32>
        %slice3A_317 = vector.extract_strided_slice %add3A_312 {offsets = [15], sizes = [1], strides = [1]} : vector<16xf32> to vector<1xf32>
        %squeeze3A_318 = vector.extract %slice3A_317[0] : f32 from vector<1xf32>
        scf.yield %squeeze3A, %squeeze3A_318 : f32, f32
      }
      %scan3A_213 = arith.constant 128 : i32
      %max3A = arith.maximumf %scan3A_212#0, %scan3A_212#1 : f32
      %get3A = arith.constant 2033 : index
      %get3A_214 = tpu.vector_load %arg19[%get3A] {strides = array<i32>} : memref<2064xf32, #tpu.memory_space<vmem>>, vector<16xf32>,
      %eq3A = arith.constant 15 : i32
      %eq3A_215 = vector.broadcast %eq3A : i32 to vector<16xi32>
      %eq3A_216 = arith.cmpi eq, %iota3A, %eq3A_215 : vector<16xi32>
      %broadcast_in_dim3A_217 = vector.broadcast %max3A : f32 to vector<16xf32>
      %select_n3A = arith.select %eq3A_216, %broadcast_in_dim3A_217, %get3A_214 : vector<16xi1>, vector<16xf32>
      %swap3A_218 = arith.constant 2033 : index
      %swap3A_219 = tpu.vector_load %arg19[%swap3A_218] {strides = array<i32>} : memref<2064xf32, #tpu.memory_space<vmem>>, vector<16xf32>,
      tpu.vector_store %arg19[%swap3A_218], %select_n3A {strides = array<i32>} : memref<2064xf32, #tpu.memory_space<vmem>>, vector<16xf32>,
      %get3A_220 = arith.constant 2033 : index
      %get3A_221 = tpu.vector_load %arg20[%get3A_220] {strides = array<i32>} : memref<2064xf32, #tpu.memory_space<vmem>>, vector<16xf32>,
      %eq3A_222 = arith.constant 15 : i32
      %eq3A_223 = vector.broadcast %eq3A_222 : i32 to vector<16xi32>
      %eq3A_224 = arith.cmpi eq, %iota3A, %eq3A_223 : vector<16xi32>
      %broadcast_in_dim3A_225 = vector.broadcast %max3A : f32 to vector<16xf32>
      %select_n3A_226 = arith.select %eq3A_224, %broadcast_in_dim3A_225, %get3A_221 : vector<16xi1>, vector<16xf32>
      %swap3A_227 = arith.constant 2033 : index
      %swap3A_228 = tpu.vector_load %arg20[%swap3A_227] {strides = array<i32>} : memref<2064xf32, #tpu.memory_space<vmem>>, vector<16xf32>,
      tpu.vector_store %arg20[%swap3A_227], %select_n3A_226 {strides = array<i32>} : memref<2064xf32, #tpu.memory_space<vmem>>, vector<16xf32>,
      %broadcast_in_dim3A_229 = arith.constant 0.000000e+00 : f32
      %broadcast_in_dim3A_230 = vector.broadcast %broadcast_in_dim3A_229 : f32 to vector<16xf32>
      %swap3A_231 = arith.constant 0 : index
      %swap3A_232 = tpu.vector_load %arg21[%swap3A_231] {strides = array<i32>} : memref<2064xf32, #tpu.memory_space<vmem>>, vector<16xf32>,
      tpu.vector_store %arg21[%swap3A_231], %broadcast_in_dim3A_230 {strides = array<i32>} : memref<2064xf32, #tpu.memory_space<vmem>>, vector<16xf32>,
      %scan3A_233 = arith.constant 0.000000e+00 : f32
      %scan3A_234 = arith.constant 0 : i32
      %scan3A_235 = arith.constant 128 : i32
      %scan3A_236 = arith.addi %scan3A_234, %scan3A_235 : i32
      %scan3A_237 = arith.constant 1 : i32
      %scan3A_238 = scf.for %scan3A_268 = %scan3A_234 to %scan3A_236 step %scan3A_237 iter_args(%scan3A_269 = %scan3A_233) -> (f32)  : i32 {
        %mul3A_270 = arith.constant 16 : i32
        %mul3A_271 = arith.muli %scan3A_268, %mul3A_270 : i32
        %get3A_272 = arith.index_cast %mul3A_271 : i32 to index
        %get3A_273 = tpu.vector_load %arg18[%get3A_272] {strides = array<i32>} : memref<2048xf32, #tpu.memory_space<vmem>>, vector<16xf32>,
        %mul3A_274 = arith.constant 16 : i32
        %mul3A_275 = arith.muli %scan3A_268, %mul3A_274 : i32
        %add3A_276 = arith.constant 1 : i32
        %add3A_277 = arith.addi %mul3A_275, %add3A_276 : i32
        %get3A_278 = arith.index_cast %add3A_277 : i32 to index
        %get3A_279 = tpu.vector_load %arg20[%get3A_278] {strides = array<i32>} : memref<2064xf32, #tpu.memory_space<vmem>>, vector<16xf32>,
        %mul3A_280 = arith.constant 16 : i32
        %mul3A_281 = arith.muli %scan3A_268, %mul3A_280 : i32
        %get3A_282 = arith.index_cast %mul3A_281 : i32 to index
        %get3A_283 = tpu.vector_load %arg20[%get3A_282] {strides = array<i32>} : memref<2064xf32, #tpu.memory_space<vmem>>, vector<16xf32>,
        %sub3A = arith.subf %get3A_279, %get3A_283 : vector<16xf32>
        %mul3A_284 = arith.mulf %get3A_273, %sub3A : vector<16xf32>
        %cumsum3A = arith.constant true
        %cumsum3A_285 = vector.broadcast %cumsum3A : i1 to vector<16xi1>
        %cumsum3A_286 = tpu.scan <sum>, %mul3A_284 masked %cumsum3A_285 : vector<16xf32>, vector<16xi1> -> vector<16xf32>
        %add3A_287 = vector.broadcast %scan3A_269 : f32 to vector<16xf32>
        %add3A_288 = arith.addf %cumsum3A_286, %add3A_287 : vector<16xf32>
        %mul3A_289 = arith.constant 16 : i32
        %mul3A_290 = arith.muli %scan3A_268, %mul3A_289 : i32
        %add3A_291 = arith.constant 1 : i32
        %add3A_292 = arith.addi %mul3A_290, %add3A_291 : i32
        %swap3A_293 = arith.index_cast %add3A_292 : i32 to index
        %swap3A_294 = tpu.vector_load %arg21[%swap3A_293] {strides = array<i32>} : memref<2064xf32, #tpu.memory_space<vmem>>, vector<16xf32>,
        tpu.vector_store %arg21[%swap3A_293], %add3A_288 {strides = array<i32>} : memref<2064xf32, #tpu.memory_space<vmem>>, vector<16xf32>,
        %slice3A = vector.extract_strided_slice %add3A_288 {offsets = [15], sizes = [1], strides = [1]} : vector<16xf32> to vector<1xf32>
        %squeeze3A = vector.extract %slice3A[0] : f32 from vector<1xf32>
        scf.yield %squeeze3A : f32
      }
      %scan3A_239 = arith.constant 128 : i32
      %broadcast_in_dim3A_240 = arith.constant 0.000000e+00 : f32
      %broadcast_in_dim3A_241 = vector.broadcast %broadcast_in_dim3A_240 : f32 to vector<16xf32>
      %swap3A_242 = arith.constant 0 : index
      %swap3A_243 = tpu.vector_load %arg22[%swap3A_242] {strides = array<i32>} : memref<2064xf32, #tpu.memory_space<vmem>>, vector<16xf32>,
      tpu.vector_store %arg22[%swap3A_242], %broadcast_in_dim3A_241 {strides = array<i32>} : memref<2064xf32, #tpu.memory_space<vmem>>, vector<16xf32>,
      %broadcast_in_dim3A_244 = arith.constant 0 : i32
      %broadcast_in_dim3A_245 = vector.broadcast %broadcast_in_dim3A_244 : i32 to vector<16xi32>
      %broadcast_in_dim3A_246 = arith.constant 2048 : i32
      %broadcast_in_dim3A_247 = vector.broadcast %broadcast_in_dim3A_246 : i32 to vector<16xi32>
      %broadcast_in_dim3A_248 = arith.constant 1 : i32
      %broadcast_in_dim3A_249 = vector.broadcast %broadcast_in_dim3A_248 : i32 to vector<16xi32>
      %scan3A_250 = arith.constant 0 : i32
      %scan3A_251 = arith.constant 0 : i32
      %scan3A_252 = arith.constant 64 : i32
      %scan3A_253 = arith.addi %scan3A_251, %scan3A_252 : i32
      %scan3A_254 = arith.constant 1 : i32
      scf.for %scan3A_268 = %scan3A_251 to %scan3A_253 step %scan3A_254  : i32 {
        %mul3A_269 = arith.constant 2 : i32
        %mul3A_270 = arith.muli %mul3A_269, %scan3A_268 : i32
        %mul3A_271 = arith.constant 16 : i32
        %mul3A_272 = arith.muli %mul3A_270, %mul3A_271 : i32
        %add3A_273 = arith.constant 1 : i32
        %add3A_274 = arith.addi %mul3A_272, %add3A_273 : i32
        %get3A_275 = arith.index_cast %add3A_274 : i32 to index
        %get3A_276 = tpu.vector_load %arg19[%get3A_275] {strides = array<i32>} : memref<2064xf32, #tpu.memory_space<vmem>>, vector<16xf32>,
        %mul3A_277 = arith.constant 2 : i32
        %mul3A_278 = arith.muli %mul3A_277, %scan3A_268 : i32
        %add3A_279 = arith.constant 1 : i32
        %add3A_280 = arith.addi %mul3A_278, %add3A_279 : i32
        %mul3A_281 = arith.constant 16 : i32
        %mul3A_282 = arith.muli %add3A_280, %mul3A_281 : i32
        %add3A_283 = arith.constant 1 : i32
        %add3A_284 = arith.addi %mul3A_282, %add3A_283 : i32
        %get3A_285 = arith.index_cast %add3A_284 : i32 to index
        %get3A_286 = tpu.vector_load %arg19[%get3A_285] {strides = array<i32>} : memref<2064xf32, #tpu.memory_space<vmem>>, vector<16xf32>,
        %scan3A_287 = arith.constant 0 : i32
        %scan3A_288 = arith.constant 12 : i32
        %scan3A_289 = arith.addi %scan3A_287, %scan3A_288 : i32
        %scan3A_290 = arith.constant 1 : i32
        %scan3A_291:4 = scf.for %scan3A_326 = %scan3A_287 to %scan3A_289 step %scan3A_290 iter_args(%scan3A_327 = %broadcast_in_dim3A_245, %scan3A_328 = %broadcast_in_dim3A_247, %scan3A_329 = %broadcast_in_dim3A_245, %scan3A_330 = %broadcast_in_dim3A_247) -> (vector<16xi32>, vector<16xi32>, vector<16xi32>, vector<16xi32>)  : i32 {
          %add3A_331 = arith.addi %scan3A_327, %scan3A_328 : vector<16xi32>
          %shift_right_logical3A = arith.shrui %add3A_331, %broadcast_in_dim3A_249 : vector<16xi32>
          %add3A_332 = arith.addi %scan3A_329, %scan3A_330 : vector<16xi32>
          %shift_right_logical3A_333 = arith.shrui %add3A_332, %broadcast_in_dim3A_249 : vector<16xi32>
          %add3A_334 = arith.constant 1 : i32
          %add3A_335 = vector.broadcast %add3A_334 : i32 to vector<16xi32>
          %add3A_336 = arith.addi %shift_right_logical3A, %add3A_335 : vector<16xi32>
          %gather3A_337 = tpu.vector_load_idx %arg20[%add3A_336] : memref<2064xf32, #tpu.memory_space<vmem>>[vector<16xi32>], vector<16xf32>,
          %add3A_338 = arith.constant 1 : i32
          %add3A_339 = vector.broadcast %add3A_338 : i32 to vector<16xi32>
          %add3A_340 = arith.addi %shift_right_logical3A_333, %add3A_339 : vector<16xi32>
          %gather3A_341 = tpu.vector_load_idx %arg20[%add3A_340] : memref<2064xf32, #tpu.memory_space<vmem>>[vector<16xi32>], vector<16xf32>,
          %lt3A = arith.cmpf olt, %gather3A_337, %get3A_276 : vector<16xf32>
          %lt3A_342 = arith.cmpf olt, %gather3A_341, %get3A_286 : vector<16xf32>
          %add3A_343 = arith.constant 1 : i32
          %add3A_344 = vector.broadcast %add3A_343 : i32 to vector<16xi32>
          %add3A_345 = arith.addi %shift_right_logical3A, %add3A_344 : vector<16xi32>
          %select_n3A_346 = arith.select %lt3A, %add3A_345, %scan3A_327 : vector<16xi1>, vector<16xi32>
          %select_n3A_347 = arith.select %lt3A, %scan3A_328, %shift_right_logical3A : vector<16xi1>, vector<16xi32>
          %add3A_348 = arith.constant 1 : i32
          %add3A_349 = vector.broadcast %add3A_348 : i32 to vector<16xi32>
          %add3A_350 = arith.addi %shift_right_logical3A_333, %add3A_349 : vector<16xi32>
          %select_n3A_351 = arith.select %lt3A_342, %add3A_350, %scan3A_329 : vector<16xi1>, vector<16xi32>
          %select_n3A_352 = arith.select %lt3A_342, %scan3A_330, %shift_right_logical3A_333 : vector<16xi1>, vector<16xi32>
          scf.yield %select_n3A_346, %select_n3A_347, %select_n3A_351, %select_n3A_352 : vector<16xi32>, vector<16xi32>, vector<16xi32>, vector<16xi32>
        }
        %scan3A_292 = arith.constant 12 : i32
        %min3A = arith.constant 2047 : i32
        %min3A_293 = vector.broadcast %min3A : i32 to vector<16xi32>
        %min3A_294 = arith.minsi %scan3A_291#0, %min3A_293 : vector<16xi32>
        %min3A_295 = arith.constant 2047 : i32
        %min3A_296 = vector.broadcast %min3A_295 : i32 to vector<16xi32>
        %min3A_297 = arith.minsi %scan3A_291#2, %min3A_296 : vector<16xi32>
        %gather3A = tpu.vector_load_idx %arg21[%min3A_294] : memref<2064xf32, #tpu.memory_space<vmem>>[vector<16xi32>], vector<16xf32>,
        %gather3A_298 = tpu.vector_load_idx %arg21[%min3A_297] : memref<2064xf32, #tpu.memory_space<vmem>>[vector<16xi32>], vector<16xf32>,
        %gather3A_299 = tpu.vector_load_idx %arg20[%min3A_294] : memref<2064xf32, #tpu.memory_space<vmem>>[vector<16xi32>], vector<16xf32>,
        %gather3A_300 = tpu.vector_load_idx %arg20[%min3A_297] : memref<2064xf32, #tpu.memory_space<vmem>>[vector<16xi32>], vector<16xf32>,
        %gather3A_301 = tpu.vector_load_idx %arg18[%min3A_294] : memref<2048xf32, #tpu.memory_space<vmem>>[vector<16xi32>], vector<16xf32>,
        %gather3A_302 = tpu.vector_load_idx %arg18[%min3A_297] : memref<2048xf32, #tpu.memory_space<vmem>>[vector<16xi32>], vector<16xf32>,
        %sub3A = arith.subf %get3A_276, %gather3A_299 : vector<16xf32>
        %mul3A_303 = arith.mulf %gather3A_301, %sub3A : vector<16xf32>
        %add3A_304 = arith.addf %gather3A, %mul3A_303 : vector<16xf32>
        %mul3A_305 = arith.constant 2 : i32
        %mul3A_306 = arith.muli %mul3A_305, %scan3A_268 : i32
        %mul3A_307 = arith.constant 16 : i32
        %mul3A_308 = arith.muli %mul3A_306, %mul3A_307 : i32
        %add3A_309 = arith.constant 1 : i32
        %add3A_310 = arith.addi %mul3A_308, %add3A_309 : i32
        %swap3A_311 = arith.index_cast %add3A_310 : i32 to index
        %swap3A_312 = tpu.vector_load %arg22[%swap3A_311] {strides = array<i32>} : memref<2064xf32, #tpu.memory_space<vmem>>, vector<16xf32>,
        tpu.vector_store %arg22[%swap3A_311], %add3A_304 {strides = array<i32>} : memref<2064xf32, #tpu.memory_space<vmem>>, vector<16xf32>,
        %sub3A_313 = arith.subf %get3A_286, %gather3A_300 : vector<16xf32>
        %mul3A_314 = arith.mulf %gather3A_302, %sub3A_313 : vector<16xf32>
        %add3A_315 = arith.addf %gather3A_298, %mul3A_314 : vector<16xf32>
        %mul3A_316 = arith.constant 2 : i32
        %mul3A_317 = arith.muli %mul3A_316, %scan3A_268 : i32
        %add3A_318 = arith.constant 1 : i32
        %add3A_319 = arith.addi %mul3A_317, %add3A_318 : i32
        %mul3A_320 = arith.constant 16 : i32
        %mul3A_321 = arith.muli %add3A_319, %mul3A_320 : i32
        %add3A_322 = arith.constant 1 : i32
        %add3A_323 = arith.addi %mul3A_321, %add3A_322 : i32
        %swap3A_324 = arith.index_cast %add3A_323 : i32 to index
        %swap3A_325 = tpu.vector_load %arg22[%swap3A_324] {strides = array<i32>} : memref<2064xf32, #tpu.memory_space<vmem>>, vector<16xf32>,
        tpu.vector_store %arg22[%swap3A_324], %add3A_315 {strides = array<i32>} : memref<2064xf32, #tpu.memory_space<vmem>>, vector<16xf32>,
      }
      %scan3A_255 = arith.constant 64 : i32
      %broadcast_in_dim3A_256 = arith.constant 0.000000e+00 : f32
      %broadcast_in_dim3A_257 = vector.broadcast %broadcast_in_dim3A_256 : f32 to vector<16xf32>
      %scan3A_258 = arith.constant 0 : i32
      %scan3A_259 = arith.constant 128 : i32
      %scan3A_260 = arith.addi %scan3A_258, %scan3A_259 : i32
      %scan3A_261 = arith.constant 1 : i32
      %scan3A_262 = scf.for %scan3A_268 = %scan3A_258 to %scan3A_260 step %scan3A_261 iter_args(%scan3A_269 = %broadcast_in_dim3A_257) -> (vector<16xf32>)  : i32 {
        %mul3A_270 = arith.constant 16 : i32
        %mul3A_271 = arith.muli %scan3A_268, %mul3A_270 : i32
        %get3A_272 = arith.index_cast %mul3A_271 : i32 to index
        %get3A_273 = tpu.vector_load %arg17[%get3A_272] {strides = array<i32>} : memref<2048xf32, #tpu.memory_space<vmem>>, vector<16xf32>,
        %mul3A_274 = arith.constant 16 : i32
        %mul3A_275 = arith.muli %scan3A_268, %mul3A_274 : i32
        %get3A_276 = arith.index_cast %mul3A_275 : i32 to index
        %get3A_277 = tpu.vector_load %arg18[%get3A_276] {strides = array<i32>} : memref<2048xf32, #tpu.memory_space<vmem>>, vector<16xf32>,
        %mul3A_278 = arith.constant 16 : i32
        %mul3A_279 = arith.muli %scan3A_268, %mul3A_278 : i32
        %add3A_280 = arith.constant 1 : i32
        %add3A_281 = arith.addi %mul3A_279, %add3A_280 : i32
        %get3A_282 = arith.index_cast %add3A_281 : i32 to index
        %get3A_283 = tpu.vector_load %arg19[%get3A_282] {strides = array<i32>} : memref<2064xf32, #tpu.memory_space<vmem>>, vector<16xf32>,
        %mul3A_284 = arith.constant 16 : i32
        %mul3A_285 = arith.muli %scan3A_268, %mul3A_284 : i32
        %get3A_286 = arith.index_cast %mul3A_285 : i32 to index
        %get3A_287 = tpu.vector_load %arg19[%get3A_286] {strides = array<i32>} : memref<2064xf32, #tpu.memory_space<vmem>>, vector<16xf32>,
        %sub3A = arith.subf %get3A_283, %get3A_287 : vector<16xf32>
        %mul3A_288 = arith.constant 16 : i32
        %mul3A_289 = arith.muli %scan3A_268, %mul3A_288 : i32
        %add3A_290 = arith.constant 1 : i32
        %add3A_291 = arith.addi %mul3A_289, %add3A_290 : i32
        %get3A_292 = arith.index_cast %add3A_291 : i32 to index
        %get3A_293 = tpu.vector_load %arg20[%get3A_292] {strides = array<i32>} : memref<2064xf32, #tpu.memory_space<vmem>>, vector<16xf32>,
        %mul3A_294 = arith.constant 16 : i32
        %mul3A_295 = arith.muli %scan3A_268, %mul3A_294 : i32
        %get3A_296 = arith.index_cast %mul3A_295 : i32 to index
        %get3A_297 = tpu.vector_load %arg20[%get3A_296] {strides = array<i32>} : memref<2064xf32, #tpu.memory_space<vmem>>, vector<16xf32>,
        %sub3A_298 = arith.subf %get3A_293, %get3A_297 : vector<16xf32>
        %mul3A_299 = arith.constant 16 : i32
        %mul3A_300 = arith.muli %scan3A_268, %mul3A_299 : i32
        %add3A_301 = arith.constant 1 : i32
        %add3A_302 = arith.addi %mul3A_300, %add3A_301 : i32
        %get3A_303 = arith.index_cast %add3A_302 : i32 to index
        %get3A_304 = tpu.vector_load %arg22[%get3A_303] {strides = array<i32>} : memref<2064xf32, #tpu.memory_space<vmem>>, vector<16xf32>,
        %mul3A_305 = arith.constant 16 : i32
        %mul3A_306 = arith.muli %scan3A_268, %mul3A_305 : i32
        %get3A_307 = arith.index_cast %mul3A_306 : i32 to index
        %get3A_308 = tpu.vector_load %arg22[%get3A_307] {strides = array<i32>} : memref<2064xf32, #tpu.memory_space<vmem>>, vector<16xf32>,
        %sub3A_309 = arith.subf %get3A_304, %get3A_308 : vector<16xf32>
        %mul3A_310 = arith.mulf %get3A_273, %get3A_273 : vector<16xf32>
        %mul3A_311 = arith.mulf %mul3A_310, %sub3A : vector<16xf32>
        %add3A_312 = arith.addf %scan3A_269, %mul3A_311 : vector<16xf32>
        %mul3A_313 = arith.mulf %get3A_277, %get3A_277 : vector<16xf32>
        %mul3A_314 = arith.mulf %mul3A_313, %sub3A_298 : vector<16xf32>
        %add3A_315 = arith.addf %add3A_312, %mul3A_314 : vector<16xf32>
        %mul3A_316 = arith.constant 2.000000e+00 : f32
        %mul3A_317 = vector.broadcast %mul3A_316 : f32 to vector<16xf32>
        %mul3A_318 = arith.mulf %mul3A_317, %get3A_273 : vector<16xf32>
        %mul3A_319 = arith.mulf %mul3A_318, %sub3A_309 : vector<16xf32>
        %sub3A_320 = arith.subf %add3A_315, %mul3A_319 : vector<16xf32>
        scf.yield %sub3A_320 : vector<16xf32>
      }
      %scan3A_263 = arith.constant 128 : i32
      %mul3A_264 = arith.constant 16 : i32
      %mul3A_265 = arith.muli %scan3A_14, %mul3A_264 : i32
      %swap3A_266 = arith.index_cast %mul3A_265 : i32 to index
      %swap3A_267 = tpu.vector_load %arg29[%swap3A_266] {strides = array<i32>} : memref<800xf32, #tpu.memory_space<vmem>>, vector<16xf32>,
      tpu.vector_store %arg29[%swap3A_266], %scan3A_262 {strides = array<i32>} : memref<800xf32, #tpu.memory_space<vmem>>, vector<16xf32>,
    }
    %scan3A_11 = arith.constant 50 : i32
    %mul3A_12 = arith.constant 16 : i32
    %mul3A_13 = arith.muli %add3A, %mul3A_12 : i32
    "tpu.region"() ({
      %run_scoped3A = tpu.sem_alloc : memref<!tpu.dma_semaphore, #tpu.memory_space<semaphore_mem>>
      %dma_start3A = tpu.memref_slice %arg6[%mul3A_13] : memref<25600xf32, #tpu.memory_space<hbm>> -> memref<800xf32, #tpu.memory_space<hbm>>
      %dma_start3A_14 = tpu.memref_slice %arg6[%mul3A_13] : memref<25600xf32, #tpu.memory_space<hbm>> -> memref<800xf32, #tpu.memory_space<hbm>>
      tpu.enqueue_dma source(%arg29 : memref<800xf32, #tpu.memory_space<vmem>>) target(%dma_start3A_14 : memref<800xf32, #tpu.memory_space<hbm>>) target_semaphore(%run_scoped3A : memref<!tpu.dma_semaphore, #tpu.memory_space<semaphore_mem>>)
      %dma_wait3A = tpu.memref_slice %arg6[%mul3A_13] : memref<25600xf32, #tpu.memory_space<hbm>> -> memref<800xf32, #tpu.memory_space<hbm>>
      %dma_wait3A_15 = tpu.memref_slice %arg6[%mul3A_13] : memref<25600xf32, #tpu.memory_space<hbm>> -> memref<800xf32, #tpu.memory_space<hbm>>
      tpu.wait_dma2 semaphore(%run_scoped3A : memref<!tpu.dma_semaphore, #tpu.memory_space<semaphore_mem>>) src(%arg29 : memref<800xf32, #tpu.memory_space<vmem>>) dst(%dma_wait3A_15 : memref<800xf32, #tpu.memory_space<hbm>>)
      tpu.yield
    }) : () -> ()
    return
  }
}

module attributes {stable_mosaic.version = 14 : i64} {
  func.func @_prep_body(%arg0: i32, %arg1: i32, %arg2: memref<1x1x3x2048xf32, #tpu.memory_space<vmem>>, %arg3: memref<100x3xf32, #tpu.memory_space<vmem>>, %arg4: memref<1x1x100x2048xf32, #tpu.memory_space<vmem>>, %arg5: memref<1x1x8x2048xf32, #tpu.memory_space<vmem>>) attributes {dimension_semantics = [#tpu.dimension_semantics<arbitrary>, #tpu.dimension_semantics<arbitrary>], iteration_bounds = array<i64: 2, 16>, scalar_prefetch = 0 : i64, scratch_operands = 0 : i64, tpu.core_type = #tpu.core_type<tc>, window_params = [{transform_indices = @transform_0, window_bounds = array<i64: 1, 1, 3, 2048>}, {pipeline_mode = #tpu.pipeline_mode<synchronous>, transform_indices = @transform_1, window_bounds = array<i64: 100, 3>}, {transform_indices = @transform_2, window_bounds = array<i64: 1, 1, 100, 2048>}, {transform_indices = @transform_3, window_bounds = array<i64: 1, 1, 8, 2048>}]} {
    %get3A = arith.constant 0 : index
    %get3A_0 = arith.constant 0 : index
    %get3A_1 = arith.constant 0 : index
    %get3A_2 = arith.constant 0 : index
    %get3A_3 = vector.load %arg2[%get3A, %get3A_0, %get3A_1, %get3A_2] : memref<1x1x3x2048xf32, #tpu.memory_space<vmem>>, vector<1x1x3x2048xf32>
    %get3A_4 = vector.shape_cast %get3A_3 : vector<1x1x3x2048xf32> to vector<3x2048xf32>
    %get3A_5 = arith.constant 0 : index
    %get3A_6 = arith.constant 0 : index
    %get3A_7 = vector.load %arg3[%get3A_5, %get3A_6] : memref<100x3xf32, #tpu.memory_space<vmem>>, vector<100x3xf32>
    %slice3A = vector.extract_strided_slice %get3A_4 {offsets = [0, 0], sizes = [1, 2048], strides = [1, 1]} : vector<3x2048xf32> to vector<1x2048xf32>
    %slice3A_8 = vector.extract_strided_slice %get3A_4 {offsets = [1, 0], sizes = [1, 2048], strides = [1, 1]} : vector<3x2048xf32> to vector<1x2048xf32>
    %slice3A_9 = vector.extract_strided_slice %get3A_4 {offsets = [2, 0], sizes = [1, 2048], strides = [1, 1]} : vector<3x2048xf32> to vector<1x2048xf32>
    %slice3A_10 = vector.extract_strided_slice %get3A_7 {offsets = [0, 0], sizes = [100, 1], strides = [1, 1]} : vector<100x3xf32> to vector<100x1xf32>
    %mul3A = vector.broadcast %slice3A_10 : vector<100x1xf32> to vector<100x2048xf32>
    %mul3A_11 = vector.broadcast %slice3A : vector<1x2048xf32> to vector<100x2048xf32>
    %mul3A_12 = arith.mulf %mul3A, %mul3A_11 : vector<100x2048xf32>
    %slice3A_13 = vector.extract_strided_slice %get3A_7 {offsets = [0, 1], sizes = [100, 1], strides = [1, 1]} : vector<100x3xf32> to vector<100x1xf32>
    %mul3A_14 = vector.broadcast %slice3A_13 : vector<100x1xf32> to vector<100x2048xf32>
    %mul3A_15 = vector.broadcast %slice3A_8 : vector<1x2048xf32> to vector<100x2048xf32>
    %mul3A_16 = arith.mulf %mul3A_14, %mul3A_15 : vector<100x2048xf32>
    %add3A = arith.addf %mul3A_12, %mul3A_16 : vector<100x2048xf32>
    %slice3A_17 = vector.extract_strided_slice %get3A_7 {offsets = [0, 2], sizes = [100, 1], strides = [1, 1]} : vector<100x3xf32> to vector<100x1xf32>
    %mul3A_18 = vector.broadcast %slice3A_17 : vector<100x1xf32> to vector<100x2048xf32>
    %mul3A_19 = vector.broadcast %slice3A_9 : vector<1x2048xf32> to vector<100x2048xf32>
    %mul3A_20 = arith.mulf %mul3A_18, %mul3A_19 : vector<100x2048xf32>
    %add3A_21 = arith.addf %add3A, %mul3A_20 : vector<100x2048xf32>
    %swap3A = arith.constant 0 : index
    %swap3A_22 = arith.constant 0 : index
    %swap3A_23 = arith.constant 0 : index
    %swap3A_24 = arith.constant 0 : index
    %swap3A_25 = vector.load %arg4[%swap3A, %swap3A_22, %swap3A_23, %swap3A_24] : memref<1x1x100x2048xf32, #tpu.memory_space<vmem>>, vector<1x1x100x2048xf32>
    %swap3A_26 = vector.shape_cast %swap3A_25 : vector<1x1x100x2048xf32> to vector<100x2048xf32>
    %swap3A_27 = vector.shape_cast %add3A_21 : vector<100x2048xf32> to vector<1x1x100x2048xf32>
    tpu.vector_store %arg4[%swap3A, %swap3A_22, %swap3A_23, %swap3A_24], %swap3A_27 {strides = array<i32>} : memref<1x1x100x2048xf32, #tpu.memory_space<vmem>>, vector<1x1x100x2048xf32>,
    %add3A_28 = arith.addf %slice3A_8, %slice3A : vector<1x2048xf32>
    %integer_pow3A = arith.mulf %add3A_28, %add3A_28 : vector<1x2048xf32>
    %add3A_29 = arith.constant 9.99999993E-9 : f32
    %add3A_30 = vector.broadcast %add3A_29 : f32 to vector<1x2048xf32>
    %add3A_31 = arith.addf %integer_pow3A, %add3A_30 : vector<1x2048xf32>
    %reduce_sum3A = vector.shape_cast %add3A_31 : vector<1x2048xf32> to vector<1x1x2048xf32>
    %reduce_sum3A_32 = arith.constant dense<0.000000e+00> : vector<1xf32>
    %reduce_sum3A_33 = vector.multi_reduction <add>, %reduce_sum3A, %reduce_sum3A_32 [1, 2] : vector<1x1x2048xf32> to vector<1xf32>
    %reduce_sum3A_34 = vector.shape_cast %reduce_sum3A_33 : vector<1xf32> to vector<1x1x1xf32>
    %reduce_sum3A_35 = vector.extract %reduce_sum3A_34[0, 0, 0] : f32 from vector<1x1x1xf32>
    %div3A = vector.broadcast %reduce_sum3A_35 : f32 to vector<1x2048xf32>
    %div3A_36 = arith.divf %integer_pow3A, %div3A : vector<1x2048xf32>
    %broadcast_in_dim3A = vector.shape_cast %div3A_36 : vector<1x2048xf32> to vector<1x2048xf32>
    %broadcast_in_dim3A_37 = vector.broadcast %broadcast_in_dim3A : vector<1x2048xf32> to vector<8x2048xf32>
    %swap3A_38 = arith.constant 0 : index
    %swap3A_39 = arith.constant 0 : index
    %swap3A_40 = arith.constant 0 : index
    %swap3A_41 = arith.constant 0 : index
    %swap3A_42 = vector.load %arg5[%swap3A_38, %swap3A_39, %swap3A_40, %swap3A_41] : memref<1x1x8x2048xf32, #tpu.memory_space<vmem>>, vector<1x1x8x2048xf32>
    %swap3A_43 = vector.shape_cast %swap3A_42 : vector<1x1x8x2048xf32> to vector<8x2048xf32>
    %swap3A_44 = vector.shape_cast %broadcast_in_dim3A_37 : vector<8x2048xf32> to vector<1x1x8x2048xf32>
    tpu.vector_store %arg5[%swap3A_38, %swap3A_39, %swap3A_40, %swap3A_41], %swap3A_44 {strides = array<i32>} : memref<1x1x8x2048xf32, #tpu.memory_space<vmem>>, vector<1x1x8x2048xf32>,
    return
  }
  func.func @transform_0(%arg0: i32, %arg1: i32) -> (i32, i32, i32, i32) {
    %c0_i32 = arith.constant 0 : i32
    %c0_i32_0 = arith.constant 0 : i32
    %c0_i32_1 = arith.constant 0 : i32
    return %arg0, %arg1, %c0_i32, %c0_i32_0 : i32, i32, i32, i32
  }
  func.func @transform_1(%arg0: i32, %arg1: i32) -> (i32, i32) {
    %c0_i32 = arith.constant 0 : i32
    %c0_i32_0 = arith.constant 0 : i32
    %c0_i32_1 = arith.constant 0 : i32
    return %c0_i32, %c0_i32_0 : i32, i32
  }
  func.func @transform_2(%arg0: i32, %arg1: i32) -> (i32, i32, i32, i32) {
    %c0_i32 = arith.constant 0 : i32
    %c0_i32_0 = arith.constant 0 : i32
    %c0_i32_1 = arith.constant 0 : i32
    return %arg0, %arg1, %c0_i32, %c0_i32_0 : i32, i32, i32, i32
  }
  func.func @transform_3(%arg0: i32, %arg1: i32) -> (i32, i32, i32, i32) {
    %c0_i32 = arith.constant 0 : i32
    %c0_i32_0 = arith.constant 0 : i32
    %c0_i32_1 = arith.constant 0 : i32
    return %arg0, %arg1, %c0_i32, %c0_i32_0 : i32, i32, i32, i32
  }
}

</mosaic_0001>

<sc_bundles>
// kernel: kernel.4.cloned.1.call-start
scs
__scs_entry_jumppad:
0x0: {  	(pc) =	sbr.rel $0x88, $3  }
0x1: {  	(tag) =	ssettag $0x0;
	lr =	simm.s32 $0x1  }
0x2: {  	[smem:$0x3F9E] =	sst lr;
	_ =	strace $0xD0000000  }
0x3: {  	_ = 	snop  }
0x4: {  	_ = 	snop  }
0x5: {  	_ = 	snop  }
0x6: {  	_ = 	snop  }
0x7: {  	_ = 	snop  }
__scs_overlays_trampoline_lowered:
0x8: {  	[smem:$0x3FAD] =	sst s0  }
0x9: {  	[smem:$0x3FAE] =	sst s1  }
0xa: {  	[smem:$0x3FAF] =	sst s2  }
0xb: {  	[smem:$0x3FB0] =	sst s3  }
0xc: {  	[smem:$0x3FB1] =	sst s4  }
0xd: {  	[smem:$0x3FB2] =	sst s5  }
0xe: {  	[smem:$0x3FB3] =	sst s6  }
0xf: {  	[smem:$0x3FB4] =	sst s7  }
0x10: {  	[smem:$0x3FB5] =	sst s8  }
0x11: {  	[smem:$0x3FB6] =	sst s9;
	s0 =	simm.s32 @!p0 $0x0  }
0x12: {  	s1 =	sld [smem:$0x3F9C];
	s0 =	simm.s32 @p0 $0x1  }
0x13: {  	[smem:$0x3FB7] =	sst s0;
	s0 =	simm.s32 @!p1 $0x0  }
0x14: {  	s2 =	sld [smem:$0x3F9B];
	s0 =	simm.s32 @p1 $0x1  }
0x15: {  	[smem:$0x3FB8] =	sst s0;
	s0 =	simm.s32 @!p2 $0x0  }
0x16: {  	s3 =	sld [smem:$0x3FDB];
	s0 =	simm.s32 @p2 $0x1  }
0x17: {  	s4 =	simm.s32 $0x1BF5;
	[smem:$0x3FBA] =	sst s0  }
0x18: {  	s0 =	sld [smem:$0x3F9D];
	_ =	swait.ge [sflag:s4], $0x0  }
0x19: {  	s7 =	sld [smem:$0x3F9E]  }
0x1a: {  	s8 =	sadd.s32 $0xFFFFE003, lr  }
0x1b: {  	s9 =	sadd.s32 $0xFFFFFEF7, lr;
	s5 =	simm.s32 $0xFFFFFFFF;
	p2 =	slt.u32 s8, $0xFFFFF086  }
0x1c: {  	p1 =	slt.u32 s9, $0xF7A;
	s5 =	simm.s32 @!p2 $0x0  }
0x1d: {  	s5 =	simm.s32 @p1 $0x1;
	p0 =	seq.s32 s7, s2  }
0x1e: {  	s7 =	smul.u32 @!p0 $0xF7A, s2;
	p2 =	seq.s32 @!p0 s5, $0x0  }
0x1f: {  	s9 =	smul.u32 $0xF7A, s1;
	s8 =	simm.s32 @!p0 $0x1BF5;
	p2 =	por !p2, p0  }
0x20: {  	[sflag:s8] =	ssyncset.s32 @!p0 $0xFFFFF086;
	s6 =	sadd.s32 @!p0 s3, s7;
	s7 =	simm.s32 @!p0 $0x108  }
0x21: {  	s3 =	sadd.s32 s3, s9;
	s6 =	sadd.s32 @!p0 $0x88, s6;
	s7 =	simm.s32 @p2 $0x1082  }
0x22: {  	[simem:s7], [sflag:s8] =	dma.local @!p0 [hbm:s6], $0xF7A  }
0x23: {  	s9 =	sor.u32 $0xD0000000, s2;
	s6 =	simm.s32 $0x108;
	_ =	swait.ge @!p0 [sflag:s8], $0x0  }
0x24: {  	s3 =	sadd.s32 $0x88, s3;
	s6 =	simm.s32 @!p1 $0x1082;
	[sflag:s4] =	ssyncset.s32 $0xFFFFF086  }
0x25: {  	[simem:s6], [sflag:s4] =	dma.local [hbm:s3], $0xF7A  }
0x26: {  	[smem:$0x3F9E] =	sst s1;
	(tag) =	ssettag s2;
	_ =	strace s9  }
0x27: {  	s1 =	sld [smem:$0x3FAE]  }
0x28: {  	s2 =	sld [smem:$0x3FAF]  }
0x29: {  	s4 =	sld [smem:$0x3FB1]  }
0x2a: {  	p0 =	seq.s32 s5, $0x0;
	s5 =	sld [smem:$0x3FB2]  }
0x2b: {  	s6 =	sld [smem:$0x3FB3]  }
0x2c: {  	s7 =	sld [smem:$0x3FB4]  }
0x2d: {  	s3 =	simm.s32 $0x108;
	s8 =	sld [smem:$0x3FB5]  }
0x2e: {  	s3 =	simm.s32 @!p0 $0x1082;
	s9 =	sld [smem:$0x3FB6]  }
0x2f: {  	lr =	sadd.s32 s0, s3;
	s0 =	sld [smem:$0x3FAD]  }
0x30: {  	s3 =	sld [smem:$0x3FB0]  }
0x31: {  	[smem:$0x3FB9] =	sst s10  }
0x32: {  	s10 =	sld [smem:$0x3FB7];
	_ =	sdelay $0x3  }
0x33: {  	p0 =	seq.s32 s10, $0x1;
	s10 =	sld [smem:$0x3FB9];
	_ =	sdelay $0x3  }
0x34: {  	[smem:$0x3FB9] =	sst s10  }
0x35: {  	s10 =	sld [smem:$0x3FB8];
	_ =	sdelay $0x3  }
0x36: {  	p1 =	seq.s32 s10, $0x1;
	s10 =	sld [smem:$0x3FB9];
	_ =	sdelay $0x3  }
0x37: {  	[smem:$0x3FB9] =	sst s10  }
0x38: {  	s10 =	sld [smem:$0x3FBA]  }
0x39: {  	_ = 	snop;
	(pc) =	sbr.ind lr, $3  }
0x3a: {  	_ = 	snop  }
0x3b: {  	_ = 	snop  }
0x3c: {  	p2 =	seq.s32 s10, $0x1;
	s10 =	sld [smem:$0x3FB9]  }
0x3d: {  	_ =	shalt  }
0x3e: {  	_ =	shalt  }
0x3f: {  	_ =	shalt  }
0x40: {  	_ =	shalt  }
0x41: {  	_ =	shalt  }
0x42: {  	_ =	shalt  }
0x43: {  	_ =	shalt  }
0x44: {  	_ =	shalt  }
0x45: {  	_ =	shalt  }
0x46: {  	_ =	shalt  }
0x47: {  	_ =	shalt  }
0x48: {  	_ =	shalt  }
0x49: {  	_ =	shalt  }
0x4a: {  	_ =	shalt  }
0x4b: {  	_ =	shalt  }
0x4c: {  	_ =	shalt  }
0x4d: {  	_ =	shalt  }
0x4e: {  	_ =	shalt  }
0x4f: {  	_ =	shalt  }
0x50: {  	_ =	shalt  }
0x51: {  	_ =	shalt  }
0x52: {  	_ =	shalt  }
0x53: {  	_ =	shalt  }
0x54: {  	_ =	shalt  }
0x55: {  	_ =	shalt  }
0x56: {  	_ =	shalt  }
0x57: {  	_ =	shalt  }
0x58: {  	_ =	shalt  }
0x59: {  	_ =	shalt  }
0x5a: {  	_ =	shalt  }
0x5b: {  	_ =	shalt  }
0x5c: {  	_ =	shalt  }
0x5d: {  	_ =	shalt  }
0x5e: {  	_ =	shalt  }
0x5f: {  	_ =	shalt  }
0x60: {  	_ =	shalt  }
0x61: {  	_ =	shalt  }
0x62: {  	_ =	shalt  }
0x63: {  	_ =	shalt  }
0x64: {  	_ =	shalt  }
0x65: {  	_ =	shalt  }
0x66: {  	_ =	shalt  }
0x67: {  	_ =	shalt  }
0x68: {  	_ =	shalt  }
0x69: {  	_ =	shalt  }
0x6a: {  	_ =	shalt  }
0x6b: {  	_ =	shalt  }
0x6c: {  	_ =	shalt  }
0x6d: {  	_ =	shalt  }
0x6e: {  	_ =	shalt  }
0x6f: {  	_ =	shalt  }
0x70: {  	_ =	shalt  }
0x71: {  	_ =	shalt  }
0x72: {  	_ =	shalt  }
0x73: {  	_ =	shalt  }
0x74: {  	_ =	shalt  }
0x75: {  	_ =	shalt  }
0x76: {  	_ =	shalt  }
0x77: {  	_ =	shalt  }
0x78: {  	_ =	shalt  }
0x79: {  	_ =	shalt  }
0x7a: {  	_ =	shalt  }
0x7b: {  	_ =	shalt  }
0x7c: {  	_ =	shalt  }
0x7d: {  	_ =	shalt  }
0x7e: {  	_ =	shalt  }
0x7f: {  	_ =	shalt  }
0x80: {  	_ =	shalt  }
0x81: {  	_ =	shalt  }
0x82: {  	_ =	shalt  }
0x83: {  	_ =	shalt  }
0x84: {  	_ =	shalt  }
0x85: {  	_ =	shalt  }
0x86: {  	_ =	shalt  }
0x87: {  	_ =	shalt  }
.Lfunc_end0:
.L_simem_size_0:
called_computation_lowered:
.L_overlay_start_0:
0x88: {  	s2 =	sld [smem:$0x3FD9]  }
0x89: {  	s3 =	sld [smem:$0x3FFE];
	_ =	sdelay $0x1  }
0x8a: {  	s1 =	srdreg.scid  }
0x8b: {  	s0 =	sand.u32 $0x1, s1  }
0x8c: {  	s16 =	sshll.u32 s0, $0xA;
	s2 =	sadd.s32 s3, s2  }
0x8d: {  	s2 =	sadd.s32 s2, s16  }
0x8e: {  	[smem:$0x3FC5] =	sst s2  }
0x8f: {  	_ = 	snop  }
0x90: {  	(tm) =	ssettm $0x1  }
0x91: {  	s17 =	sld [smem:$0x3FFB];
	_ =	sdelay $0x3  }
0x92: {  	_ =	strace s17  }
0x93: {  	s2 =	sld [smem:$0x3FFC];
	_ =	sdelay $0x3  }
0x94: {  	_ =	strace s2  }
0x95: {  	s2 =	sld [smem:$0x3FFD];
	_ =	sdelay $0x3  }
0x96: {  	_ =	strace s2  }
0x97: {  	_ =	strace $0x8FFFFFFF  }
0x98: {  	s18 =	sld [smem:$0x3FDB];
	_ =	sdelay $0x1  }
0x99: {  	s19 =	simm.s32 $_scs_section_size  }
0x9a: {  	s4 =	simm.s32 $_size__tile_overlayer_lowered;
	s5 =	simm.s32 $_tile_overlayer_lowered  }
0x9b: {  	s22 =	simm.s32 $0x1BFF;
	s21 =	sshll.u32 s5, $0x1;
	s2 =	sadd.s32 s19, s18  }
0x9c: {  	s6 =	simm.s32 $0x0;
	s20 =	sshll.u32 s4, $0x1;
	s4 =	sadd.s32 s21, s2  }
0x9d: {  	[timem:s6], [sflag:s22] =	dma.local [hbm:s4], s20  }
0x9e: {  	_ =	swait.ge [sflag:s22], s20  }
0x9f: {  	s3 =	ssub.s32 $0x0, s20;
	[sflag:s22] =	ssyncset.done $0x0  }
0xa0: {  	[sflag:s22] =	ssyncadd.s32 s3;
	_ =	sdelay $0x1  }
0xa1: {  	s23 =	simm.s32 $0x1B8B  }
0xa2: {  	_ =	swait.ge [sflag:s23], $0x1  }
0xa3: {  	[sflag:s23] =	ssyncset.done $0x0  }
0xa4: {  	s25 =	simm.s32 $0x1B8E;
	s24 =	sld [smem:$0x3FFE];
	[sflag:s23] =	ssyncadd.s32 $0xFFFFFFFF  }
0xa5: {  	s26 =	simm.s32 $execute0_lowered;
	[smem:$0x3FD2] =	sst s25  }
0xa6: {  	s4 =	sshll.u32 s26, $0x1;
	_ =	strace $0x80000046;
	[dreg:$0x1] =	wrdreg $0xFFFFFFFF  }
0xa7: {  	s28 =	simm.s32 $_size_execute0_lowered;
	s2 =	sadd.s32 s2, s4;
	[dreg:$0x0] =	wrdreg $0x0  }
0xa8: {  	s4 =	sshll.u32 s28, $0x1;
	[dreg:$0x2] =	wrdreg s2  }
0xa9: {  	[dreg:$0x3] =	wrdreg s4  }
0xaa: {  	[dreg:$0x4] =	wrdreg $0xC0  }
0xab: {  	_ =	task [dreg:s6], $0x5FFFF  }
0xac: {  	[dreg:$0x1] =	wrdreg $0xFFFFFFFF  }
0xad: {  	[dreg:$0x0] =	wrdreg $0x60  }
0xae: {  	[dreg:$0x2] =	wrdreg s24  }
0xaf: {  	[dreg:$0x3] =	wrdreg $0x9  }
0xb0: {  	_ =	task.clear_ibuf [dreg:s6], $0x4FFFF;
	_ =	strace $0x90000046  }
0xb1: {  	s29 =	simm.s32 $0x9;
	_ =	strace $0x80000048  }
0xb2: {  	_ =	swait.ge [sflag:s29], $0x1  }
0xb3: {  	[sflag:s29] =	ssyncadd.s32 $0xFFFFFFFF  }
0xb4: {  	_ =	strace $0x90000048  }
0xb5: {  	_ =	sfence  }
0xb6: {  	s30 =	sld [smem:$0x0];
	_ =	sdelay $0x2  }
0xb7: {  	s31 =	sshll.u32 s1, $0xD;
	s1 =	sshrl.u32 s1, $0x2  }
0xb8: {  	s3 =	sand.u32 $0x4000, s31;
	s1 =	sadd.s32 s1, s30  }
0xb9: {  	s0 =	sor.u32 s3, s0;
	s1 =	sshll.u32 s1, $0x11  }
0xba: {  	s0 =	sor.u32 s1, s0  }
0xbb: {  	s0 =	sadd.s32 $0x8F2B, s0  }
0xbc: {  	[sflag:s0] =	ssyncadd.remote.s32 $0x1  }
0xbd: {  	_ =	sfence.sel $0xFFFF  }
0xbe: {  	[dreg:$0x0] =	wrdreg $0xFFFFFFFF;
	(pc) =	sbr.abs _section_cstart, $3  }
0xbf: {  	[dreg:$0x1] =	wrdreg $0xFFFFFFFF  }
0xc0: {  	_ =	task.clear_ibuf [dreg:s6], $0x2FFFF;
	_ =	strace $0x9FFFFFFF  }
0xc1: {  	(tm) =	ssettm $0x7FFFFFFF  }
tec
execute0_lowered:
.L_overlay_start_1:
0x0: {  	(tag) =	ssettag $0x1  }
0x1: {  	s0 =	rddreg [dreg:$0x0];
	s6 =	stileid.u32  }
0x2: {  	s1 =	srdreg.scid;
	s3 =	simm.s32 $0x0;
	s10 =	simm.s32 $0x80  }
0x3: {  	s11 =	simm.s32 $0x400;
	s13 =	simm.s32 $0x1;
	s15 =	simm.s32 $0x800  }
0x4: {  	s16 =	simm.s32 $0x8200;
	s17 =	simm.s32 $0x8A00;
	s18 =	simm.s32 $0x8600  }
0x5: {  	s19 =	simm.s32 $0x8E00;
	s20 =	simm.s32 $0x2000;
	s21 =	simm.s32 $0x2800  }
0x6: {  	s22 =	simm.s32 $0x4000;
	s28 =	simm.s32 $0x3800;
	s29 =	simm.s32 $0x6880  }
0x7: {  	s30 =	simm.s32 $0x7100;
	s31 =	simm.s32 $0x5800;
	s1 =	sand.u32 $0x1, s1  }
0x8: {  	s2 =	smul.u32 $0x64, s6;
	[smem:$0x7FF] =	sst s3;
	s3 =	sadd.s32 $0x74200, s0  }
0x9: {  	s4 =	sadd.s32 $0x200, s0;
	s5 =	smul.u32 $0x32, s1;
	s1 =	ssub.s32 $0x2, s1  }
0xa: {  	s23 =	sshll.u32 s6, $0xB;
	_ =	strace $0x80000047;
	s7 =	sshrl.u32 s1, $0x1  }
0xb: {  	s5 =	sadd.s32 s5, s2;
	s2 =	sadd.s32 s23, s0;
	s1 =	ssub.s32 s1, s7  }
0xc: {  	s23 =	simm.s32 $0x4800;
	s24 =	sshll.u32 s5, $0x1;
	s25 =	sadd.s32 $0x6C200, s2  }
0xd: {  	s2 =	sadd.s32 $0x64200, s2;
	s26 =	smax.u32 s1, $0x1;
	[dreg:$0x2] =	wrdreg s25  }
0xe: {  	s1 =	simm.s32 $0x0;
	s0 =	sadd.s32 s24, s0;
	[dreg:$0x3] =	wrdreg s2  }
0xf: {  	v0 =	vimm.s32 $0x0;
	v1 =	vlaneseq.u32;
	[dreg:$0x5] =	wrdreg s26;
	s24 =	simm.s32 $0x1000;
	s0 =	sadd.s32 $0xD8200, s0  }
0x10: {  	v2 =	vimm.f32 $0.0e+00;
	v3 =	vimm.s32 $0x80000000;
	vm0 =	vcmask $0x3F3C;
	s25 =	simm.s32 $0x1800;
	s26 =	simm.s32 $0x3000;
	[dreg:$0x4] =	wrdreg s0  }
.LBB2_1:
0x11: {  	[dreg:$0x6] =	wrdreg s1  }
0x12: {  	s0 =	rddreg [dreg:$0x2];
	s9 =	simm.s32 $0x9200  }
0x13: {  	[tilespmem:s9], [sflag:$0x1] =	stream.strided.gather [hbm4b:s0+s10], $0x800, s11, s10, $0x38;
	[tilespmem:$0xA580] =	vst v63  }
0x14: {  	_ =	swait.ge [sflag:s13], $0x800  }
0x15: {  	[sflag:s13] =	ssyncset.done $0x0  }
0x16: {  	s14 =	simm.s32 $0x9A00;
	s12 =	rddreg [dreg:$0x3];
	[sflag:s13] =	ssyncadd.s32 $0xFFFFF800  }
0x17: {  	[tilespmem:s14], [sflag:$0x1] =	stream.strided.gather [hbm4b:s12+s10], $0x800, s11, s10, $0x38;
	[tilespmem:$0xA580] =	vst v63  }
0x18: {  	_ =	swait.ge [sflag:s13], $0x800  }
0x19: {  	[sflag:s13] =	ssyncset.done $0x0  }
0x1a: {  	s12 =	simm.s32 $0x0;
	[sflag:s13] =	ssyncadd.s32 $0xFFFFF800  }
.LBB2_2:
0x1b: {  	s0 =	sadd.s32 s5, s12  }
0x1c: {  	s1 =	sshll.u32 s0, $0x8;
	s0 =	sshll.u32 s0, $0x4  }
0x1d: {  	s1 =	sand.u32 $0x1FF800, s1;
	s0 =	sand.u32 $0x70, s0  }
0x1e: {  	s0 =	sor.u32 s0, s1  }
0x1f: {  	s2 =	simm.s32 $0x0;
	s1 =	sadd.s32 s3, s0  }
0x20: {  	[tilespmem:s2], [sflag:$0x1] =	stream.strided.gather [hbm4b:s1+s10], $0x800, s11, s10, $0x38;
	[tilespmem:$0xA580] =	vst v63  }
0x21: {  	_ =	swait.ge [sflag:s13], $0x800  }
0x22: {  	[sflag:s13] =	ssyncset.done $0x0  }
0x23: {  	s0 =	sadd.s32 s4, s0;
	[sflag:s13] =	ssyncadd.s32 $0xFFFFF800  }
0x24: {  	[tilespmem:s15], [sflag:$0x1] =	stream.strided.gather [hbm4b:s0+s10], $0x800, s11, s10, $0x38;
	[tilespmem:$0xA580] =	vst v63  }
0x25: {  	_ =	swait.ge [sflag:s13], $0x800  }
0x26: {  	[sflag:s13] =	ssyncset.done $0x0  }
0x27: {  	s0 =	simm.s32 $0x0;
	[sflag:s13] =	ssyncadd.s32 $0xFFFFF800  }
0x28: {  	v6 =	vld [tilespmem:s0+$0x800]  }
0x29: {  	v4 =	vld [tilespmem:s0+$0x0]  }
0x2a: {  	v7 =	vld [tilespmem:s0+$0x9200]  }
0x2b: {  	v5 =	vld [tilespmem:s0+$0x9A00]  }
0x2c: {  	s2 =	simm.s32 $0x40  }
.LBB2_3:
0x2d: {  	s1 =	sshra.s32 s2, $0x2;
	p0 =	sne.s32 s2, $0x1FC0;
	s2 =	sadd.s32 $0x40, s2;
	v8 =	vshra.s32 v6, $0x1F;
	v9 =	vmov v6  }
.Ltmp0:
0x2e: {  	v6 =	vld [tilespmem:s1+$0x800];
	v10 =	vshra.s32 v4, $0x1F;
	v13 =	vor.u32 $0x80000000, v8;
	v11 =	vmov v4;
	(pc) =	sbr.rel @p0 .LBB2_3-.Ltmp0, $4  }
0x2f: {  	v4 =	vld [tilespmem:s1+$0x0];
	v10 =	vor.u32 $0x80000000, v10;
	v12 =	vxor.u32 v9, v13;
	[tilespmem:s0+$0x1800] =	vst v7  }
0x30: {  	v7 =	vld [tilespmem:s1+$0x9200];
	v9 =	vxor.u32 v11, v10;
	[tilespmem:s0+$0x3000] =	vst v12;
	v8 =	vmov v5  }
0x31: {  	v5 =	vld [tilespmem:s1+$0x9A00];
	[tilespmem:s0+$0x1000] =	vst v9  }
0x32: {  	[tilespmem:s0+$0x3800] =	vst v8;
	s0 =	smov.u32 s1  }
0x33: {  	v8 =	vshra.s32 v6, $0x1F  }
0x34: {  	v8 =	vor.u32 $0x80000000, v8  }
0x35: {  	v9 =	vshra.s32 v4, $0x1F;
	v63 =	vxor.u32 v6, v8;
	[tilespmem:s0+$0x1800] =	vst v7  }
0x36: {  	v9 =	vor.u32 $0x80000000, v9;
	[tilespmem:s0+$0x3000] =	vst v63  }
0x37: {  	v4 =	vxor.u32 v4, v9;
	[tilespmem:s0+$0x3800] =	vst v5  }
0x38: {  	s1 =	simm.s32 $0x0;
	[tilespmem:s0+$0x1000] =	vst v4;
	s0 =	simm.s32 $0x40  }
.LBB2_5:
0x39: {  	p0 =	sne.s32 s0, $0xFC0;
	[tilespmem:s1+$0x8200] =	vst v0;
	s2 =	smov.u32 s0;
	s0 =	sadd.s32 $0x40, s0  }
.Ltmp1:
0x3a: {  	[tilespmem:s1+$0x8A00] =	vst v0;
	(pc) =	sbr.rel @p0 .LBB2_5-.Ltmp1, $2  }
0x3b: {  	_ =	sdelay $0x2  }
0x3c: {  	s1 =	sshra.s32 s2, $0x2  }
0x3d: {  	[tilespmem:s1+$0x8200] =	vst v0  }
0x3e: {  	[tilespmem:s1+$0x8A00] =	vst v0;
	s1 =	simm.s32 $0x0  }
0x3f: {  	s14 =	simm.s32 $0x0;
	s0 =	simm.s32 $0x40;
	v4 =	vld [tilespmem:s1+$0x1000]  }
.LBB2_7:
0x40: {  	p0 =	sne.s32 s0, $0x1FC0;
	v5 =	vld [tilespmem:s1+$0x3000];
	_ =	sdelay $0x3  }
0x41: {  	v4 =	vshll.u32 v4, $0x4  }
0x42: {  	v4 =	vor.u32 v1, v4;
	v5 =	vshll.u32 v5, $0x4  }
0x43: {  	v5 =	vor.u32 v1, v5;
	v4 =	vand.u32 $0x3FF, v4  }
0x44: {  	v5 =	vand.u32 $0x3FF, v5;
	_ =	sdelay $0x3  }
0x45: {  	v6 =	vld.idx.msk [tilespmem:v4+s16+$0x0], $0xffff  }
0x46: {  	v7 =	vld.idx.msk [tilespmem:v5+s17+$0x0], $0xffff;
	_ =	sdelay $0x3  }
.Ltmp2:
0x47: {  	(pc) =	sbr.rel @p0 .LBB2_7-.Ltmp2, $4  }
0x48: {  	v6 =	vadd.s32 $0x1, v6  }
0x49: {  	[tilespmem:v4+s16+$0x0] =	vst.idx.msk $0xffff, v6;
	v4 =	vadd.s32 $0x1, v7  }
0x4a: {  	s1 =	sshra.s32 s0, $0x2;
	[tilespmem:v5+s17+$0x0] =	vst.idx.msk $0xffff, v4  }
0x4b: {  	s0 =	sadd.s32 $0x40, s0;
	v4 =	vld [tilespmem:s1+$0x1000]  }
0x4c: {  	v5 =	vld [tilespmem:s1+$0x3000];
	_ =	sdelay $0x3  }
0x4d: {  	v4 =	vshll.u32 v4, $0x4  }
0x4e: {  	v4 =	vor.u32 v1, v4;
	v5 =	vshll.u32 v5, $0x4  }
0x4f: {  	v5 =	vor.u32 v1, v5;
	v4 =	vand.u32 $0x3FF, v4  }
0x50: {  	v5 =	vand.u32 $0x3FF, v5;
	_ =	sdelay $0x3  }
0x51: {  	v6 =	vld.idx.msk [tilespmem:v4+s16+$0x0], $0xffff  }
0x52: {  	v7 =	vld.idx.msk [tilespmem:v5+s17+$0x0], $0xffff;
	_ =	sdelay $0x3  }
0x53: {  	v6 =	vadd.s32 $0x1, v6  }
0x54: {  	[tilespmem:v4+s16+$0x0] =	vst.idx.msk $0xffff, v6;
	v4 =	vadd.s32 $0x1, v7  }
0x55: {  	s9 =	simm.s32 $0x0;
	[tilespmem:v5+s17+$0x0] =	vst.idx.msk $0xffff, v4  }
0x56: {  	v12 =	vld [tilespmem:s9+$0x8A00];
	_ =	sdelay $0x4  }
0x57: {  	(xrf0) =	vadd.scan.msk.s32 $0xffff, v12  }
0x58: {  	v13 =	vld [tilespmem:s9+$0x8200];
	_ =	sdelay $0x1  }
0x59: {  	s6 =	simm.s32 $0x10  }
0x5a: {  	v7 =	vld [tilespmem:s6+$0x8A00]  }
0x5b: {  	s2 =	simm.s32 $0x20;
	v6 =	vld [tilespmem:s6+$0x8200]  }
0x5c: {  	v5 =	vld [tilespmem:s2+$0x8A00];
	v14, _, _ =	vpop (xrf0);
	(xrf0) =	vadd.scan.msk.s32 $0xffff, v13  }
0x5d: {  	v4 =	vld [tilespmem:s2+$0x8200];
	_ =	sdelay $0x1  }
0x5e: {  	(xrf0) =	vadd.scan.msk.s32 $0xffff, v7  }
0x5f: {  	(xrf0) =	vadd.scan.msk.s32 $0xffff, v6  }
0x60: {  	(xrf0) =	vadd.scan.msk.s32 $0xffff, v5  }
0x61: {  	(v2sf) =	vpush v14, $0xF;
	(xrf0) =	vadd.scan.msk.s32 $0xffff, v4;
	v15, _, _ =	vpop (xrf0)  }
0x62: {  	(v2sf) =	vpush v15, $0xF  }
0x63: {  	v12 =	vsub.s32 s14, v12  }
0x64: {  	v13 =	vsub.s32 s14, v13;
	v11, _, _ =	vpop (xrf0)  }
0x65: {  	v8, _, _ =	vpop (xrf0);
	(v2sf) =	vpush v11, $0xF  }
0x66: {  	v14 =	vadd.s32 v14, v12;
	(v2sf) =	vpush v8, $0xF;
	v12, _, _ =	vpop (xrf0)  }
0x67: {  	v15 =	vadd.s32 v15, v13;
	v13, _, _ =	vpop (xrf0);
	(v2sf) =	vpush v12, $0xF  }
0x68: {  	(v2sf) =	vpush v13, $0xF  }
0x69: {  	s0 =	simm.s32 $0x30  }
0x6a: {  	v9 =	vld [tilespmem:s0+$0x8A00]  }
0x6b: {  	v10 =	vld [tilespmem:s0+$0x8200];
	_ =	sdelay $0x3  }
0x6c: {  	s7 =	simm.s32 $0x40;
	[tilespmem:s9+$0x8E00] =	vst v14;
	(xrf0) =	vadd.scan.msk.s32 $0xffff, v9  }
0x6d: {  	s8 =	simm.s32 $0x0;
	(xrf0) =	vadd.scan.msk.s32 $0xffff, v10;
	[tilespmem:s9+$0x8600] =	vst v15;
	s9 =	simm.s32 $0x140;
	s1 =	spop (v2sf)  }
.LBB2_9:
0x6e: {  	p0 =	sne.s32 s9, $0xFC0;
	v14 =	vld [tilespmem:s7+$0x8A00];
	s14 =	sadd.s32 s14, s1;
	s1 =	spop (v2sf)  }
0x6f: {  	v15 =	vld [tilespmem:s7+$0x8200];
	v16 =	vsub.s32 s14, v7;
	s8 =	sadd.s32 s8, s1;
	v7 =	vmov v5;
	v5 =	vmov v9  }
.Ltmp3:
0x70: {  	v9 =	vsub.s32 s8, v6;
	v16 =	vadd.s32 v11, v16;
	v6 =	vmovc v4;
	v4 =	vmovc v10;
	v11 =	vmov v12;
	(pc) =	sbr.rel @p0 .LBB2_9-.Ltmp3, $4  }
0x71: {  	v10 =	vadd.s32 v8, v9;
	[tilespmem:s6+$0x8E00] =	vst v16;
	v8 =	vmov v13  }
0x72: {  	v12, _, _ =	vpop (xrf0);
	[tilespmem:s6+$0x8600] =	vst v10;
	s6 =	smov.u32 s2;
	s2 =	smov.u32 s0;
	s0 =	smov.u32 s7  }
0x73: {  	(xrf0) =	vadd.scan.msk.s32 $0xffff, v14;
	v13, _, _ =	vpop (xrf0);
	(v2sf) =	vpush v12, $0xF;
	v9 =	vmov v14  }
0x74: {  	s7 =	sshra.s32 s9, $0x2;
	s9 =	sadd.s32 $0x40, s9;
	(xrf0) =	vadd.scan.msk.s32 $0xffff, v15;
	(v2sf) =	vpush v13, $0xF;
	s1 =	spop (v2sf);
	v10 =	vmov v15  }
0x75: {  	v14 =	vld [tilespmem:s7+$0x8A00]  }
0x76: {  	v15 =	vld [tilespmem:s7+$0x8200];
	_ =	sdelay $0x3  }
0x77: {  	(xrf0) =	vadd.scan.msk.s32 $0xffff, v14  }
0x78: {  	(xrf0) =	vadd.scan.msk.s32 $0xffff, v15  }
0x79: {  	v16, _, _ =	vpop (xrf0)  }
0x7a: {  	v17, _, _ =	vpop (xrf0);
	(v2sf) =	vpush v16, $0xF  }
0x7b: {  	(v2sf) =	vpush v17, $0xF;
	_ =	sdelay $0x1  }
0x7c: {  	v18, _, _ =	vpop (xrf0)  }
0x7d: {  	v19, _, _ =	vpop (xrf0);
	(v2sf) =	vpush v18, $0xF  }
0x7e: {  	(v2sf) =	vpush v19, $0xF;
	_ =	sdelay $0x4  }
0x7f: {  	s1 =	sadd.s32 s14, s1;
	s9 =	spop (v2sf)  }
0x80: {  	s8 =	sadd.s32 s8, s9;
	s14 =	spop (v2sf);
	v7 =	vsub.s32 s1, v7  }
0x81: {  	v7 =	vadd.s32 v11, v7;
	s1 =	sadd.s32 s1, s14;
	s14 =	spop (v2sf);
	v6 =	vsub.s32 s8, v6  }
0x82: {  	v6 =	vadd.s32 v8, v6;
	[tilespmem:s6+$0x8E00] =	vst v7;
	v5 =	vsub.s32 s1, v5;
	s8 =	sadd.s32 s8, s14;
	s14 =	spop (v2sf)  }
0x83: {  	[tilespmem:s6+$0x8600] =	vst v6;
	v4 =	vsub.s32 s8, v4;
	v5 =	vadd.s32 v12, v5;
	s1 =	sadd.s32 s1, s14;
	s14 =	spop (v2sf)  }
0x84: {  	v4 =	vadd.s32 v13, v4;
	[tilespmem:s2+$0x8E00] =	vst v5;
	v5 =	vsub.s32 s1, v9;
	s6 =	sadd.s32 s8, s14;
	s9 =	spop (v2sf)  }
0x85: {  	[tilespmem:s2+$0x8600] =	vst v4;
	v4 =	vsub.s32 s6, v10;
	v5 =	vadd.s32 v16, v5;
	s1 =	sadd.s32 s1, s9;
	s14 =	spop (v2sf)  }
0x86: {  	v4 =	vadd.s32 v17, v4;
	[tilespmem:s0+$0x8E00] =	vst v5;
	v5 =	vsub.s32 s1, v14;
	s8 =	sadd.s32 s6, s14  }
0x87: {  	[tilespmem:s0+$0x8600] =	vst v4;
	v4 =	vsub.s32 s8, v15;
	v5 =	vadd.s32 v18, v5  }
0x88: {  	v4 =	vadd.s32 v19, v4;
	[tilespmem:s7+$0x8E00] =	vst v5;
	s9 =	spop (v2sf)  }
0x89: {  	s0 =	simm.s32 $0x0;
	[tilespmem:s7+$0x8600] =	vst v4;
	s14 =	spop (v2sf)  }
.LBB2_11:
0x8a: {  	s1 =	sshra.s32 s0, $0x2  }
0x8b: {  	v4 =	vld [tilespmem:s1+$0x1000];
	_ =	sdelay $0x1  }
0x8c: {  	v5 =	vld [tilespmem:s1+$0x3000];
	_ =	sdelay $0x2  }
0x8d: {  	v6 =	vshll.u32 v4, $0x4  }
0x8e: {  	v6 =	vor.u32 v1, v6  }
0x8f: {  	v7 =	vshll.u32 v5, $0x4;
	v6 =	vand.u32 $0x3FF, v6  }
0x90: {  	v7 =	vor.u32 v1, v7  }
0x91: {  	v7 =	vand.u32 $0x3FF, v7;
	_ =	sdelay $0x2  }
0x92: {  	v8 =	vld.idx.msk [tilespmem:v6+s18+$0x0], $0xffff;
	_ =	sdelay $0x1  }
0x93: {  	v9 =	vld.idx.msk [tilespmem:v7+s19+$0x0], $0xffff;
	_ =	sdelay $0x2  }
0x94: {  	v10 =	vshll.u32 v8, $0x4  }
0x95: {  	v11 =	vshrl.u32 v8, $0x7;
	v10 =	vand.u32 $0x7F0, v10  }
0x96: {  	v61 =	vshll.u32 v9, $0x4;
	v10 =	vadd.s32 v11, v10  }
0x97: {  	v12 =	vld [tilespmem:s1+$0x1800];
	v13 =	vshrl.u32 v9, $0x7;
	v11 =	vand.u32 $0x7F0, v61  }
0x98: {  	v8 =	vadd.s32 $0x1, v8;
	v11 =	vadd.s32 v13, v11  }
0x99: {  	p0 =	sne.s32 s0, $0x1FC0;
	v62 =	vld [tilespmem:s1+$0x3800];
	v63 =	vadd.s32 $0x1, v9;
	[tilespmem:v6+s18+$0x0] =	vst.idx.msk $0xffff, v8  }
.Ltmp4:
0x9a: {  	[tilespmem:v7+s19+$0x0] =	vst.idx.msk $0xffff, v63;
	(pc) =	sbr.rel @p0 .LBB2_11-.Ltmp4, $4  }
0x9b: {  	[tilespmem:v10+s20+$0x0] =	vst.idx.msk $0xffff, v4  }
0x9c: {  	[tilespmem:v10+s21+$0x0] =	vst.idx.msk $0xffff, v12  }
0x9d: {  	[tilespmem:v11+s22+$0x0] =	vst.idx.msk $0xffff, v5  }
0x9e: {  	s0 =	sadd.s32 $0x40, s0;
	[tilespmem:v11+s23+$0x0] =	vst.idx.msk $0xffff, v62  }
0x9f: {  	p0 =	por $0x1, $0x1  }
.Ltmp5:
0xa0: {  	_ = 	snop;
	(pc) =	sbr.rel @!p0 .LBB2_14-.Ltmp5, $2  }
0xa1: {  	_ =	sdelay $0x2  }
0xa2: {  	s0 =	simm.s32 $0x40;
	s1 =	simm.s32 $0x0  }
.LBB2_13:
0xa3: {  	p0 =	sne.s32 s0, $0xFC0;
	[tilespmem:s1+$0x8200] =	vst v0;
	s2 =	smov.u32 s0;
	s0 =	sadd.s32 $0x40, s0  }
.Ltmp6:
0xa4: {  	[tilespmem:s1+$0x8A00] =	vst v0;
	(pc) =	sbr.rel @p0 .LBB2_13-.Ltmp6, $2  }
0xa5: {  	_ =	sdelay $0x2  }
0xa6: {  	s1 =	sshra.s32 s2, $0x2  }
.LBB2_14:
0xa7: {  	[tilespmem:s1+$0x8200] =	vst v0  }
0xa8: {  	[tilespmem:s1+$0x8A00] =	vst v0;
	s1 =	simm.s32 $0x0  }
0xa9: {  	s14 =	simm.s32 $0x0;
	s0 =	simm.s32 $0x40;
	v4 =	vld [tilespmem:s1+$0x2000]  }
.LBB2_15:
0xaa: {  	p0 =	sne.s32 s0, $0x1FC0;
	v5 =	vld [tilespmem:s1+$0x4000];
	_ =	sdelay $0x3  }
0xab: {  	v4 =	vshrl.u32 v4, $0x2  }
0xac: {  	v5 =	vshrl.u32 v5, $0x2;
	v4 =	vand.u32 $0x3F0, v4  }
0xad: {  	v4 =	vor.u32 v1, v4;
	v5 =	vand.u32 $0x3F0, v5  }
0xae: {  	v5 =	vor.u32 v1, v5;
	_ =	sdelay $0x3  }
0xaf: {  	v6 =	vld.idx.msk [tilespmem:v4+s16+$0x0], $0xffff  }
0xb0: {  	v7 =	vld.idx.msk [tilespmem:v5+s17+$0x0], $0xffff;
	_ =	sdelay $0x3  }
.Ltmp7:
0xb1: {  	(pc) =	sbr.rel @p0 .LBB2_15-.Ltmp7, $4  }
0xb2: {  	v6 =	vadd.s32 $0x1, v6  }
0xb3: {  	[tilespmem:v4+s16+$0x0] =	vst.idx.msk $0xffff, v6;
	v4 =	vadd.s32 $0x1, v7  }
0xb4: {  	s1 =	sshra.s32 s0, $0x2;
	[tilespmem:v5+s17+$0x0] =	vst.idx.msk $0xffff, v4  }
0xb5: {  	s0 =	sadd.s32 $0x40, s0;
	v4 =	vld [tilespmem:s1+$0x2000]  }
0xb6: {  	v5 =	vld [tilespmem:s1+$0x4000];
	_ =	sdelay $0x3  }
0xb7: {  	v4 =	vshrl.u32 v4, $0x2  }
0xb8: {  	v5 =	vshrl.u32 v5, $0x2;
	v4 =	vand.u32 $0x3F0, v4  }
0xb9: {  	v4 =	vor.u32 v1, v4;
	v5 =	vand.u32 $0x3F0, v5  }
0xba: {  	v5 =	vor.u32 v1, v5;
	_ =	sdelay $0x3  }
0xbb: {  	v6 =	vld.idx.msk [tilespmem:v4+s16+$0x0], $0xffff  }
0xbc: {  	v7 =	vld.idx.msk [tilespmem:v5+s17+$0x0], $0xffff;
	_ =	sdelay $0x3  }
0xbd: {  	v6 =	vadd.s32 $0x1, v6  }
0xbe: {  	[tilespmem:v4+s16+$0x0] =	vst.idx.msk $0xffff, v6;
	v4 =	vadd.s32 $0x1, v7  }
0xbf: {  	s9 =	simm.s32 $0x0;
	[tilespmem:v5+s17+$0x0] =	vst.idx.msk $0xffff, v4  }
0xc0: {  	v12 =	vld [tilespmem:s9+$0x8A00];
	_ =	sdelay $0x4  }
0xc1: {  	(xrf0) =	vadd.scan.msk.s32 $0xffff, v12  }
0xc2: {  	v13 =	vld [tilespmem:s9+$0x8200];
	_ =	sdelay $0x1  }
0xc3: {  	s6 =	simm.s32 $0x10  }
0xc4: {  	v7 =	vld [tilespmem:s6+$0x8A00]  }
0xc5: {  	s2 =	simm.s32 $0x20;
	v6 =	vld [tilespmem:s6+$0x8200]  }
0xc6: {  	v5 =	vld [tilespmem:s2+$0x8A00];
	v14, _, _ =	vpop (xrf0);
	(xrf0) =	vadd.scan.msk.s32 $0xffff, v13  }
0xc7: {  	v4 =	vld [tilespmem:s2+$0x8200];
	_ =	sdelay $0x1  }
0xc8: {  	(xrf0) =	vadd.scan.msk.s32 $0xffff, v7  }
0xc9: {  	(xrf0) =	vadd.scan.msk.s32 $0xffff, v6  }
0xca: {  	(xrf0) =	vadd.scan.msk.s32 $0xffff, v5  }
0xcb: {  	(v2sf) =	vpush v14, $0xF;
	(xrf0) =	vadd.scan.msk.s32 $0xffff, v4;
	v15, _, _ =	vpop (xrf0)  }
0xcc: {  	(v2sf) =	vpush v15, $0xF  }
0xcd: {  	v12 =	vsub.s32 s14, v12  }
0xce: {  	v13 =	vsub.s32 s14, v13;
	v11, _, _ =	vpop (xrf0)  }
0xcf: {  	v8, _, _ =	vpop (xrf0);
	(v2sf) =	vpush v11, $0xF  }
0xd0: {  	v14 =	vadd.s32 v14, v12;
	(v2sf) =	vpush v8, $0xF;
	v12, _, _ =	vpop (xrf0)  }
0xd1: {  	v15 =	vadd.s32 v15, v13;
	v13, _, _ =	vpop (xrf0);
	(v2sf) =	vpush v12, $0xF  }
0xd2: {  	(v2sf) =	vpush v13, $0xF  }
0xd3: {  	s0 =	simm.s32 $0x30  }
0xd4: {  	v9 =	vld [tilespmem:s0+$0x8A00]  }
0xd5: {  	v10 =	vld [tilespmem:s0+$0x8200];
	_ =	sdelay $0x3  }
0xd6: {  	s7 =	simm.s32 $0x40;
	[tilespmem:s9+$0x8E00] =	vst v14;
	(xrf0) =	vadd.scan.msk.s32 $0xffff, v9  }
0xd7: {  	s8 =	simm.s32 $0x0;
	(xrf0) =	vadd.scan.msk.s32 $0xffff, v10;
	[tilespmem:s9+$0x8600] =	vst v15;
	s9 =	simm.s32 $0x140;
	s1 =	spop (v2sf)  }
.LBB2_17:
0xd8: {  	p0 =	sne.s32 s9, $0xFC0;
	v14 =	vld [tilespmem:s7+$0x8A00];
	s14 =	sadd.s32 s14, s1;
	s1 =	spop (v2sf)  }
0xd9: {  	v15 =	vld [tilespmem:s7+$0x8200];
	v16 =	vsub.s32 s14, v7;
	s8 =	sadd.s32 s8, s1;
	v7 =	vmov v5;
	v5 =	vmov v9  }
.Ltmp8:
0xda: {  	v9 =	vsub.s32 s8, v6;
	v16 =	vadd.s32 v11, v16;
	v6 =	vmovc v4;
	v4 =	vmovc v10;
	v11 =	vmov v12;
	(pc) =	sbr.rel @p0 .LBB2_17-.Ltmp8, $4  }
0xdb: {  	v10 =	vadd.s32 v8, v9;
	[tilespmem:s6+$0x8E00] =	vst v16;
	v8 =	vmov v13  }
0xdc: {  	v12, _, _ =	vpop (xrf0);
	[tilespmem:s6+$0x8600] =	vst v10;
	s6 =	smov.u32 s2;
	s2 =	smov.u32 s0;
	s0 =	smov.u32 s7  }
0xdd: {  	(xrf0) =	vadd.scan.msk.s32 $0xffff, v14;
	v13, _, _ =	vpop (xrf0);
	(v2sf) =	vpush v12, $0xF;
	v9 =	vmov v14  }
0xde: {  	s7 =	sshra.s32 s9, $0x2;
	s9 =	sadd.s32 $0x40, s9;
	(xrf0) =	vadd.scan.msk.s32 $0xffff, v15;
	(v2sf) =	vpush v13, $0xF;
	s1 =	spop (v2sf);
	v10 =	vmov v15  }
0xdf: {  	v14 =	vld [tilespmem:s7+$0x8A00]  }
0xe0: {  	v15 =	vld [tilespmem:s7+$0x8200];
	_ =	sdelay $0x3  }
0xe1: {  	(xrf0) =	vadd.scan.msk.s32 $0xffff, v14  }
0xe2: {  	(xrf0) =	vadd.scan.msk.s32 $0xffff, v15  }
0xe3: {  	v16, _, _ =	vpop (xrf0)  }
0xe4: {  	v17, _, _ =	vpop (xrf0);
	(v2sf) =	vpush v16, $0xF  }
0xe5: {  	(v2sf) =	vpush v17, $0xF;
	_ =	sdelay $0x1  }
0xe6: {  	v18, _, _ =	vpop (xrf0)  }
0xe7: {  	v19, _, _ =	vpop (xrf0);
	(v2sf) =	vpush v18, $0xF  }
0xe8: {  	(v2sf) =	vpush v19, $0xF;
	_ =	sdelay $0x4  }
0xe9: {  	s1 =	sadd.s32 s14, s1;
	s9 =	spop (v2sf)  }
0xea: {  	s8 =	sadd.s32 s8, s9;
	s14 =	spop (v2sf);
	v7 =	vsub.s32 s1, v7  }
0xeb: {  	v7 =	vadd.s32 v11, v7;
	s1 =	sadd.s32 s1, s14;
	s14 =	spop (v2sf);
	v6 =	vsub.s32 s8, v6  }
0xec: {  	v6 =	vadd.s32 v8, v6;
	[tilespmem:s6+$0x8E00] =	vst v7;
	v5 =	vsub.s32 s1, v5;
	s8 =	sadd.s32 s8, s14;
	s14 =	spop (v2sf)  }
0xed: {  	[tilespmem:s6+$0x8600] =	vst v6;
	v4 =	vsub.s32 s8, v4;
	v5 =	vadd.s32 v12, v5;
	s1 =	sadd.s32 s1, s14;
	s14 =	spop (v2sf)  }
0xee: {  	v4 =	vadd.s32 v13, v4;
	[tilespmem:s2+$0x8E00] =	vst v5;
	v5 =	vsub.s32 s1, v9;
	s6 =	sadd.s32 s8, s14;
	s9 =	spop (v2sf)  }
0xef: {  	[tilespmem:s2+$0x8600] =	vst v4;
	v4 =	vsub.s32 s6, v10;
	v5 =	vadd.s32 v16, v5;
	s1 =	sadd.s32 s1, s9;
	s14 =	spop (v2sf)  }
0xf0: {  	v4 =	vadd.s32 v17, v4;
	[tilespmem:s0+$0x8E00] =	vst v5;
	v5 =	vsub.s32 s1, v14;
	s8 =	sadd.s32 s6, s14  }
0xf1: {  	[tilespmem:s0+$0x8600] =	vst v4;
	v4 =	vsub.s32 s8, v15;
	v5 =	vadd.s32 v18, v5  }
0xf2: {  	v4 =	vadd.s32 v19, v4;
	[tilespmem:s7+$0x8E00] =	vst v5;
	s9 =	spop (v2sf)  }
0xf3: {  	s0 =	simm.s32 $0x0;
	[tilespmem:s7+$0x8600] =	vst v4;
	s14 =	spop (v2sf)  }
.LBB2_19:
0xf4: {  	s1 =	sshra.s32 s0, $0x2  }
0xf5: {  	v4 =	vld [tilespmem:s1+$0x2000];
	_ =	sdelay $0x1  }
0xf6: {  	v5 =	vld [tilespmem:s1+$0x4000];
	_ =	sdelay $0x2  }
0xf7: {  	v6 =	vshrl.u32 v4, $0x2  }
0xf8: {  	v6 =	vand.u32 $0x3F0, v6  }
0xf9: {  	v7 =	vshrl.u32 v5, $0x2;
	v6 =	vor.u32 v1, v6  }
0xfa: {  	v7 =	vand.u32 $0x3F0, v7  }
0xfb: {  	v7 =	vor.u32 v1, v7;
	_ =	sdelay $0x2  }
0xfc: {  	v8 =	vld.idx.msk [tilespmem:v6+s18+$0x0], $0xffff;
	_ =	sdelay $0x1  }
0xfd: {  	v9 =	vld.idx.msk [tilespmem:v7+s19+$0x0], $0xffff;
	_ =	sdelay $0x2  }
0xfe: {  	v10 =	vshll.u32 v8, $0x4  }
0xff: {  	v11 =	vshrl.u32 v8, $0x7;
	v10 =	vand.u32 $0x7F0, v10  }
0x100: {  	v61 =	vshll.u32 v9, $0x4;
	v10 =	vadd.s32 v11, v10  }
0x101: {  	v12 =	vld [tilespmem:s1+$0x2800];
	v13 =	vshrl.u32 v9, $0x7;
	v11 =	vand.u32 $0x7F0, v61  }
0x102: {  	v8 =	vadd.s32 $0x1, v8;
	v11 =	vadd.s32 v13, v11  }
0x103: {  	p0 =	sne.s32 s0, $0x1FC0;
	v62 =	vld [tilespmem:s1+$0x4800];
	v63 =	vadd.s32 $0x1, v9;
	[tilespmem:v6+s18+$0x0] =	vst.idx.msk $0xffff, v8  }
.Ltmp9:
0x104: {  	[tilespmem:v7+s19+$0x0] =	vst.idx.msk $0xffff, v63;
	(pc) =	sbr.rel @p0 .LBB2_19-.Ltmp9, $4  }
0x105: {  	[tilespmem:v10+s24+$0x0] =	vst.idx.msk $0xffff, v4  }
0x106: {  	[tilespmem:v10+s25+$0x0] =	vst.idx.msk $0xffff, v12  }
0x107: {  	[tilespmem:v11+s26+$0x0] =	vst.idx.msk $0xffff, v5  }
0x108: {  	s0 =	sadd.s32 $0x40, s0;
	[tilespmem:v11+s28+$0x0] =	vst.idx.msk $0xffff, v62  }
0x109: {  	p0 =	por $0x1, $0x1  }
.Ltmp10:
0x10a: {  	_ = 	snop;
	(pc) =	sbr.rel @!p0 .LBB2_22-.Ltmp10, $2  }
0x10b: {  	_ =	sdelay $0x2  }
0x10c: {  	s0 =	simm.s32 $0x40;
	s1 =	simm.s32 $0x0  }
.LBB2_21:
0x10d: {  	p0 =	sne.s32 s0, $0xFC0;
	[tilespmem:s1+$0x8200] =	vst v0;
	s2 =	smov.u32 s0;
	s0 =	sadd.s32 $0x40, s0  }
.Ltmp11:
0x10e: {  	[tilespmem:s1+$0x8A00] =	vst v0;
	(pc) =	sbr.rel @p0 .LBB2_21-.Ltmp11, $2  }
0x10f: {  	_ =	sdelay $0x2  }
0x110: {  	s1 =	sshra.s32 s2, $0x2  }
.LBB2_22:
0x111: {  	[tilespmem:s1+$0x8200] =	vst v0  }
0x112: {  	[tilespmem:s1+$0x8A00] =	vst v0;
	s1 =	simm.s32 $0x0  }
0x113: {  	s14 =	simm.s32 $0x0;
	s0 =	simm.s32 $0x40;
	v4 =	vld [tilespmem:s1+$0x1000]  }
.LBB2_23:
0x114: {  	p0 =	sne.s32 s0, $0x1FC0;
	v5 =	vld [tilespmem:s1+$0x3000];
	_ =	sdelay $0x3  }
0x115: {  	v4 =	vshrl.u32 v4, $0x8  }
0x116: {  	v5 =	vshrl.u32 v5, $0x8;
	v4 =	vand.u32 $0x3F0, v4  }
0x117: {  	v4 =	vor.u32 v1, v4;
	v5 =	vand.u32 $0x3F0, v5  }
0x118: {  	v5 =	vor.u32 v1, v5;
	_ =	sdelay $0x3  }
0x119: {  	v6 =	vld.idx.msk [tilespmem:v4+s16+$0x0], $0xffff  }
0x11a: {  	v7 =	vld.idx.msk [tilespmem:v5+s17+$0x0], $0xffff;
	_ =	sdelay $0x3  }
.Ltmp12:
0x11b: {  	(pc) =	sbr.rel @p0 .LBB2_23-.Ltmp12, $4  }
0x11c: {  	v6 =	vadd.s32 $0x1, v6  }
0x11d: {  	[tilespmem:v4+s16+$0x0] =	vst.idx.msk $0xffff, v6;
	v4 =	vadd.s32 $0x1, v7  }
0x11e: {  	s1 =	sshra.s32 s0, $0x2;
	[tilespmem:v5+s17+$0x0] =	vst.idx.msk $0xffff, v4  }
0x11f: {  	s0 =	sadd.s32 $0x40, s0;
	v4 =	vld [tilespmem:s1+$0x1000]  }
0x120: {  	v5 =	vld [tilespmem:s1+$0x3000];
	_ =	sdelay $0x3  }
0x121: {  	v4 =	vshrl.u32 v4, $0x8  }
0x122: {  	v5 =	vshrl.u32 v5, $0x8;
	v4 =	vand.u32 $0x3F0, v4  }
0x123: {  	v4 =	vor.u32 v1, v4;
	v5 =	vand.u32 $0x3F0, v5  }
0x124: {  	v5 =	vor.u32 v1, v5;
	_ =	sdelay $0x3  }
0x125: {  	v6 =	vld.idx.msk [tilespmem:v4+s16+$0x0], $0xffff  }
0x126: {  	v7 =	vld.idx.msk [tilespmem:v5+s17+$0x0], $0xffff;
	_ =	sdelay $0x3  }
0x127: {  	v6 =	vadd.s32 $0x1, v6  }
0x128: {  	[tilespmem:v4+s16+$0x0] =	vst.idx.msk $0xffff, v6;
	v4 =	vadd.s32 $0x1, v7  }
0x129: {  	s9 =	simm.s32 $0x0;
	[tilespmem:v5+s17+$0x0] =	vst.idx.msk $0xffff, v4  }
0x12a: {  	v12 =	vld [tilespmem:s9+$0x8A00];
	_ =	sdelay $0x4  }
0x12b: {  	(xrf0) =	vadd.scan.msk.s32 $0xffff, v12  }
0x12c: {  	v13 =	vld [tilespmem:s9+$0x8200];
	_ =	sdelay $0x1  }
0x12d: {  	s6 =	simm.s32 $0x10  }
0x12e: {  	v7 =	vld [tilespmem:s6+$0x8A00]  }
0x12f: {  	s2 =	simm.s32 $0x20;
	v6 =	vld [tilespmem:s6+$0x8200]  }
0x130: {  	v5 =	vld [tilespmem:s2+$0x8A00];
	v14, _, _ =	vpop (xrf0);
	(xrf0) =	vadd.scan.msk.s32 $0xffff, v13  }
0x131: {  	v4 =	vld [tilespmem:s2+$0x8200];
	_ =	sdelay $0x1  }
0x132: {  	(xrf0) =	vadd.scan.msk.s32 $0xffff, v7  }
0x133: {  	(xrf0) =	vadd.scan.msk.s32 $0xffff, v6  }
0x134: {  	(xrf0) =	vadd.scan.msk.s32 $0xffff, v5  }
0x135: {  	(v2sf) =	vpush v14, $0xF;
	(xrf0) =	vadd.scan.msk.s32 $0xffff, v4;
	v15, _, _ =	vpop (xrf0)  }
0x136: {  	(v2sf) =	vpush v15, $0xF  }
0x137: {  	v12 =	vsub.s32 s14, v12  }
0x138: {  	v13 =	vsub.s32 s14, v13;
	v11, _, _ =	vpop (xrf0)  }
0x139: {  	v8, _, _ =	vpop (xrf0);
	(v2sf) =	vpush v11, $0xF  }
0x13a: {  	v14 =	vadd.s32 v14, v12;
	(v2sf) =	vpush v8, $0xF;
	v12, _, _ =	vpop (xrf0)  }
0x13b: {  	v15 =	vadd.s32 v15, v13;
	v13, _, _ =	vpop (xrf0);
	(v2sf) =	vpush v12, $0xF  }
0x13c: {  	(v2sf) =	vpush v13, $0xF  }
0x13d: {  	s0 =	simm.s32 $0x30  }
0x13e: {  	v9 =	vld [tilespmem:s0+$0x8A00]  }
0x13f: {  	v10 =	vld [tilespmem:s0+$0x8200];
	_ =	sdelay $0x3  }
0x140: {  	s7 =	simm.s32 $0x40;
	[tilespmem:s9+$0x8E00] =	vst v14;
	(xrf0) =	vadd.scan.msk.s32 $0xffff, v9  }
0x141: {  	s8 =	simm.s32 $0x0;
	(xrf0) =	vadd.scan.msk.s32 $0xffff, v10;
	[tilespmem:s9+$0x8600] =	vst v15;
	s9 =	simm.s32 $0x140;
	s1 =	spop (v2sf)  }
.LBB2_25:
0x142: {  	p0 =	sne.s32 s9, $0xFC0;
	v14 =	vld [tilespmem:s7+$0x8A00];
	s14 =	sadd.s32 s14, s1;
	s1 =	spop (v2sf)  }
0x143: {  	v15 =	vld [tilespmem:s7+$0x8200];
	v16 =	vsub.s32 s14, v7;
	s8 =	sadd.s32 s8, s1;
	v7 =	vmov v5;
	v5 =	vmov v9  }
.Ltmp13:
0x144: {  	v9 =	vsub.s32 s8, v6;
	v16 =	vadd.s32 v11, v16;
	v6 =	vmovc v4;
	v4 =	vmovc v10;
	v11 =	vmov v12;
	(pc) =	sbr.rel @p0 .LBB2_25-.Ltmp13, $4  }
0x145: {  	v10 =	vadd.s32 v8, v9;
	[tilespmem:s6+$0x8E00] =	vst v16;
	v8 =	vmov v13  }
0x146: {  	v12, _, _ =	vpop (xrf0);
	[tilespmem:s6+$0x8600] =	vst v10;
	s6 =	smov.u32 s2;
	s2 =	smov.u32 s0;
	s0 =	smov.u32 s7  }
0x147: {  	(xrf0) =	vadd.scan.msk.s32 $0xffff, v14;
	v13, _, _ =	vpop (xrf0);
	(v2sf) =	vpush v12, $0xF;
	v9 =	vmov v14  }
0x148: {  	s7 =	sshra.s32 s9, $0x2;
	s9 =	sadd.s32 $0x40, s9;
	(xrf0) =	vadd.scan.msk.s32 $0xffff, v15;
	(v2sf) =	vpush v13, $0xF;
	s1 =	spop (v2sf);
	v10 =	vmov v15  }
0x149: {  	v14 =	vld [tilespmem:s7+$0x8A00]  }
0x14a: {  	v15 =	vld [tilespmem:s7+$0x8200];
	_ =	sdelay $0x3  }
0x14b: {  	(xrf0) =	vadd.scan.msk.s32 $0xffff, v14  }
0x14c: {  	(xrf0) =	vadd.scan.msk.s32 $0xffff, v15  }
0x14d: {  	v16, _, _ =	vpop (xrf0)  }
0x14e: {  	v17, _, _ =	vpop (xrf0);
	(v2sf) =	vpush v16, $0xF  }
0x14f: {  	(v2sf) =	vpush v17, $0xF;
	_ =	sdelay $0x1  }
0x150: {  	v18, _, _ =	vpop (xrf0)  }
0x151: {  	v19, _, _ =	vpop (xrf0);
	(v2sf) =	vpush v18, $0xF  }
0x152: {  	(v2sf) =	vpush v19, $0xF;
	_ =	sdelay $0x4  }
0x153: {  	s1 =	sadd.s32 s14, s1;
	s9 =	spop (v2sf)  }
0x154: {  	s8 =	sadd.s32 s8, s9;
	s14 =	spop (v2sf);
	v7 =	vsub.s32 s1, v7  }
0x155: {  	v7 =	vadd.s32 v11, v7;
	s1 =	sadd.s32 s1, s14;
	s14 =	spop (v2sf);
	v6 =	vsub.s32 s8, v6  }
0x156: {  	v6 =	vadd.s32 v8, v6;
	[tilespmem:s6+$0x8E00] =	vst v7;
	v5 =	vsub.s32 s1, v5;
	s8 =	sadd.s32 s8, s14;
	s14 =	spop (v2sf)  }
0x157: {  	[tilespmem:s6+$0x8600] =	vst v6;
	v4 =	vsub.s32 s8, v4;
	v5 =	vadd.s32 v12, v5;
	s1 =	sadd.s32 s1, s14;
	s14 =	spop (v2sf)  }
0x158: {  	v4 =	vadd.s32 v13, v4;
	[tilespmem:s2+$0x8E00] =	vst v5;
	v5 =	vsub.s32 s1, v9;
	s6 =	sadd.s32 s8, s14;
	s9 =	spop (v2sf)  }
0x159: {  	[tilespmem:s2+$0x8600] =	vst v4;
	v4 =	vsub.s32 s6, v10;
	v5 =	vadd.s32 v16, v5;
	s1 =	sadd.s32 s1, s9;
	s14 =	spop (v2sf)  }
0x15a: {  	v4 =	vadd.s32 v17, v4;
	[tilespmem:s0+$0x8E00] =	vst v5;
	v5 =	vsub.s32 s1, v14;
	s8 =	sadd.s32 s6, s14  }
0x15b: {  	[tilespmem:s0+$0x8600] =	vst v4;
	v4 =	vsub.s32 s8, v15;
	v5 =	vadd.s32 v18, v5  }
0x15c: {  	v4 =	vadd.s32 v19, v4;
	[tilespmem:s7+$0x8E00] =	vst v5;
	s9 =	spop (v2sf)  }
0x15d: {  	s0 =	simm.s32 $0x0;
	[tilespmem:s7+$0x8600] =	vst v4;
	s14 =	spop (v2sf)  }
.LBB2_27:
0x15e: {  	s1 =	sshra.s32 s0, $0x2  }
0x15f: {  	v4 =	vld [tilespmem:s1+$0x1000];
	_ =	sdelay $0x1  }
0x160: {  	v5 =	vld [tilespmem:s1+$0x3000];
	_ =	sdelay $0x2  }
0x161: {  	v6 =	vshrl.u32 v4, $0x8  }
0x162: {  	v6 =	vand.u32 $0x3F0, v6  }
0x163: {  	v7 =	vshrl.u32 v5, $0x8;
	v6 =	vor.u32 v1, v6  }
0x164: {  	v7 =	vand.u32 $0x3F0, v7  }
0x165: {  	v7 =	vor.u32 v1, v7;
	_ =	sdelay $0x2  }
0x166: {  	v8 =	vld.idx.msk [tilespmem:v6+s18+$0x0], $0xffff;
	_ =	sdelay $0x1  }
0x167: {  	v9 =	vld.idx.msk [tilespmem:v7+s19+$0x0], $0xffff;
	_ =	sdelay $0x2  }
0x168: {  	v10 =	vshll.u32 v8, $0x4  }
0x169: {  	v11 =	vshrl.u32 v8, $0x7;
	v10 =	vand.u32 $0x7F0, v10  }
0x16a: {  	v61 =	vshll.u32 v9, $0x4;
	v10 =	vadd.s32 v11, v10  }
0x16b: {  	v12 =	vld [tilespmem:s1+$0x1800];
	v13 =	vshrl.u32 v9, $0x7;
	v11 =	vand.u32 $0x7F0, v61  }
0x16c: {  	v8 =	vadd.s32 $0x1, v8;
	v11 =	vadd.s32 v13, v11  }
0x16d: {  	p0 =	sne.s32 s0, $0x1FC0;
	v62 =	vld [tilespmem:s1+$0x3800];
	v63 =	vadd.s32 $0x1, v9;
	[tilespmem:v6+s18+$0x0] =	vst.idx.msk $0xffff, v8  }
.Ltmp14:
0x16e: {  	[tilespmem:v7+s19+$0x0] =	vst.idx.msk $0xffff, v63;
	(pc) =	sbr.rel @p0 .LBB2_27-.Ltmp14, $4  }
0x16f: {  	[tilespmem:v10+s20+$0x0] =	vst.idx.msk $0xffff, v4  }
0x170: {  	[tilespmem:v10+s21+$0x0] =	vst.idx.msk $0xffff, v12  }
0x171: {  	[tilespmem:v11+s22+$0x0] =	vst.idx.msk $0xffff, v5  }
0x172: {  	s0 =	sadd.s32 $0x40, s0;
	[tilespmem:v11+s23+$0x0] =	vst.idx.msk $0xffff, v62  }
0x173: {  	p0 =	por $0x1, $0x1  }
.Ltmp15:
0x174: {  	_ = 	snop;
	(pc) =	sbr.rel @!p0 .LBB2_30-.Ltmp15, $2  }
0x175: {  	_ =	sdelay $0x2  }
0x176: {  	s0 =	simm.s32 $0x40;
	s1 =	simm.s32 $0x0  }
.LBB2_29:
0x177: {  	p0 =	sne.s32 s0, $0xFC0;
	[tilespmem:s1+$0x8200] =	vst v0;
	s2 =	smov.u32 s0;
	s0 =	sadd.s32 $0x40, s0  }
.Ltmp16:
0x178: {  	[tilespmem:s1+$0x8A00] =	vst v0;
	(pc) =	sbr.rel @p0 .LBB2_29-.Ltmp16, $2  }
0x179: {  	_ =	sdelay $0x2  }
0x17a: {  	s1 =	sshra.s32 s2, $0x2  }
.LBB2_30:
0x17b: {  	[tilespmem:s1+$0x8200] =	vst v0  }
0x17c: {  	[tilespmem:s1+$0x8A00] =	vst v0;
	s1 =	simm.s32 $0x0  }
0x17d: {  	s14 =	simm.s32 $0x0;
	s0 =	simm.s32 $0x40;
	v4 =	vld [tilespmem:s1+$0x2000]  }
.LBB2_31:
0x17e: {  	p0 =	sne.s32 s0, $0x1FC0;
	v5 =	vld [tilespmem:s1+$0x4000];
	_ =	sdelay $0x3  }
0x17f: {  	v4 =	vshrl.u32 v4, $0xE  }
0x180: {  	v5 =	vshrl.u32 v5, $0xE;
	v4 =	vand.u32 $0x3F0, v4  }
0x181: {  	v4 =	vor.u32 v1, v4;
	v5 =	vand.u32 $0x3F0, v5  }
0x182: {  	v5 =	vor.u32 v1, v5;
	_ =	sdelay $0x3  }
0x183: {  	v6 =	vld.idx.msk [tilespmem:v4+s16+$0x0], $0xffff  }
0x184: {  	v7 =	vld.idx.msk [tilespmem:v5+s17+$0x0], $0xffff;
	_ =	sdelay $0x3  }
.Ltmp17:
0x185: {  	(pc) =	sbr.rel @p0 .LBB2_31-.Ltmp17, $4  }
0x186: {  	v6 =	vadd.s32 $0x1, v6  }
0x187: {  	[tilespmem:v4+s16+$0x0] =	vst.idx.msk $0xffff, v6;
	v4 =	vadd.s32 $0x1, v7  }
0x188: {  	s1 =	sshra.s32 s0, $0x2;
	[tilespmem:v5+s17+$0x0] =	vst.idx.msk $0xffff, v4  }
0x189: {  	s0 =	sadd.s32 $0x40, s0;
	v4 =	vld [tilespmem:s1+$0x2000]  }
0x18a: {  	v5 =	vld [tilespmem:s1+$0x4000];
	_ =	sdelay $0x3  }
0x18b: {  	v4 =	vshrl.u32 v4, $0xE  }
0x18c: {  	v5 =	vshrl.u32 v5, $0xE;
	v4 =	vand.u32 $0x3F0, v4  }
0x18d: {  	v4 =	vor.u32 v1, v4;
	v5 =	vand.u32 $0x3F0, v5  }
0x18e: {  	v5 =	vor.u32 v1, v5;
	_ =	sdelay $0x3  }
0x18f: {  	v6 =	vld.idx.msk [tilespmem:v4+s16+$0x0], $0xffff  }
0x190: {  	v7 =	vld.idx.msk [tilespmem:v5+s17+$0x0], $0xffff;
	_ =	sdelay $0x3  }
0x191: {  	v6 =	vadd.s32 $0x1, v6  }
0x192: {  	[tilespmem:v4+s16+$0x0] =	vst.idx.msk $0xffff, v6;
	v4 =	vadd.s32 $0x1, v7  }
0x193: {  	s9 =	simm.s32 $0x0;
	[tilespmem:v5+s17+$0x0] =	vst.idx.msk $0xffff, v4  }
0x194: {  	v12 =	vld [tilespmem:s9+$0x8A00];
	_ =	sdelay $0x4  }
0x195: {  	(xrf0) =	vadd.scan.msk.s32 $0xffff, v12  }
0x196: {  	v13 =	vld [tilespmem:s9+$0x8200];
	_ =	sdelay $0x1  }
0x197: {  	s6 =	simm.s32 $0x10  }
0x198: {  	v7 =	vld [tilespmem:s6+$0x8A00]  }
0x199: {  	s2 =	simm.s32 $0x20;
	v6 =	vld [tilespmem:s6+$0x8200]  }
0x19a: {  	v5 =	vld [tilespmem:s2+$0x8A00];
	v14, _, _ =	vpop (xrf0);
	(xrf0) =	vadd.scan.msk.s32 $0xffff, v13  }
0x19b: {  	v4 =	vld [tilespmem:s2+$0x8200];
	_ =	sdelay $0x1  }
0x19c: {  	(xrf0) =	vadd.scan.msk.s32 $0xffff, v7  }
0x19d: {  	(xrf0) =	vadd.scan.msk.s32 $0xffff, v6  }
0x19e: {  	(xrf0) =	vadd.scan.msk.s32 $0xffff, v5  }
0x19f: {  	(v2sf) =	vpush v14, $0xF;
	(xrf0) =	vadd.scan.msk.s32 $0xffff, v4;
	v15, _, _ =	vpop (xrf0)  }
0x1a0: {  	(v2sf) =	vpush v15, $0xF  }
0x1a1: {  	v12 =	vsub.s32 s14, v12  }
0x1a2: {  	v13 =	vsub.s32 s14, v13;
	v11, _, _ =	vpop (xrf0)  }
0x1a3: {  	v8, _, _ =	vpop (xrf0);
	(v2sf) =	vpush v11, $0xF  }
0x1a4: {  	v14 =	vadd.s32 v14, v12;
	(v2sf) =	vpush v8, $0xF;
	v12, _, _ =	vpop (xrf0)  }
0x1a5: {  	v15 =	vadd.s32 v15, v13;
	v13, _, _ =	vpop (xrf0);
	(v2sf) =	vpush v12, $0xF  }
0x1a6: {  	(v2sf) =	vpush v13, $0xF  }
0x1a7: {  	s0 =	simm.s32 $0x30  }
0x1a8: {  	v9 =	vld [tilespmem:s0+$0x8A00]  }
0x1a9: {  	v10 =	vld [tilespmem:s0+$0x8200];
	_ =	sdelay $0x3  }
0x1aa: {  	s7 =	simm.s32 $0x40;
	[tilespmem:s9+$0x8E00] =	vst v14;
	(xrf0) =	vadd.scan.msk.s32 $0xffff, v9  }
0x1ab: {  	s8 =	simm.s32 $0x0;
	(xrf0) =	vadd.scan.msk.s32 $0xffff, v10;
	[tilespmem:s9+$0x8600] =	vst v15;
	s9 =	simm.s32 $0x140;
	s1 =	spop (v2sf)  }
.LBB2_33:
0x1ac: {  	p0 =	sne.s32 s9, $0xFC0;
	v14 =	vld [tilespmem:s7+$0x8A00];
	s14 =	sadd.s32 s14, s1;
	s1 =	spop (v2sf)  }
0x1ad: {  	v15 =	vld [tilespmem:s7+$0x8200];
	v16 =	vsub.s32 s14, v7;
	s8 =	sadd.s32 s8, s1;
	v7 =	vmov v5;
	v5 =	vmov v9  }
.Ltmp18:
0x1ae: {  	v9 =	vsub.s32 s8, v6;
	v16 =	vadd.s32 v11, v16;
	v6 =	vmovc v4;
	v4 =	vmovc v10;
	v11 =	vmov v12;
	(pc) =	sbr.rel @p0 .LBB2_33-.Ltmp18, $4  }
0x1af: {  	v10 =	vadd.s32 v8, v9;
	[tilespmem:s6+$0x8E00] =	vst v16;
	v8 =	vmov v13  }
0x1b0: {  	v12, _, _ =	vpop (xrf0);
	[tilespmem:s6+$0x8600] =	vst v10;
	s6 =	smov.u32 s2;
	s2 =	smov.u32 s0;
	s0 =	smov.u32 s7  }
0x1b1: {  	(xrf0) =	vadd.scan.msk.s32 $0xffff, v14;
	v13, _, _ =	vpop (xrf0);
	(v2sf) =	vpush v12, $0xF;
	v9 =	vmov v14  }
0x1b2: {  	s7 =	sshra.s32 s9, $0x2;
	s9 =	sadd.s32 $0x40, s9;
	(xrf0) =	vadd.scan.msk.s32 $0xffff, v15;
	(v2sf) =	vpush v13, $0xF;
	s1 =	spop (v2sf);
	v10 =	vmov v15  }
0x1b3: {  	v14 =	vld [tilespmem:s7+$0x8A00]  }
0x1b4: {  	v15 =	vld [tilespmem:s7+$0x8200];
	_ =	sdelay $0x3  }
0x1b5: {  	(xrf0) =	vadd.scan.msk.s32 $0xffff, v14  }
0x1b6: {  	(xrf0) =	vadd.scan.msk.s32 $0xffff, v15  }
0x1b7: {  	v16, _, _ =	vpop (xrf0)  }
0x1b8: {  	v17, _, _ =	vpop (xrf0);
	(v2sf) =	vpush v16, $0xF  }
0x1b9: {  	(v2sf) =	vpush v17, $0xF;
	_ =	sdelay $0x1  }
0x1ba: {  	v18, _, _ =	vpop (xrf0)  }
0x1bb: {  	v19, _, _ =	vpop (xrf0);
	(v2sf) =	vpush v18, $0xF  }
0x1bc: {  	(v2sf) =	vpush v19, $0xF;
	_ =	sdelay $0x4  }
0x1bd: {  	s1 =	sadd.s32 s14, s1;
	s9 =	spop (v2sf)  }
0x1be: {  	s8 =	sadd.s32 s8, s9;
	s14 =	spop (v2sf);
	v7 =	vsub.s32 s1, v7  }
0x1bf: {  	v7 =	vadd.s32 v11, v7;
	s1 =	sadd.s32 s1, s14;
	s14 =	spop (v2sf);
	v6 =	vsub.s32 s8, v6  }
0x1c0: {  	v6 =	vadd.s32 v8, v6;
	[tilespmem:s6+$0x8E00] =	vst v7;
	v5 =	vsub.s32 s1, v5;
	s8 =	sadd.s32 s8, s14;
	s14 =	spop (v2sf)  }
0x1c1: {  	[tilespmem:s6+$0x8600] =	vst v6;
	v4 =	vsub.s32 s8, v4;
	v5 =	vadd.s32 v12, v5;
	s1 =	sadd.s32 s1, s14;
	s14 =	spop (v2sf)  }
0x1c2: {  	v4 =	vadd.s32 v13, v4;
	[tilespmem:s2+$0x8E00] =	vst v5;
	v5 =	vsub.s32 s1, v9;
	s6 =	sadd.s32 s8, s14;
	s9 =	spop (v2sf)  }
0x1c3: {  	[tilespmem:s2+$0x8600] =	vst v4;
	v4 =	vsub.s32 s6, v10;
	v5 =	vadd.s32 v16, v5;
	s1 =	sadd.s32 s1, s9;
	s14 =	spop (v2sf)  }
0x1c4: {  	v4 =	vadd.s32 v17, v4;
	[tilespmem:s0+$0x8E00] =	vst v5;
	v5 =	vsub.s32 s1, v14;
	s8 =	sadd.s32 s6, s14  }
0x1c5: {  	[tilespmem:s0+$0x8600] =	vst v4;
	v4 =	vsub.s32 s8, v15;
	v5 =	vadd.s32 v18, v5  }
0x1c6: {  	v4 =	vadd.s32 v19, v4;
	[tilespmem:s7+$0x8E00] =	vst v5;
	s9 =	spop (v2sf)  }
0x1c7: {  	s0 =	simm.s32 $0x0;
	[tilespmem:s7+$0x8600] =	vst v4;
	s14 =	spop (v2sf)  }
.LBB2_35:
0x1c8: {  	s1 =	sshra.s32 s0, $0x2  }
0x1c9: {  	v4 =	vld [tilespmem:s1+$0x2000];
	_ =	sdelay $0x1  }
0x1ca: {  	v5 =	vld [tilespmem:s1+$0x4000];
	_ =	sdelay $0x2  }
0x1cb: {  	v6 =	vshrl.u32 v4, $0xE  }
0x1cc: {  	v6 =	vand.u32 $0x3F0, v6  }
0x1cd: {  	v7 =	vshrl.u32 v5, $0xE;
	v6 =	vor.u32 v1, v6  }
0x1ce: {  	v7 =	vand.u32 $0x3F0, v7  }
0x1cf: {  	v7 =	vor.u32 v1, v7;
	_ =	sdelay $0x2  }
0x1d0: {  	v8 =	vld.idx.msk [tilespmem:v6+s18+$0x0], $0xffff;
	_ =	sdelay $0x1  }
0x1d1: {  	v9 =	vld.idx.msk [tilespmem:v7+s19+$0x0], $0xffff;
	_ =	sdelay $0x2  }
0x1d2: {  	v10 =	vshll.u32 v8, $0x4  }
0x1d3: {  	v11 =	vshrl.u32 v8, $0x7;
	v10 =	vand.u32 $0x7F0, v10  }
0x1d4: {  	v61 =	vshll.u32 v9, $0x4;
	v10 =	vadd.s32 v11, v10  }
0x1d5: {  	v12 =	vld [tilespmem:s1+$0x2800];
	v13 =	vshrl.u32 v9, $0x7;
	v11 =	vand.u32 $0x7F0, v61  }
0x1d6: {  	v8 =	vadd.s32 $0x1, v8;
	v11 =	vadd.s32 v13, v11  }
0x1d7: {  	p0 =	sne.s32 s0, $0x1FC0;
	v62 =	vld [tilespmem:s1+$0x4800];
	v63 =	vadd.s32 $0x1, v9;
	[tilespmem:v6+s18+$0x0] =	vst.idx.msk $0xffff, v8  }
.Ltmp19:
0x1d8: {  	[tilespmem:v7+s19+$0x0] =	vst.idx.msk $0xffff, v63;
	(pc) =	sbr.rel @p0 .LBB2_35-.Ltmp19, $4  }
0x1d9: {  	[tilespmem:v10+s24+$0x0] =	vst.idx.msk $0xffff, v4  }
0x1da: {  	[tilespmem:v10+s25+$0x0] =	vst.idx.msk $0xffff, v12  }
0x1db: {  	[tilespmem:v11+s26+$0x0] =	vst.idx.msk $0xffff, v5  }
0x1dc: {  	s0 =	sadd.s32 $0x40, s0;
	[tilespmem:v11+s28+$0x0] =	vst.idx.msk $0xffff, v62  }
0x1dd: {  	p0 =	por $0x1, $0x1  }
.Ltmp20:
0x1de: {  	_ = 	snop;
	(pc) =	sbr.rel @!p0 .LBB2_38-.Ltmp20, $2  }
0x1df: {  	_ =	sdelay $0x2  }
0x1e0: {  	s0 =	simm.s32 $0x40;
	s1 =	simm.s32 $0x0  }
.LBB2_37:
0x1e1: {  	p0 =	sne.s32 s0, $0xFC0;
	[tilespmem:s1+$0x8200] =	vst v0;
	s2 =	smov.u32 s0;
	s0 =	sadd.s32 $0x40, s0  }
.Ltmp21:
0x1e2: {  	[tilespmem:s1+$0x8A00] =	vst v0;
	(pc) =	sbr.rel @p0 .LBB2_37-.Ltmp21, $2  }
0x1e3: {  	_ =	sdelay $0x2  }
0x1e4: {  	s1 =	sshra.s32 s2, $0x2  }
.LBB2_38:
0x1e5: {  	[tilespmem:s1+$0x8200] =	vst v0  }
0x1e6: {  	[tilespmem:s1+$0x8A00] =	vst v0;
	s1 =	simm.s32 $0x0  }
0x1e7: {  	s14 =	simm.s32 $0x0;
	s0 =	simm.s32 $0x40;
	v4 =	vld [tilespmem:s1+$0x1000]  }
.LBB2_39:
0x1e8: {  	p0 =	sne.s32 s0, $0x1FC0;
	v5 =	vld [tilespmem:s1+$0x3000];
	_ =	sdelay $0x3  }
0x1e9: {  	v4 =	vshrl.u32 v4, $0x14  }
0x1ea: {  	v5 =	vshrl.u32 v5, $0x14;
	v4 =	vand.u32 $0x3F0, v4  }
0x1eb: {  	v4 =	vor.u32 v1, v4;
	v5 =	vand.u32 $0x3F0, v5  }
0x1ec: {  	v5 =	vor.u32 v1, v5;
	_ =	sdelay $0x3  }
0x1ed: {  	v6 =	vld.idx.msk [tilespmem:v4+s16+$0x0], $0xffff  }
0x1ee: {  	v7 =	vld.idx.msk [tilespmem:v5+s17+$0x0], $0xffff;
	_ =	sdelay $0x3  }
.Ltmp22:
0x1ef: {  	(pc) =	sbr.rel @p0 .LBB2_39-.Ltmp22, $4  }
0x1f0: {  	v6 =	vadd.s32 $0x1, v6  }
0x1f1: {  	[tilespmem:v4+s16+$0x0] =	vst.idx.msk $0xffff, v6;
	v4 =	vadd.s32 $0x1, v7  }
0x1f2: {  	s1 =	sshra.s32 s0, $0x2;
	[tilespmem:v5+s17+$0x0] =	vst.idx.msk $0xffff, v4  }
0x1f3: {  	s0 =	sadd.s32 $0x40, s0;
	v4 =	vld [tilespmem:s1+$0x1000]  }
0x1f4: {  	v5 =	vld [tilespmem:s1+$0x3000];
	_ =	sdelay $0x3  }
0x1f5: {  	v4 =	vshrl.u32 v4, $0x14  }
0x1f6: {  	v5 =	vshrl.u32 v5, $0x14;
	v4 =	vand.u32 $0x3F0, v4  }
0x1f7: {  	v4 =	vor.u32 v1, v4;
	v5 =	vand.u32 $0x3F0, v5  }
0x1f8: {  	v5 =	vor.u32 v1, v5;
	_ =	sdelay $0x3  }
0x1f9: {  	v6 =	vld.idx.msk [tilespmem:v4+s16+$0x0], $0xffff  }
0x1fa: {  	v7 =	vld.idx.msk [tilespmem:v5+s17+$0x0], $0xffff;
	_ =	sdelay $0x3  }
0x1fb: {  	v6 =	vadd.s32 $0x1, v6  }
0x1fc: {  	[tilespmem:v4+s16+$0x0] =	vst.idx.msk $0xffff, v6;
	v4 =	vadd.s32 $0x1, v7  }
0x1fd: {  	s9 =	simm.s32 $0x0;
	[tilespmem:v5+s17+$0x0] =	vst.idx.msk $0xffff, v4  }
0x1fe: {  	v12 =	vld [tilespmem:s9+$0x8A00];
	_ =	sdelay $0x4  }
0x1ff: {  	(xrf0) =	vadd.scan.msk.s32 $0xffff, v12  }
0x200: {  	v13 =	vld [tilespmem:s9+$0x8200];
	_ =	sdelay $0x1  }
0x201: {  	s6 =	simm.s32 $0x10  }
0x202: {  	v7 =	vld [tilespmem:s6+$0x8A00]  }
0x203: {  	s2 =	simm.s32 $0x20;
	v6 =	vld [tilespmem:s6+$0x8200]  }
0x204: {  	v5 =	vld [tilespmem:s2+$0x8A00];
	v14, _, _ =	vpop (xrf0);
	(xrf0) =	vadd.scan.msk.s32 $0xffff, v13  }
0x205: {  	v4 =	vld [tilespmem:s2+$0x8200];
	_ =	sdelay $0x1  }
0x206: {  	(xrf0) =	vadd.scan.msk.s32 $0xffff, v7  }
0x207: {  	(xrf0) =	vadd.scan.msk.s32 $0xffff, v6  }
0x208: {  	(xrf0) =	vadd.scan.msk.s32 $0xffff, v5  }
0x209: {  	(v2sf) =	vpush v14, $0xF;
	(xrf0) =	vadd.scan.msk.s32 $0xffff, v4;
	v15, _, _ =	vpop (xrf0)  }
0x20a: {  	(v2sf) =	vpush v15, $0xF  }
0x20b: {  	v12 =	vsub.s32 s14, v12  }
0x20c: {  	v13 =	vsub.s32 s14, v13;
	v11, _, _ =	vpop (xrf0)  }
0x20d: {  	v8, _, _ =	vpop (xrf0);
	(v2sf) =	vpush v11, $0xF  }
0x20e: {  	v14 =	vadd.s32 v14, v12;
	(v2sf) =	vpush v8, $0xF;
	v12, _, _ =	vpop (xrf0)  }
0x20f: {  	v15 =	vadd.s32 v15, v13;
	v13, _, _ =	vpop (xrf0);
	(v2sf) =	vpush v12, $0xF  }
0x210: {  	(v2sf) =	vpush v13, $0xF  }
0x211: {  	s0 =	simm.s32 $0x30  }
0x212: {  	v9 =	vld [tilespmem:s0+$0x8A00]  }
0x213: {  	v10 =	vld [tilespmem:s0+$0x8200];
	_ =	sdelay $0x3  }
0x214: {  	s7 =	simm.s32 $0x40;
	[tilespmem:s9+$0x8E00] =	vst v14;
	(xrf0) =	vadd.scan.msk.s32 $0xffff, v9  }
0x215: {  	s8 =	simm.s32 $0x0;
	(xrf0) =	vadd.scan.msk.s32 $0xffff, v10;
	[tilespmem:s9+$0x8600] =	vst v15;
	s9 =	simm.s32 $0x140;
	s1 =	spop (v2sf)  }
.LBB2_41:
0x216: {  	p0 =	sne.s32 s9, $0xFC0;
	v14 =	vld [tilespmem:s7+$0x8A00];
	s14 =	sadd.s32 s14, s1;
	s1 =	spop (v2sf)  }
0x217: {  	v15 =	vld [tilespmem:s7+$0x8200];
	v16 =	vsub.s32 s14, v7;
	s8 =	sadd.s32 s8, s1;
	v7 =	vmov v5;
	v5 =	vmov v9  }
.Ltmp23:
0x218: {  	v9 =	vsub.s32 s8, v6;
	v16 =	vadd.s32 v11, v16;
	v6 =	vmovc v4;
	v4 =	vmovc v10;
	v11 =	vmov v12;
	(pc) =	sbr.rel @p0 .LBB2_41-.Ltmp23, $4  }
0x219: {  	v10 =	vadd.s32 v8, v9;
	[tilespmem:s6+$0x8E00] =	vst v16;
	v8 =	vmov v13  }
0x21a: {  	v12, _, _ =	vpop (xrf0);
	[tilespmem:s6+$0x8600] =	vst v10;
	s6 =	smov.u32 s2;
	s2 =	smov.u32 s0;
	s0 =	smov.u32 s7  }
0x21b: {  	(xrf0) =	vadd.scan.msk.s32 $0xffff, v14;
	v13, _, _ =	vpop (xrf0);
	(v2sf) =	vpush v12, $0xF;
	v9 =	vmov v14  }
0x21c: {  	s7 =	sshra.s32 s9, $0x2;
	s9 =	sadd.s32 $0x40, s9;
	(xrf0) =	vadd.scan.msk.s32 $0xffff, v15;
	(v2sf) =	vpush v13, $0xF;
	s1 =	spop (v2sf);
	v10 =	vmov v15  }
0x21d: {  	v14 =	vld [tilespmem:s7+$0x8A00]  }
0x21e: {  	v15 =	vld [tilespmem:s7+$0x8200];
	_ =	sdelay $0x3  }
0x21f: {  	(xrf0) =	vadd.scan.msk.s32 $0xffff, v14  }
0x220: {  	(xrf0) =	vadd.scan.msk.s32 $0xffff, v15  }
0x221: {  	v16, _, _ =	vpop (xrf0)  }
0x222: {  	v17, _, _ =	vpop (xrf0);
	(v2sf) =	vpush v16, $0xF  }
0x223: {  	(v2sf) =	vpush v17, $0xF;
	_ =	sdelay $0x1  }
0x224: {  	v18, _, _ =	vpop (xrf0)  }
0x225: {  	v19, _, _ =	vpop (xrf0);
	(v2sf) =	vpush v18, $0xF  }
0x226: {  	(v2sf) =	vpush v19, $0xF;
	_ =	sdelay $0x4  }
0x227: {  	s1 =	sadd.s32 s14, s1;
	s9 =	spop (v2sf)  }
0x228: {  	s8 =	sadd.s32 s8, s9;
	s14 =	spop (v2sf);
	v7 =	vsub.s32 s1, v7  }
0x229: {  	v7 =	vadd.s32 v11, v7;
	s1 =	sadd.s32 s1, s14;
	s14 =	spop (v2sf);
	v6 =	vsub.s32 s8, v6  }
0x22a: {  	v6 =	vadd.s32 v8, v6;
	[tilespmem:s6+$0x8E00] =	vst v7;
	v5 =	vsub.s32 s1, v5;
	s8 =	sadd.s32 s8, s14;
	s14 =	spop (v2sf)  }
0x22b: {  	[tilespmem:s6+$0x8600] =	vst v6;
	v4 =	vsub.s32 s8, v4;
	v5 =	vadd.s32 v12, v5;
	s1 =	sadd.s32 s1, s14;
	s14 =	spop (v2sf)  }
0x22c: {  	v4 =	vadd.s32 v13, v4;
	[tilespmem:s2+$0x8E00] =	vst v5;
	v5 =	vsub.s32 s1, v9;
	s6 =	sadd.s32 s8, s14;
	s9 =	spop (v2sf)  }
0x22d: {  	[tilespmem:s2+$0x8600] =	vst v4;
	v4 =	vsub.s32 s6, v10;
	v5 =	vadd.s32 v16, v5;
	s1 =	sadd.s32 s1, s9;
	s14 =	spop (v2sf)  }
0x22e: {  	v4 =	vadd.s32 v17, v4;
	[tilespmem:s0+$0x8E00] =	vst v5;
	v5 =	vsub.s32 s1, v14;
	s8 =	sadd.s32 s6, s14  }
0x22f: {  	[tilespmem:s0+$0x8600] =	vst v4;
	v4 =	vsub.s32 s8, v15;
	v5 =	vadd.s32 v18, v5  }
0x230: {  	v4 =	vadd.s32 v19, v4;
	[tilespmem:s7+$0x8E00] =	vst v5;
	s9 =	spop (v2sf)  }
0x231: {  	s0 =	simm.s32 $0x0;
	[tilespmem:s7+$0x8600] =	vst v4;
	s14 =	spop (v2sf)  }
.LBB2_43:
0x232: {  	s1 =	sshra.s32 s0, $0x2  }
0x233: {  	v4 =	vld [tilespmem:s1+$0x1000];
	_ =	sdelay $0x1  }
0x234: {  	v5 =	vld [tilespmem:s1+$0x3000];
	_ =	sdelay $0x2  }
0x235: {  	v6 =	vshrl.u32 v4, $0x14  }
0x236: {  	v6 =	vand.u32 $0x3F0, v6  }
0x237: {  	v7 =	vshrl.u32 v5, $0x14;
	v6 =	vor.u32 v1, v6  }
0x238: {  	v7 =	vand.u32 $0x3F0, v7  }
0x239: {  	v7 =	vor.u32 v1, v7;
	_ =	sdelay $0x2  }
0x23a: {  	v8 =	vld.idx.msk [tilespmem:v6+s18+$0x0], $0xffff;
	_ =	sdelay $0x1  }
0x23b: {  	v9 =	vld.idx.msk [tilespmem:v7+s19+$0x0], $0xffff;
	_ =	sdelay $0x2  }
0x23c: {  	v10 =	vshll.u32 v8, $0x4  }
0x23d: {  	v11 =	vshrl.u32 v8, $0x7;
	v10 =	vand.u32 $0x7F0, v10  }
0x23e: {  	v61 =	vshll.u32 v9, $0x4;
	v10 =	vadd.s32 v11, v10  }
0x23f: {  	v12 =	vld [tilespmem:s1+$0x1800];
	v13 =	vshrl.u32 v9, $0x7;
	v11 =	vand.u32 $0x7F0, v61  }
0x240: {  	v8 =	vadd.s32 $0x1, v8;
	v11 =	vadd.s32 v13, v11  }
0x241: {  	p0 =	sne.s32 s0, $0x1FC0;
	v62 =	vld [tilespmem:s1+$0x3800];
	v63 =	vadd.s32 $0x1, v9;
	[tilespmem:v6+s18+$0x0] =	vst.idx.msk $0xffff, v8  }
.Ltmp24:
0x242: {  	[tilespmem:v7+s19+$0x0] =	vst.idx.msk $0xffff, v63;
	(pc) =	sbr.rel @p0 .LBB2_43-.Ltmp24, $4  }
0x243: {  	[tilespmem:v10+s20+$0x0] =	vst.idx.msk $0xffff, v4  }
0x244: {  	[tilespmem:v10+s21+$0x0] =	vst.idx.msk $0xffff, v12  }
0x245: {  	[tilespmem:v11+s22+$0x0] =	vst.idx.msk $0xffff, v5  }
0x246: {  	s0 =	sadd.s32 $0x40, s0;
	[tilespmem:v11+s23+$0x0] =	vst.idx.msk $0xffff, v62  }
0x247: {  	p0 =	por $0x1, $0x1  }
.Ltmp25:
0x248: {  	_ = 	snop;
	(pc) =	sbr.rel @!p0 .LBB2_46-.Ltmp25, $2  }
0x249: {  	_ =	sdelay $0x2  }
0x24a: {  	s0 =	simm.s32 $0x40;
	s1 =	simm.s32 $0x0  }
.LBB2_45:
0x24b: {  	p0 =	sne.s32 s0, $0xFC0;
	[tilespmem:s1+$0x8200] =	vst v0;
	s2 =	smov.u32 s0;
	s0 =	sadd.s32 $0x40, s0  }
.Ltmp26:
0x24c: {  	[tilespmem:s1+$0x8A00] =	vst v0;
	(pc) =	sbr.rel @p0 .LBB2_45-.Ltmp26, $2  }
0x24d: {  	_ =	sdelay $0x2  }
0x24e: {  	s1 =	sshra.s32 s2, $0x2  }
.LBB2_46:
0x24f: {  	[tilespmem:s1+$0x8200] =	vst v0  }
0x250: {  	[tilespmem:s1+$0x8A00] =	vst v0;
	s1 =	simm.s32 $0x0  }
0x251: {  	s14 =	simm.s32 $0x0;
	s0 =	simm.s32 $0x40;
	v4 =	vld [tilespmem:s1+$0x2000]  }
.LBB2_47:
0x252: {  	p0 =	sne.s32 s0, $0x1FC0;
	v5 =	vld [tilespmem:s1+$0x4000];
	_ =	sdelay $0x3  }
0x253: {  	v4 =	vshrl.u32 v4, $0x1A  }
0x254: {  	v4 =	vand.u32 $0x30, v4;
	v5 =	vshrl.u32 v5, $0x1A  }
0x255: {  	v4 =	vor.u32 v1, v4;
	v5 =	vand.u32 $0x30, v5  }
0x256: {  	v5 =	vor.u32 v1, v5;
	_ =	sdelay $0x3  }
0x257: {  	v6 =	vld.idx.msk [tilespmem:v4+s16+$0x0], $0xffff  }
0x258: {  	v7 =	vld.idx.msk [tilespmem:v5+s17+$0x0], $0xffff;
	_ =	sdelay $0x3  }
.Ltmp27:
0x259: {  	(pc) =	sbr.rel @p0 .LBB2_47-.Ltmp27, $4  }
0x25a: {  	v6 =	vadd.s32 $0x1, v6  }
0x25b: {  	[tilespmem:v4+s16+$0x0] =	vst.idx.msk $0xffff, v6;
	v4 =	vadd.s32 $0x1, v7  }
0x25c: {  	s1 =	sshra.s32 s0, $0x2;
	[tilespmem:v5+s17+$0x0] =	vst.idx.msk $0xffff, v4  }
0x25d: {  	s0 =	sadd.s32 $0x40, s0;
	v4 =	vld [tilespmem:s1+$0x2000]  }
0x25e: {  	v5 =	vld [tilespmem:s1+$0x4000];
	_ =	sdelay $0x3  }
0x25f: {  	v4 =	vshrl.u32 v4, $0x1A  }
0x260: {  	v4 =	vand.u32 $0x30, v4;
	v5 =	vshrl.u32 v5, $0x1A  }
0x261: {  	v4 =	vor.u32 v1, v4;
	v5 =	vand.u32 $0x30, v5  }
0x262: {  	v5 =	vor.u32 v1, v5;
	_ =	sdelay $0x3  }
0x263: {  	v6 =	vld.idx.msk [tilespmem:v4+s16+$0x0], $0xffff  }
0x264: {  	v7 =	vld.idx.msk [tilespmem:v5+s17+$0x0], $0xffff;
	_ =	sdelay $0x3  }
0x265: {  	v6 =	vadd.s32 $0x1, v6  }
0x266: {  	[tilespmem:v4+s16+$0x0] =	vst.idx.msk $0xffff, v6;
	v4 =	vadd.s32 $0x1, v7  }
0x267: {  	s9 =	simm.s32 $0x0;
	[tilespmem:v5+s17+$0x0] =	vst.idx.msk $0xffff, v4  }
0x268: {  	v11 =	vld [tilespmem:s9+$0x8A00];
	_ =	sdelay $0x4  }
0x269: {  	(xrf0) =	vadd.scan.msk.s32 $0xffff, v11  }
0x26a: {  	v13 =	vld [tilespmem:s9+$0x8200];
	_ =	sdelay $0x1  }
0x26b: {  	s6 =	simm.s32 $0x10  }
0x26c: {  	v7 =	vld [tilespmem:s6+$0x8A00]  }
0x26d: {  	s2 =	simm.s32 $0x20;
	v6 =	vld [tilespmem:s6+$0x8200]  }
0x26e: {  	v5 =	vld [tilespmem:s2+$0x8A00];
	v14, _, _ =	vpop (xrf0);
	(xrf0) =	vadd.scan.msk.s32 $0xffff, v13  }
0x26f: {  	v4 =	vld [tilespmem:s2+$0x8200];
	_ =	sdelay $0x1  }
0x270: {  	(xrf0) =	vadd.scan.msk.s32 $0xffff, v7  }
0x271: {  	(xrf0) =	vadd.scan.msk.s32 $0xffff, v6  }
0x272: {  	(xrf0) =	vadd.scan.msk.s32 $0xffff, v5  }
0x273: {  	(v2sf) =	vpush v14, $0xF;
	(xrf0) =	vadd.scan.msk.s32 $0xffff, v4;
	v15, _, _ =	vpop (xrf0)  }
0x274: {  	(v2sf) =	vpush v15, $0xF  }
0x275: {  	v11 =	vsub.s32 s14, v11  }
0x276: {  	v13 =	vsub.s32 s14, v13;
	v12, _, _ =	vpop (xrf0)  }
0x277: {  	v8, _, _ =	vpop (xrf0);
	(v2sf) =	vpush v12, $0xF  }
0x278: {  	v14 =	vadd.s32 v14, v11;
	(v2sf) =	vpush v8, $0xF;
	v11, _, _ =	vpop (xrf0)  }
0x279: {  	v15 =	vadd.s32 v15, v13;
	v13, _, _ =	vpop (xrf0);
	(v2sf) =	vpush v11, $0xF  }
0x27a: {  	(v2sf) =	vpush v13, $0xF  }
0x27b: {  	s0 =	simm.s32 $0x30  }
0x27c: {  	v9 =	vld [tilespmem:s0+$0x8A00]  }
0x27d: {  	v10 =	vld [tilespmem:s0+$0x8200];
	_ =	sdelay $0x3  }
0x27e: {  	s7 =	simm.s32 $0x40;
	[tilespmem:s9+$0x8E00] =	vst v14;
	(xrf0) =	vadd.scan.msk.s32 $0xffff, v9  }
0x27f: {  	s8 =	simm.s32 $0x0;
	(xrf0) =	vadd.scan.msk.s32 $0xffff, v10;
	[tilespmem:s9+$0x8600] =	vst v15;
	s9 =	simm.s32 $0x140;
	s1 =	spop (v2sf)  }
.LBB2_49:
0x280: {  	p0 =	sne.s32 s9, $0xFC0;
	v14 =	vld [tilespmem:s7+$0x8A00];
	s14 =	sadd.s32 s14, s1;
	s1 =	spop (v2sf)  }
0x281: {  	v15 =	vld [tilespmem:s7+$0x8200];
	v16 =	vsub.s32 s14, v7;
	s8 =	sadd.s32 s8, s1;
	v7 =	vmov v5;
	v5 =	vmov v9  }
.Ltmp28:
0x282: {  	v9 =	vsub.s32 s8, v6;
	v16 =	vadd.s32 v12, v16;
	v6 =	vmovc v4;
	v4 =	vmovc v10;
	v12 =	vmov v11;
	(pc) =	sbr.rel @p0 .LBB2_49-.Ltmp28, $4  }
0x283: {  	v10 =	vadd.s32 v8, v9;
	[tilespmem:s6+$0x8E00] =	vst v16;
	v8 =	vmov v13  }
0x284: {  	v11, _, _ =	vpop (xrf0);
	[tilespmem:s6+$0x8600] =	vst v10;
	s6 =	smov.u32 s2;
	s2 =	smov.u32 s0;
	s0 =	smov.u32 s7  }
0x285: {  	(xrf0) =	vadd.scan.msk.s32 $0xffff, v14;
	v13, _, _ =	vpop (xrf0);
	(v2sf) =	vpush v11, $0xF;
	v9 =	vmov v14  }
0x286: {  	s7 =	sshra.s32 s9, $0x2;
	s9 =	sadd.s32 $0x40, s9;
	(xrf0) =	vadd.scan.msk.s32 $0xffff, v15;
	(v2sf) =	vpush v13, $0xF;
	s1 =	spop (v2sf);
	v10 =	vmov v15  }
0x287: {  	_ =	sdelay $0x3  }
0x288: {  	v14, _, _ =	vpop (xrf0)  }
0x289: {  	v15, _, _ =	vpop (xrf0);
	(v2sf) =	vpush v14, $0xF  }
0x28a: {  	(v2sf) =	vpush v15, $0xF;
	_ =	sdelay $0x4  }
0x28b: {  	v16 =	vld [tilespmem:s7+$0x8A00]  }
0x28c: {  	v17 =	vld [tilespmem:s7+$0x8200];
	_ =	sdelay $0x2  }
0x28d: {  	s1 =	sadd.s32 s14, s1;
	s9 =	spop (v2sf)  }
0x28e: {  	v7 =	vsub.s32 s1, v7;
	s8 =	sadd.s32 s8, s9;
	s14 =	spop (v2sf);
	(xrf0) =	vadd.scan.msk.s32 $0xffff, v16  }
0x28f: {  	v7 =	vadd.s32 v12, v7;
	v6 =	vsub.s32 s8, v6;
	s1 =	sadd.s32 s1, s14;
	s14 =	spop (v2sf);
	(xrf0) =	vadd.scan.msk.s32 $0xffff, v17  }
0x290: {  	v6 =	vadd.s32 v8, v6;
	[tilespmem:s6+$0x8E00] =	vst v7;
	v5 =	vsub.s32 s1, v5;
	s8 =	sadd.s32 s8, s14;
	s14 =	spop (v2sf)  }
0x291: {  	[tilespmem:s6+$0x8600] =	vst v6;
	v4 =	vsub.s32 s8, v4;
	v5 =	vadd.s32 v11, v5;
	s1 =	sadd.s32 s1, s14;
	s14 =	spop (v2sf)  }
0x292: {  	v4 =	vadd.s32 v13, v4;
	[tilespmem:s2+$0x8E00] =	vst v5;
	v5 =	vsub.s32 s1, v9;
	s6 =	sadd.s32 s8, s14;
	s9 =	spop (v2sf)  }
0x293: {  	[tilespmem:s2+$0x8600] =	vst v4;
	v4 =	vsub.s32 s6, v10;
	v5 =	vadd.s32 v14, v5;
	s1 =	sadd.s32 s1, s9;
	s14 =	spop (v2sf)  }
0x294: {  	v6, _, _ =	vpop (xrf0);
	v4 =	vadd.s32 v15, v4;
	[tilespmem:s0+$0x8E00] =	vst v5;
	v5 =	vsub.s32 s1, v16;
	s6 =	sadd.s32 s6, s14  }
0x295: {  	v7, _, _ =	vpop (xrf0);
	[tilespmem:s0+$0x8600] =	vst v4;
	v4 =	vsub.s32 s6, v17;
	v5 =	vadd.s32 v6, v5  }
0x296: {  	v4 =	vadd.s32 v7, v4;
	[tilespmem:s7+$0x8E00] =	vst v5  }
0x297: {  	s8 =	simm.s32 $0x0;
	[tilespmem:s7+$0x8600] =	vst v4  }
0x298: {  	v59 =	vld [tilespmem:s8+$0x2000]  }
0x299: {  	v60 =	vld [tilespmem:s8+$0x4000];
	_ =	sdelay $0x3  }
0x29a: {  	v4 =	vshrl.u32 v59, $0x1A  }
0x29b: {  	(v2sf) =	vpush v6, $0xF;
	v5 =	vshrl.u32 v60, $0x1A;
	v4 =	vand.u32 $0x30, v4  }
0x29c: {  	(v2sf) =	vpush v7, $0xF;
	v6 =	vor.u32 v1, v4;
	v4 =	vand.u32 $0x30, v5  }
0x29d: {  	v7 =	vor.u32 v1, v4;
	_ =	sdelay $0x3  }
0x29e: {  	v61 =	vld.idx.msk [tilespmem:v6+s18+$0x0], $0xffff  }
0x29f: {  	v4 =	vld.idx.msk [tilespmem:v7+s19+$0x0], $0xffff;
	_ =	sdelay $0x2  }
0x2a0: {  	v62 =	vld [tilespmem:s8+$0x2800]  }
0x2a1: {  	v63 =	vadd.s32 $0x1, v61  }
0x2a2: {  	v5 =	vld [tilespmem:s8+$0x4800];
	[tilespmem:v6+s18+$0x0] =	vst.idx.msk $0xffff, v63;
	v6 =	vadd.s32 $0x1, v4  }
0x2a3: {  	[tilespmem:v7+s19+$0x0] =	vst.idx.msk $0xffff, v6  }
0x2a4: {  	[tilespmem:v61+s24+$0x0] =	vst.idx.msk $0xffff, v59  }
0x2a5: {  	s9 =	spop (v2sf);
	[tilespmem:v61+s25+$0x0] =	vst.idx.msk $0xffff, v62  }
0x2a6: {  	s2 =	simm.s32 $0x80;
	s0 =	simm.s32 $0x40;
	s14 =	spop (v2sf);
	[tilespmem:v4+s26+$0x0] =	vst.idx.msk $0xffff, v60  }
.LBB2_51:
0x2a7: {  	p0 =	sne.s32 s2, $0x1FC0  }
0x2a8: {  	s1 =	sshra.s32 s0, $0x2;
	[tilespmem:v4+s28+$0x0] =	vst.idx.msk $0xffff, v5;
	s0 =	smov.u32 s2;
	s2 =	sadd.s32 $0x40, s2  }
0x2a9: {  	v6 =	vld [tilespmem:s1+$0x2000]  }
0x2aa: {  	v7 =	vld [tilespmem:s1+$0x4000];
	_ =	sdelay $0x3  }
0x2ab: {  	v4 =	vshrl.u32 v6, $0x1A  }
0x2ac: {  	v4 =	vand.u32 $0x30, v4;
	v5 =	vshrl.u32 v7, $0x1A  }
0x2ad: {  	v8 =	vor.u32 v1, v4;
	v4 =	vand.u32 $0x30, v5  }
0x2ae: {  	v9 =	vor.u32 v1, v4;
	_ =	sdelay $0x3  }
0x2af: {  	v10 =	vld.idx.msk [tilespmem:v8+s18+$0x0], $0xffff  }
0x2b0: {  	v4 =	vld.idx.msk [tilespmem:v9+s19+$0x0], $0xffff;
	_ =	sdelay $0x3  }
0x2b1: {  	v11 =	vld [tilespmem:s1+$0x2800]  }
0x2b2: {  	v12 =	vadd.s32 $0x1, v10;
	v5 =	vld [tilespmem:s1+$0x4800]  }
.Ltmp29:
0x2b3: {  	[tilespmem:v8+s18+$0x0] =	vst.idx.msk $0xffff, v12;
	v8 =	vadd.s32 $0x1, v4;
	(pc) =	sbr.rel @p0 .LBB2_51-.Ltmp29, $4  }
0x2b4: {  	[tilespmem:v9+s19+$0x0] =	vst.idx.msk $0xffff, v8  }
0x2b5: {  	[tilespmem:v10+s24+$0x0] =	vst.idx.msk $0xffff, v6  }
0x2b6: {  	[tilespmem:v10+s25+$0x0] =	vst.idx.msk $0xffff, v11  }
0x2b7: {  	[tilespmem:v4+s26+$0x0] =	vst.idx.msk $0xffff, v7  }
0x2b8: {  	_ =	sdelay $0x3  }
0x2b9: {  	s0 =	sshra.s32 s0, $0x2;
	[tilespmem:v4+s28+$0x0] =	vst.idx.msk $0xffff, v5  }
0x2ba: {  	v4 =	vld [tilespmem:s0+$0x2000]  }
0x2bb: {  	v5 =	vld [tilespmem:s0+$0x4000];
	_ =	sdelay $0x3  }
0x2bc: {  	v6 =	vshrl.u32 v4, $0x1A  }
0x2bd: {  	v7 =	vshrl.u32 v5, $0x1A;
	v6 =	vand.u32 $0x30, v6  }
0x2be: {  	v7 =	vand.u32 $0x30, v7;
	v6 =	vor.u32 v1, v6  }
0x2bf: {  	v7 =	vor.u32 v1, v7;
	_ =	sdelay $0x3  }
0x2c0: {  	v8 =	vld.idx.msk [tilespmem:v6+s18+$0x0], $0xffff  }
0x2c1: {  	v9 =	vld.idx.msk [tilespmem:v7+s19+$0x0], $0xffff;
	_ =	sdelay $0x2  }
0x2c2: {  	v10 =	vld [tilespmem:s0+$0x2800]  }
0x2c3: {  	v12 =	vadd.s32 $0x1, v8  }
0x2c4: {  	v11 =	vld [tilespmem:s0+$0x4800];
	[tilespmem:v6+s18+$0x0] =	vst.idx.msk $0xffff, v12;
	v6 =	vadd.s32 $0x1, v9  }
0x2c5: {  	[tilespmem:v7+s19+$0x0] =	vst.idx.msk $0xffff, v6  }
0x2c6: {  	[tilespmem:v8+s24+$0x0] =	vst.idx.msk $0xffff, v4  }
0x2c7: {  	[tilespmem:v8+s25+$0x0] =	vst.idx.msk $0xffff, v10  }
0x2c8: {  	[tilespmem:v9+s26+$0x0] =	vst.idx.msk $0xffff, v5  }
0x2c9: {  	[tilespmem:v9+s28+$0x0] =	vst.idx.msk $0xffff, v11  }
0x2ca: {  	[tilespmem:$0x6000] =	vst v2  }
0x2cb: {  	s0 =	simm.s32 $0x1;
	[tilespmem:$0x6880] =	vst v2  }
0x2cc: {  	v4 =	vld [tilespmem:s0+$0x17FF]  }
0x2cd: {  	v5 =	vld [tilespmem:s0+$0x37FF];
	_ =	sdelay $0x2  }
0x2ce: {  	v6 =	vld [tilespmem:s0+$0xFFF]  }
0x2cf: {  	(xrf2) =	vadd.scan.msk.f32 $0xffff, v4;
	v4 =	vld [tilespmem:s0+$0x2FFF]  }
0x2d0: {  	(xrf2) =	vadd.scan.msk.f32 $0xffff, v5;
	_ =	sdelay $0x2  }
0x2d1: {  	vm1 =	vgt.s32 v6, $0xFFFFFFFF  }
0x2d2: {  	v5 =	vsel vm1, $0xFFFFFFFF, v3;
	vm1 =	vgt.s32 v4, $0xFFFFFFFF  }
0x2d3: {  	v5 =	vxor.u32 v6, v5;
	v6 =	vsel vm1, $0xFFFFFFFF, v3  }
0x2d4: {  	v4 =	vxor.u32 v4, v6;
	_ =	sdelay $0x1  }
0x2d5: {  	[tilespmem:s0+$0x4FFF] =	vst v5  }
0x2d6: {  	s2 =	simm.s32 $0x11;
	s1 =	simm.f32 $0.0e+00;
	[tilespmem:s0+$0x57FF] =	vst v4;
	v4, _, _ =	vpop (xrf2)  }
0x2d7: {  	v6 =	vld [tilespmem:s2+$0x17FF];
	v8 =	vadd.f32 s1, v4;
	v7, _, _ =	vpop (xrf2)  }
0x2d8: {  	v5 =	vld [tilespmem:s2+$0xFFF];
	v7 =	vadd.f32 s1, v7  }
0x2d9: {  	s6 =	simm.s32 $0x84;
	v4 =	vld [tilespmem:s2+$0x2FFF];
	[tilespmem:s0+$0x6000] =	vst v8;
	(v2sf) =	vpush v8, $0xF  }
.LBB2_53:
0x2da: {  	p0 =	sne.s32 s6, $0x1FC4;
	v8 =	vld [tilespmem:s2+$0x37FF];
	[tilespmem:s0+$0x6880] =	vst v7;
	(v2sf) =	vpush v7, $0xF;
	s0 =	smov.u32 s2;
	_ =	sdelay $0x1  }
0x2db: {  	(xrf2) =	vadd.scan.msk.f32 $0xffff, v6  }
0x2dc: {  	vm1 =	vgt.s32 v5, $0xFFFFFFFF  }
0x2dd: {  	v6 =	vsel vm1, $0xFFFFFFFF, v3;
	vm1 =	vgt.s32 v4, $0xFFFFFFFF  }
0x2de: {  	v5 =	vxor.u32 v5, v6;
	v6 =	vsel vm1, $0xFFFFFFFF, v3;
	(xrf2) =	vadd.scan.msk.f32 $0xffff, v8  }
0x2df: {  	[tilespmem:s0+$0x4FFF] =	vst v5;
	v4 =	vxor.u32 v4, v6  }
0x2e0: {  	[tilespmem:s0+$0x57FF] =	vst v4;
	_ =	sdelay $0x4  }
0x2e1: {  	v4, _, _ =	vpop (xrf2)  }
.Ltmp30:
0x2e2: {  	(pc) =	sbr.rel @p0 .LBB2_53-.Ltmp30, $4  }
0x2e3: {  	s2 =	sshra.s32 s6, $0x2;
	s1 =	spop (v2sf)  }
0x2e4: {  	v6 =	vld [tilespmem:s2+$0x17FF];
	v8 =	vadd.f32 s1, v4;
	v4, _, _ =	vpop (xrf2);
	s1 =	spop (v2sf)  }
0x2e5: {  	v5 =	vld [tilespmem:s2+$0xFFF];
	v7 =	vadd.f32 s1, v4  }
0x2e6: {  	s6 =	sadd.s32 $0x40, s6;
	v4 =	vld [tilespmem:s2+$0x2FFF];
	[tilespmem:s0+$0x6000] =	vst v8;
	(v2sf) =	vpush v8, $0xF  }
0x2e7: {  	v8 =	vld [tilespmem:s2+$0x37FF];
	(v2sf) =	vpush v7, $0xF;
	_ =	sdelay $0x3  }
0x2e8: {  	(xrf2) =	vadd.scan.msk.f32 $0xffff, v6  }
0x2e9: {  	(xrf2) =	vadd.scan.msk.f32 $0xffff, v8;
	_ =	sdelay $0x8  }
0x2ea: {  	v6, _, _ =	vpop (xrf2);
	s1 =	spop (v2sf)  }
0x2eb: {  	v6 =	vadd.f32 s1, v6;
	v8, _, _ =	vpop (xrf2);
	s6 =	spop (v2sf)  }
0x2ec: {  	v8 =	vadd.f32 s6, v8  }
0x2ed: {  	(v2sf) =	vpush v6, $0xF  }
0x2ee: {  	(v2sf) =	vpush v8, $0xF;
	_ =	sdelay $0x4  }
0x2ef: {  	vm1 =	vgt.s32 v5, $0xFFFFFFFF  }
0x2f0: {  	v9 =	vsel vm1, $0xFFFFFFFF, v3;
	vm1 =	vgt.s32 v4, $0xFFFFFFFF  }
0x2f1: {  	[tilespmem:s0+$0x6880] =	vst v7;
	v5 =	vxor.u32 v5, v9;
	v7 =	vsel vm1, $0xFFFFFFFF, v3  }
0x2f2: {  	[tilespmem:s2+$0x4FFF] =	vst v5;
	v4 =	vxor.u32 v4, v7  }
0x2f3: {  	[tilespmem:s2+$0x57FF] =	vst v4  }
0x2f4: {  	[tilespmem:s2+$0x6000] =	vst v6  }
0x2f5: {  	[tilespmem:s2+$0x6880] =	vst v8  }
0x2f6: {  	v4 =	vld [tilespmem:$0x67F1]  }
0x2f7: {  	v5 =	vld [tilespmem:$0x7071]  }
0x2f8: {  	s7 =	spop (v2sf)  }
0x2f9: {  	s8 =	spop (v2sf)  }
0x2fa: {  	s0 =	smax.f32 s7, s8  }
0x2fb: {  	[tilespmem:$0x7100] =	vst v2;
	v4 =	vsel vm0, s0, v4  }
0x2fc: {  	[tilespmem:$0x67F1] =	vst v4;
	v4 =	vsel vm0, s0, v5  }
0x2fd: {  	s9 =	simm.s32 $0x0;
	[tilespmem:$0x7071] =	vst v4  }
0x2fe: {  	v4 =	vld [tilespmem:s9+$0x6881]  }
0x2ff: {  	v5 =	vld [tilespmem:s9+$0x6880];
	_ =	sdelay $0x1  }
0x300: {  	v6 =	vld [tilespmem:s9+$0x5800];
	_ =	sdelay $0x2  }
0x301: {  	v4 =	vsub.f32 v4, v5;
	_ =	sdelay $0x1  }
0x302: {  	v4 =	vmul.f32 v4, v6;
	_ =	sdelay $0x1  }
0x303: {  	(xrf2) =	vadd.scan.msk.f32 $0xffff, v4;
	_ =	sdelay $0x3  }
0x304: {  	s0 =	simm.s32 $0x10  }
0x305: {  	v5 =	vld [tilespmem:s0+$0x6880]  }
0x306: {  	v4 =	vld [tilespmem:s0+$0x6881];
	_ =	sdelay $0x3  }
0x307: {  	s14 =	simm.f32 $0.0e+00;
	v7, _, _ =	vpop (xrf2)  }
0x308: {  	v6 =	vld [tilespmem:s0+$0x5800];
	v4 =	vsub.f32 v4, v5;
	v5 =	vadd.f32 s14, v7;
	_ =	sdelay $0x1  }
0x309: {  	(v2sf) =	vpush v5, $0xF;
	_ =	sdelay $0x2  }
0x30a: {  	v4 =	vmul.f32 v4, v6;
	_ =	sdelay $0x1  }
0x30b: {  	(xrf2) =	vadd.scan.msk.f32 $0xffff, v4;
	_ =	sdelay $0x6  }
0x30c: {  	s2 =	simm.s32 $0x20;
	[tilespmem:s9+$0x7101] =	vst v5  }
0x30d: {  	s6 =	simm.s32 $0xC0;
	v4 =	vld [tilespmem:s2+$0x6881]  }
.LBB2_55:
0x30e: {  	p0 =	sne.s32 s6, $0x1FC0;
	v5 =	vld [tilespmem:s2+$0x6880]  }
0x30f: {  	v6, _, _ =	vpop (xrf2);
	s1 =	spop (v2sf)  }
0x310: {  	v7 =	vld [tilespmem:s2+$0x5800];
	v6 =	vadd.f32 s1, v6;
	_ =	sdelay $0x1  }
0x311: {  	[tilespmem:s0+$0x7101] =	vst v6;
	(v2sf) =	vpush v6, $0xF;
	s0 =	smov.u32 s2  }
0x312: {  	v4 =	vsub.f32 v4, v5;
	_ =	sdelay $0x1  }
0x313: {  	v4 =	vmul.f32 v4, v7;
	_ =	sdelay $0x1  }
0x314: {  	(xrf2) =	vadd.scan.msk.f32 $0xffff, v4;
	_ =	sdelay $0x3  }
.Ltmp31:
0x315: {  	(pc) =	sbr.rel @p0 .LBB2_55-.Ltmp31, $3  }
0x316: {  	_ =	sdelay $0x1  }
0x317: {  	s2 =	sshra.s32 s6, $0x2  }
0x318: {  	s6 =	sadd.s32 $0x40, s6;
	v4 =	vld [tilespmem:s2+$0x6881]  }
0x319: {  	v5 =	vld [tilespmem:s2+$0x6880]  }
0x31a: {  	v6, _, _ =	vpop (xrf2);
	s1 =	spop (v2sf)  }
0x31b: {  	v7 =	vld [tilespmem:s2+$0x5800];
	v6 =	vadd.f32 s1, v6;
	_ =	sdelay $0x1  }
0x31c: {  	(v2sf) =	vpush v6, $0xF  }
0x31d: {  	v4 =	vsub.f32 v4, v5;
	_ =	sdelay $0x1  }
0x31e: {  	v4 =	vmul.f32 v4, v7;
	_ =	sdelay $0x1  }
0x31f: {  	(xrf2) =	vadd.scan.msk.f32 $0xffff, v4;
	_ =	sdelay $0x9  }
0x320: {  	v4, _, _ =	vpop (xrf2);
	s9 =	spop (v2sf)  }
0x321: {  	v4 =	vadd.f32 s9, v4;
	_ =	sdelay $0x1  }
0x322: {  	(v2sf) =	vpush v4, $0xF;
	_ =	sdelay $0xc  }
0x323: {  	[tilespmem:s0+$0x7101] =	vst v6  }
0x324: {  	[tilespmem:s2+$0x7101] =	vst v4  }
0x325: {  	s0 =	simm.s32 $0x0;
	[tilespmem:$0x7980] =	vst v2;
	s14 =	spop (v2sf)  }
.LBB2_57:
0x326: {  	v6 =	vimm.s32 $0x0;
	v7 =	vimm.s32 $0x800  }
0x327: {  	v4 =	vadd.s32 v6, v7  }
0x328: {  	v8 =	vshrl.u32 v4, $0x1  }
0x329: {  	v10 =	vadd.s32 $0x1, v8;
	_ =	sdelay $0x1  }
0x32a: {  	s1 =	sshll.u32 s0, $0x5  }
0x32b: {  	v5 =	vld [tilespmem:s1+$0x6011]  }
0x32c: {  	v4 =	vld [tilespmem:s1+$0x6001]  }
0x32d: {  	v9 =	vld.idx.msk [tilespmem:v10+s29+$0x0], $0xffff  }
0x32e: {  	v14 =	vld.idx.msk [tilespmem:v10+s29+$0x0], $0xffff;
	_ =	sdelay $0x3  }
0x32f: {  	s7 =	simm.s32 $0xB;
	v11 =	vimm.s32 $0x800;
	s6 =	sor.u32 $0x1, s1;
	s2 =	sor.u32 $0x11, s1;
	v13 =	vmovc v8;
	v12 =	vmovc v10;
	vm1 =	vlt.f32 v9, v4;
	v9 =	vimm.s32 $0x0  }
.LBB2_58:
0x330: {  	p0 =	sne.s32 s7, $0x1;
	s7 =	sadd.s32 $0xFFFFFFFF, s7;
	vm2 =	vlt.f32 v14, v5;
	v6 =	vsel vm1, v10, v6;
	v7 =	vsel vm1, v7, v8  }
0x331: {  	v8 =	vadd.s32 v6, v7;
	v9 =	vsel vm2, v12, v9;
	v11 =	vsel vm2, v11, v13  }
0x332: {  	v8 =	vshrl.u32 v8, $0x1;
	v10 =	vadd.s32 v9, v11  }
0x333: {  	v13 =	vshrl.u32 v10, $0x1;
	v10 =	vadd.s32 $0x1, v8  }
0x334: {  	v12 =	vadd.s32 $0x1, v13;
	_ =	sdelay $0x3  }
0x335: {  	v15 =	vld.idx.msk [tilespmem:v10+s29+$0x0], $0xffff  }
0x336: {  	v14 =	vld.idx.msk [tilespmem:v12+s29+$0x0], $0xffff  }
.Ltmp32:
0x337: {  	(pc) =	sbr.rel @p0 .LBB2_58-.Ltmp32, $2  }
0x338: {  	_ =	sdelay $0x2  }
0x339: {  	vm1 =	vlt.f32 v15, v4  }
0x33a: {  	vm2 =	vlt.f32 v14, v5;
	v6 =	vsel vm1, v10, v6  }
0x33b: {  	v7 =	vsel vm2, v12, v9;
	vm1 =	vlt.s32 v6, $0x7FF  }
0x33c: {  	v6 =	vnsel vm1, $0x7FF, v6;
	vm1 =	vlt.s32 v7, $0x7FF  }
0x33d: {  	v7 =	vnsel vm1, $0x7FF, v7;
	_ =	sdelay $0x3  }
0x33e: {  	v8 =	vld.idx.msk [tilespmem:v6+s29+$0x0], $0xffff  }
0x33f: {  	v62 =	vld.idx.msk [tilespmem:v7+s29+$0x0], $0xffff  }
0x340: {  	v63 =	vld.idx.msk [tilespmem:v6+s31+$0x0], $0xffff  }
0x341: {  	v11 =	vld.idx.msk [tilespmem:v7+s31+$0x0], $0xffff  }
0x342: {  	v6 =	vld.idx.msk [tilespmem:v6+s30+$0x0], $0xffff  }
0x343: {  	v7 =	vld.idx.msk [tilespmem:v7+s30+$0x0], $0xffff;
	v4 =	vsub.f32 v4, v8  }
0x344: {  	s0 =	sadd.s32 $0x1, s0;
	v5 =	vsub.f32 v5, v62  }
0x345: {  	p0 =	sne.s32 s0, $0x40;
	v4 =	vmul.f32 v63, v4  }
.Ltmp33:
0x346: {  	v5 =	vmul.f32 v11, v5;
	(pc) =	sbr.rel @p0 .LBB2_57-.Ltmp33, $4  }
0x347: {  	v4 =	vadd.f32 v4, v6  }
0x348: {  	v5 =	vadd.f32 v5, v7  }
0x349: {  	[tilespmem:s6+$0x7980] =	vst v4  }
0x34a: {  	[tilespmem:s2+$0x7980] =	vst v5  }
0x34b: {  	s1 =	simm.s32 $0x0  }
0x34c: {  	v6 =	vld [tilespmem:s1+$0x7981]  }
0x34d: {  	v14 =	vld [tilespmem:s1+$0x5800]  }
0x34e: {  	v8 =	vld [tilespmem:s1+$0x5000]  }
0x34f: {  	v4 =	vld [tilespmem:s1+$0x6001]  }
0x350: {  	v9 =	vld [tilespmem:s1+$0x6000]  }
0x351: {  	v12 =	vld [tilespmem:s1+$0x6881]  }
0x352: {  	v13 =	vld [tilespmem:s1+$0x6880]  }
0x353: {  	s0 =	simm.s32 $0x10;
	v10 =	vld [tilespmem:s1+$0x7980]  }
0x354: {  	v5 =	vld [tilespmem:s0+$0x7981]  }
0x355: {  	v7 =	vld [tilespmem:s0+$0x5800];
	v15 =	vsub.f32 v4, v9;
	v16 =	vmul.f32 v8, v8  }
0x356: {  	v11 =	vimm.f32 $0.0e+00;
	v4 =	vld [tilespmem:s0+$0x5000]  }
0x357: {  	s2 =	simm.s32 $0x80;
	v9 =	vld [tilespmem:s0+$0x6001];
	v12 =	vsub.f32 v12, v13;
	v14 =	vmul.f32 v14, v14;
	v13 =	vmul.f32 v15, v16  }
.LBB2_61:
0x358: {  	p0 =	sne.s32 s2, $0x1FC0;
	v15 =	vld [tilespmem:s0+$0x6000];
	v16 =	vsub.f32 v6, v10  }
0x359: {  	v18 =	vadd.f32 v8, v8;
	v17 =	vld [tilespmem:s0+$0x6881];
	v11 =	vadd.f32 v13, v11;
	v12 =	vmul.f32 v12, v14;
	v6 =	vmovc v5  }
0x35a: {  	v13 =	vld [tilespmem:s0+$0x6880];
	v14 =	vmov v7  }
.Ltmp34:
0x35b: {  	v10 =	vld [tilespmem:s0+$0x7980];
	s0 =	sshra.s32 s2, $0x2;
	v11 =	vadd.f32 v12, v11;
	v12 =	vmul.f32 v16, v18;
	v8 =	vmov v4;
	(pc) =	sbr.rel @p0 .LBB2_61-.Ltmp34, $4  }
0x35c: {  	v5 =	vld [tilespmem:s0+$0x7981]  }
0x35d: {  	v16 =	vmul.f32 v4, v8;
	v7 =	vld [tilespmem:s0+$0x5800];
	v15 =	vsub.f32 v9, v15;
	v11 =	vsub.f32 v11, v12  }
0x35e: {  	v4 =	vld [tilespmem:s0+$0x5000]  }
0x35f: {  	s2 =	sadd.s32 $0x40, s2;
	v14 =	vmul.f32 v14, v14;
	v9 =	vld [tilespmem:s0+$0x6001];
	v12 =	vsub.f32 v17, v13;
	v13 =	vmul.f32 v15, v16  }
0x360: {  	v15 =	vld [tilespmem:s0+$0x6000]  }
0x361: {  	v59 =	vld [tilespmem:s0+$0x6881]  }
0x362: {  	v6 =	vsub.f32 v6, v10;
	v8 =	vadd.f32 v8, v8;
	v60 =	vld [tilespmem:s0+$0x6880]  }
0x363: {  	v11 =	vadd.f32 v13, v11;
	v12 =	vmul.f32 v12, v14  }
0x364: {  	v61 =	vld [tilespmem:s0+$0x7980];
	v6 =	vmul.f32 v6, v8  }
0x365: {  	v11 =	vadd.f32 v12, v11;
	v63 =	vmul.f32 v4, v4;
	v62 =	vsub.f32 v9, v15  }
0x366: {  	v7 =	vmul.f32 v7, v7  }
0x367: {  	v6 =	vsub.f32 v11, v6;
	v10 =	vsub.f32 v59, v60;
	v8 =	vmul.f32 v62, v63  }
0x368: {  	v4 =	vadd.f32 v4, v4  }
0x369: {  	s14 =	sshll.u32 s12, $0x4;
	s12 =	sadd.s32 $0x1, s12;
	v5 =	vsub.f32 v5, v61;
	v7 =	vmul.f32 v10, v7;
	v6 =	vadd.f32 v8, v6  }
0x36a: {  	p0 =	sne.s32 s12, $0x32  }
.Ltmp35:
0x36b: {  	v4 =	vmul.f32 v5, v4;
	v6 =	vadd.f32 v7, v6;
	(pc) =	sbr.rel @p0 .LBB2_2-.Ltmp35, $4  }
0x36c: {  	_ = 	snop  }
0x36d: {  	v4 =	vsub.f32 v6, v4  }
0x36e: {  	s0 =	sand.u32 $0x3FFFFFF0, s14  }
0x36f: {  	[tilespmem:s0+$0xA200] =	vst v4  }
0x370: {  	s0 =	simm.s32 $0x0;
	s1 =	rddreg [dreg:$0x4];
	s2 =	simm.s32 $0xA200  }
0x371: {  	[hbm4b:s1+s0] =	stream.linear.scatter [tilespmem:s2], [sflag:$0x1], $0x320, $0x38;
	[tilespmem:$0xA580] =	vst v63  }
0x372: {  	_ =	swait.ge [sflag:s13], $0x320  }
0x373: {  	s12 =	rddreg [dreg:$0x6]  }
0x374: {  	s14 =	rddreg [dreg:$0x5];
	s1 =	sadd.s32 $0x1, s12  }
0x375: {  	p0 =	sne.s32 s1, s14  }
.Ltmp36:
0x376: {  	_ = 	snop;
	(pc) =	sbr.rel @p0 .LBB2_1-.Ltmp36, $3  }
0x377: {  	_ =	sdelay $0x1  }
0x378: {  	[sflag:s13] =	ssyncset.done $0x0  }
0x379: {  	[sflag:s13] =	ssyncadd.s32 $0xFFFFFCE0  }
0x37a: {  	_ =	sfence.sel $0x180000  }
0x37b: {  	[bflag:$0x0] =	sbarrier.arrive $0xFFFF  }
0x37c: {  	_ =	strace $0x90000047  }
0x37d: {  	s0 =	stileid.u32;
	[bflag:$0x2] =	sbarrier.arrive $0xFFFF  }
0x37e: {  	p0 =	sne.s32 s0, $0x0;
	s0 =	rddreg [dreg:$0x1]  }
0x37f: {  	s0 =	sadd.s32 @!p0 $0x100000, s0  }
0x380: {  	[sflag:s0] =	ssyncadd.tile.s32 @!p0 $0x1;
	_ =	shalt  }
.Lfunc_end2:
_tile_overlayer_lowered:
.L_overlay_start_2:
0x381: {  	(tag) =	ssettag $0x2  }
0x382: {  	s0 =	rddreg [dreg:$0x0];
	s2 =	stileid.u32  }
0x383: {  	s1 =	rddreg [dreg:$0x1];
	p0 =	sne.s32 s2, $0x0  }
0x384: {  	s3 =	rddreg [dreg:$0x2];
	[bflag:$0x3] =	sbarrier.arrive $0xFFFF;
	s2 =	simm.s32 @!p0 $0x1C01  }
0x385: {  	[timem:s3], [sflag:s2] =	dma.local @!p0 [hbm:s0], s1  }
0x386: {  	s0 =	simm.s32 @!p0 $0x1  }
0x387: {  	_ =	swait.ge @!p0 [sflag:s0], s1  }
0x388: {  	s1 =	ssub.s32 @!p0 $0x0, s1;
	[sflag:s0] =	ssyncset.done @!p0 $0x0  }
0x389: {  	[sflag:s0] =	ssyncadd.s32 @!p0 s1  }
0x38a: {  	[bflag:$0x3] =	sbarrier.arrive $0xFFFF  }
0x38b: {  	_ =	shalt  }

</sc_bundles>
